<compile_context>
chip_gen: v7x
topology: tpu7x:2x2x1
jax: 0.10.2.dev20260603
libtpu: 0.0.44.dev20260713+nightly
codegen_flags: <defaults>
</compile_context>

<pallas_src>
import functools
import numpy as np
import jax
import jax.numpy as jnp
from jax import lax
from jax.experimental import pallas as pl
from jax.experimental.pallas import tpu as pltpu
from jax.experimental.pallas import tpu_sc as plsc

_FST = (1.0, 1.0, 1.0)
_LN2 = 0.6931471805599453
_BSC = 128


def _tree(vals, op):
    vals = list(vals)
    while len(vals) > 1:
        nxt = []
        for i in range(0, len(vals) - 1, 2):
            nxt.append(op(vals[i], vals[i + 1]))
        if len(vals) % 2:
            nxt.append(vals[-1])
        vals = nxt
    return vals[0]


def _log_f32(T):
    bits = lax.bitcast_convert_type(T, jnp.int32)
    e = lax.shift_right_arithmetic(bits, 23) - 127
    m = lax.bitcast_convert_type(
        lax.bitwise_or(lax.bitwise_and(bits, 0x7FFFFF), 0x3F800000),
        jnp.float32)
    big = m > 1.4142135
    m = jnp.where(big, m * 0.5, m)
    ef = e.astype(jnp.float32) + jnp.where(big, 1.0, 0.0)
    z = (m - 1.0) / (m + 1.0)
    w = z * z
    p = 2.0 + w * (0.6666666 + w * (0.4 + w * 0.2857143))
    return ef * _LN2 + z * p


def _elem_loss(ld, t):
    Cm = [[None] * 4 for _ in range(4)]
    Dm = [[None] * 4 for _ in range(4)]
    S0 = None
    kept = {}
    for a in range(4):
        for d in range(4):
            vals = [ld(1 + 16 * a + 4 * d + m) for m in range(4)]
            Cm[a][d] = (vals[0] + vals[1]) + (vals[2] + vals[3])
            for m in range(4):
                ch = 1 + 16 * a + 4 * d + m
                Dm[d][m] = vals[m] if a == 0 else Dm[d][m] + vals[m]
                if ch <= 5:
                    kept[ch] = vals[m]
                else:
                    e = jnp.exp(vals[m])
                    S0 = e if S0 is None else S0 + e
    x65 = ld(65)
    S0 = S0 + jnp.exp(x65)

    G1 = [_tree([Cm[v][d] for d in range(4)], lax.add) for v in range(4)]
    G2 = [_tree([Cm[a][v] for a in range(4)], lax.add) for v in range(4)]
    G3 = [_tree([Dm[d][v] for d in range(4)], lax.add) for v in range(4)]

    x0 = ld(0)
    x = {0: x0, 65: x65}
    x.update(kept)
    A0 = x[0] + x[0]
    A5 = x[5] + x[65]
    u = t - 1
    d1 = lax.shift_right_arithmetic(u, 4)
    d2 = lax.bitwise_and(lax.shift_right_arithmetic(u, 2), 3)
    d3 = lax.bitwise_and(u, 3)
    is_pad = t == 0
    is_gap = t == 65

    total = None
    for p, G, d in ((0, G1, d1), (1, G2, d2), (2, G3, d3)):
        A = [A0, x[1] + G[0], x[2] + G[1], x[3] + G[2], x[4] + G[3], A5]
        Tp = S0 + _tree([jnp.exp(A[m]) for m in range(6)], lax.add)
        bt = jnp.where(is_pad, 0, jnp.where(is_gap, 5, d + 1))
        picked = _tree([jnp.where(bt == m, A[m], 0.0) for m in range(6)],
                       lax.add)
        elem = (_log_f32(Tp) - picked) * _FST[p]
        total = elem if total is None else total + elem
    return total


def _sc_part(x, t32, bsc):
    B, C, L = x.shape
    NC, NS = 2, 16
    NW = NC * NS
    BPW = bsc // NW
    LC = 512
    NCH = L // LC
    NCHUNK = BPW * NCH
    NPAIR = NCHUNK // 2
    mesh = plsc.VectorSubcoreMesh(core_axis_name="c", subcore_axis_name="s")

    @functools.partial(
        pl.kernel,
        mesh=mesh,
        out_type=jax.ShapeDtypeStruct((NW, 16), jnp.float32),
        scratch_types=[
            pltpu.VMEM((2, C, LC), jnp.float32),
            pltpu.VMEM((2, LC), jnp.int32),
            pltpu.VMEM((16,), jnp.float32),
            pltpu.SemaphoreType.DMA,
            pltpu.SemaphoreType.DMA,
            pltpu.SemaphoreType.DMA,
            pltpu.SemaphoreType.DMA,
        ],
        compiler_params=pltpu.CompilerParams(use_tc_tiling_on_sc=True),
    )
    def run(x_hbm, t_hbm, out_hbm, xv, tv, acc, sx0, sx1, st0, st1):
        wid = lax.axis_index("s") * NC + lax.axis_index("c")
        acc[...] = jnp.zeros((16,), jnp.float32)
        sx = (sx0, sx1)
        st = (st0, st1)

        def start(i, k):
            b = wid * BPW + lax.shift_right_arithmetic(i, 2)
            l0 = lax.bitwise_and(i, NCH - 1) * LC
            pltpu.async_copy(x_hbm.at[b, :, pl.ds(l0, LC)], xv.at[k], sx[k])
            pltpu.async_copy(t_hbm.at[b, pl.ds(l0, LC)], tv.at[k], st[k])

        def wait(k):
            pltpu.make_async_copy(
                x_hbm.at[0, :, pl.ds(0, LC)], xv.at[k], sx[k]).wait()
            pltpu.make_async_copy(
                t_hbm.at[0, pl.ds(0, LC)], tv.at[k], st[k]).wait()

        def compute(k):
            def group_body(g, c2):
                base = g * 16
                tvec = tv[k, pl.ds(base, 16)]
                ld = lambda c: xv[k, c, pl.ds(base, 16)]
                acc[...] = acc[...] + _elem_loss(ld, tvec)
                return c2

            lax.fori_loop(0, LC // 16, group_body, 0)

        start(0, 0)

        def outer(j, carry):
            start(2 * j + 1, 1)
            wait(0)
            compute(0)

            @pl.when(j < NPAIR - 1)
            def _():
                start(2 * j + 2, 0)

            wait(1)
            compute(1)
            return carry

        lax.fori_loop(0, NPAIR, outer, 0)
        pltpu.sync_copy(acc, out_hbm.at[wid])

    return run(x, t32)


def _base_index(pos: int) -> np.ndarray:
    idx = np.zeros(66, np.int32)
    for k in range(64):
        bases = (k // 16, (k // 4) % 4, k % 4)
        idx[k + 1] = bases[pos - 1] + 1
    idx[65] = 5
    return idx


def _w_matrix() -> np.ndarray:
    W = np.zeros((24, 66), np.float32)
    for p in range(3):
        bidx = _base_index(p + 1)
        for c in range(6):
            W[8 * p + c, c] += 1.0
        for j in range(66):
            W[8 * p + int(bidx[j]), j] += 1.0
    return W


def _tc_body(x_ref, t_ref, w_ref, o_ref):
    b = pl.program_id(0)
    x = x_ref[0]
    t = t_ref[0]
    W = w_ref[...]

    A = jnp.dot(W, x, preferred_element_type=jnp.float32)
    S0 = jnp.sum(jnp.exp(x[6:66]), axis=0, keepdims=True)

    u = t - 1
    total = jnp.zeros_like(S0)
    for p in range(3):
        Ap = A[8 * p:8 * p + 6]
        Tp = S0 + jnp.sum(jnp.exp(Ap), axis=0, keepdims=True)
        if p == 0:
            d = u // 16
        elif p == 1:
            d = (u // 4) % 4
        else:
            d = u % 4
        bt = jnp.where(t == 0, 0, jnp.where(t == 65, 5, d + 1))
        picked = jnp.zeros_like(S0)
        for m in range(6):
            picked += jnp.where(bt == m, Ap[m:m + 1], 0.0)
        total += (jnp.log(Tp) - picked) * _FST[p]

    @pl.when(b == 0)
    def _init():
        o_ref[0, 0] = 0.0

    o_ref[0, 0] += jnp.sum(total)


def _tc_part(x, t32, b0):
    B, C, L = x.shape
    t3 = t32.reshape(B, 1, L)
    W = jnp.asarray(_w_matrix())
    return pl.pallas_call(
        _tc_body,
        grid=(B - b0,),
        in_specs=[
            pl.BlockSpec((1, C, L), lambda b: (b0 + b, 0, 0)),
            pl.BlockSpec((1, 1, L), lambda b: (b0 + b, 0, 0)),
            pl.BlockSpec((24, 66), lambda b: (0, 0)),
        ],
        out_specs=pl.BlockSpec(memory_space=pltpu.SMEM),
        out_shape=jax.ShapeDtypeStruct((1, 1), jnp.float32),
        compiler_params=pltpu.CompilerParams(
            dimension_semantics=("arbitrary",)),
    )(x, t3, W)


def kernel(input, target):
    B, C, L = input.shape
    t32 = target.astype(jnp.int32)
    sc_out = _sc_part(input, t32, _BSC)
    tc_out = _tc_part(input, t32, _BSC)
    return (jnp.sum(sc_out) + tc_out[0, 0]) / jnp.float32(B * L)

# --- scband reference (transcript-rebuilt; emitter-appended) ---
"""Pipeline reference for scband-three-base-loss-21638045237777 (READ-ONLY COPY).

The authoritative reference and input builder live on the scoring server;
editing this copy changes nothing except your own understanding.
"""

import jax, jax.numpy as jnp
import numpy as np

FST = (1.0, 1.0, 1.0)

def to_PAD_BASE_GAP_INDEX(position):
    # Maps codon-class index -> base-class index (pad,a,c,g,t,gap) at the given codon position (1..3).
    # Layout: 0 = pad, 1..64 = codons (base-4 encoded), 65 = gap.
    idx = np.zeros(66, dtype=np.int64)
    for k in range(64):
        bases = (k // 16, (k // 4) % 4, k % 4)
        idx[k + 1] = bases[position - 1] + 1
    idx[65] = 5
    return idx

def setup_inputs(seed: int = 0):
    key = jax.random.key(seed)
    k1, k2 = jax.random.split(key)
    B, C, L = 256, 66, 2048
    inp = jax.random.normal(k1, (B, C, L), dtype=jnp.float32)
    target = jax.random.randint(k2, (B, L), 0, 66).astype(jnp.int64)
    return {"input": inp, "target": target}

def reference(input, target):
    loss = jnp.float32(0.0)
    for i in range(3):
        pos = i + 1
        bidx = jnp.asarray(to_PAD_BASE_GAP_INDEX(pos))
        # torch: codon_prob.index_add(1, base_index, codon_prob, alpha=1)
        # out-of-place: result = input with input[:, j, :] added at channel base_index[j]
        base_prob = input.at[:, bidx, :].add(input)
        # torch: to_base -> lookup table indexed by target codon ids
        base_target = bidx[target]
        # F.cross_entropy over class dim=1, mean reduction over all B*L elements
        logp = jax.nn.log_softmax(base_prob, axis=1)
        nll = -jnp.take_along_axis(logp, base_target[:, None, :], axis=1)[:, 0, :]
        loss = loss + nll.mean() * FST[i]
    return loss

if __name__ == "__main__":
    import jax
    _d = setup_inputs()
    print(jax.jit(kernel)(*tuple(_d.values())))

</pallas_src>

<mosaic_0001>
#map = affine_map<(d0, d1) -> (0, 0, 0)>
#map1 = affine_map<(d0, d1) -> (0, 0)>
module attributes {stable_mosaic.version = 14 : i64} {
  func.func @run(%arg0: i32, %arg1: i32, %arg2: memref<256x66x2048xf32, #tpu.memory_space<hbm>>, %arg3: memref<256x2048xi32, #tpu.memory_space<hbm>>, %arg4: memref<32x16xf32, #tpu.memory_space<hbm>>, %arg5: memref<2x66x512xf32, #tpu.memory_space<vmem>>, %arg6: memref<2x512xi32, #tpu.memory_space<vmem>>, %arg7: memref<16xf32, #tpu.memory_space<vmem>>, %arg8: memref<!tpu.dma_semaphore, #tpu.memory_space<semaphore_mem>>, %arg9: memref<!tpu.dma_semaphore, #tpu.memory_space<semaphore_mem>>, %arg10: memref<!tpu.dma_semaphore, #tpu.memory_space<semaphore_mem>>, %arg11: memref<!tpu.dma_semaphore, #tpu.memory_space<semaphore_mem>>) attributes {dimension_semantics = [#tpu.dimension_semantics<core_parallel>, #tpu.dimension_semantics<subcore_parallel>], iteration_bounds = array<i64: 2, 16>, scalar_prefetch = 0 : i64, scratch_operands = 7 : i64, tpu.core_type = #tpu.core_type<sc_vector_subcore>, window_params = [{transform_indices = #map}, {transform_indices = #map1}, {transform_indices = #map1}]} {
    %mul3A = arith.constant 2 : i32
    %mul3A_0 = arith.muli %arg1, %mul3A : i32
    %add3A = arith.addi %mul3A_0, %arg0 : i32
    %broadcast_in_dim3A = arith.constant 0.000000e+00 : f32
    %broadcast_in_dim3A_1 = vector.broadcast %broadcast_in_dim3A : f32 to vector<16xf32>
    %swap3A = arith.constant 0 : index
    %swap3A_2 = tpu.vector_load %arg7[%swap3A] {strides = array<i32>} : memref<16xf32, #tpu.memory_space<vmem>>, vector<16xf32>,
    %swap3A_3 = vector.shape_cast %swap3A_2 : vector<16xf32> to vector<16xf32>
    %swap3A_4 = vector.shape_cast %broadcast_in_dim3A_1 : vector<16xf32> to vector<16xf32>
    tpu.vector_store %arg7[%swap3A], %swap3A_4 {strides = array<i32>} : memref<16xf32, #tpu.memory_space<vmem>>, vector<16xf32>,
    %mul3A_5 = arith.constant 4 : i32
    %mul3A_6 = arith.muli %add3A, %mul3A_5 : i32
    %shift_right_arithmetic3A = arith.constant 0 : i32
    %shift_right_arithmetic3A_7 = arith.constant 2 : i32
    %shift_right_arithmetic3A_8 = arith.shrsi %shift_right_arithmetic3A, %shift_right_arithmetic3A_7 : i32
    %add3A_9 = arith.addi %mul3A_6, %shift_right_arithmetic3A_8 : i32
    %and3A = arith.constant 0 : i32
    %and3A_10 = arith.constant 3 : i32
    %and3A_11 = arith.andi %and3A, %and3A_10 : i32
    %mul3A_12 = arith.constant 512 : i32
    %mul3A_13 = arith.muli %and3A_11, %mul3A_12 : i32
    %dma_start3A = arith.constant 0 : i32
    %dma_start3A_14 = arith.constant 0 : i32
    %dma_start3A_15 = arith.constant 0 : i32
    %dma_start3A_16 = tpu.memref_slice %arg5[%dma_start3A, %dma_start3A_14, %dma_start3A_15] : memref<2x66x512xf32, #tpu.memory_space<vmem>> -> memref<1x66x512xf32, #tpu.memory_space<vmem>>
    %dma_start3A_17 = tpu.memref_squeeze %dma_start3A_16 : memref<1x66x512xf32, #tpu.memory_space<vmem>> -> memref<66x512xf32, #tpu.memory_space<vmem>>
    %dma_start3A_18 = arith.constant 0 : i32
    %dma_start3A_19 = tpu.memref_slice %arg2[%add3A_9, %dma_start3A_18, %mul3A_13] : memref<256x66x2048xf32, #tpu.memory_space<hbm>> -> memref<1x66x512xf32, #tpu.memory_space<hbm>>
    %dma_start3A_20 = tpu.memref_squeeze %dma_start3A_19 : memref<1x66x512xf32, #tpu.memory_space<hbm>> -> memref<66x512xf32, #tpu.memory_space<hbm>>
    %dma_start3A_21 = arith.constant 0 : i32
    %dma_start3A_22 = arith.constant 0 : i32
    %dma_start3A_23 = tpu.memref_slice %arg5[%dma_start3A, %dma_start3A_21, %dma_start3A_22] : memref<2x66x512xf32, #tpu.memory_space<vmem>> -> memref<1x66x512xf32, #tpu.memory_space<vmem>>
    %dma_start3A_24 = tpu.memref_squeeze %dma_start3A_23 : memref<1x66x512xf32, #tpu.memory_space<vmem>> -> memref<66x512xf32, #tpu.memory_space<vmem>>
    %dma_start3A_25 = arith.constant 0 : i32
    %dma_start3A_26 = tpu.memref_slice %arg2[%add3A_9, %dma_start3A_25, %mul3A_13] : memref<256x66x2048xf32, #tpu.memory_space<hbm>> -> memref<1x66x512xf32, #tpu.memory_space<hbm>>
    %dma_start3A_27 = tpu.memref_squeeze %dma_start3A_26 : memref<1x66x512xf32, #tpu.memory_space<hbm>> -> memref<66x512xf32, #tpu.memory_space<hbm>>
    tpu.enqueue_dma source(%dma_start3A_27 : memref<66x512xf32, #tpu.memory_space<hbm>>) target(%dma_start3A_24 : memref<66x512xf32, #tpu.memory_space<vmem>>) target_semaphore(%arg8 : memref<!tpu.dma_semaphore, #tpu.memory_space<semaphore_mem>>)
    %dma_start3A_28 = arith.constant 0 : i32
    %dma_start3A_29 = arith.constant 0 : i32
    %dma_start3A_30 = tpu.memref_slice %arg6[%dma_start3A_28, %dma_start3A_29] : memref<2x512xi32, #tpu.memory_space<vmem>> -> memref<1x512xi32, #tpu.memory_space<vmem>>
    %dma_start3A_31 = tpu.memref_squeeze %dma_start3A_30 : memref<1x512xi32, #tpu.memory_space<vmem>> -> memref<512xi32, #tpu.memory_space<vmem>>
    %dma_start3A_32 = tpu.memref_slice %arg3[%add3A_9, %mul3A_13] : memref<256x2048xi32, #tpu.memory_space<hbm>> -> memref<1x512xi32, #tpu.memory_space<hbm>>
    %dma_start3A_33 = tpu.memref_squeeze %dma_start3A_32 : memref<1x512xi32, #tpu.memory_space<hbm>> -> memref<512xi32, #tpu.memory_space<hbm>>
    %dma_start3A_34 = arith.constant 0 : i32
    %dma_start3A_35 = tpu.memref_slice %arg6[%dma_start3A_28, %dma_start3A_34] : memref<2x512xi32, #tpu.memory_space<vmem>> -> memref<1x512xi32, #tpu.memory_space<vmem>>
    %dma_start3A_36 = tpu.memref_squeeze %dma_start3A_35 : memref<1x512xi32, #tpu.memory_space<vmem>> -> memref<512xi32, #tpu.memory_space<vmem>>
    %dma_start3A_37 = tpu.memref_slice %arg3[%add3A_9, %mul3A_13] : memref<256x2048xi32, #tpu.memory_space<hbm>> -> memref<1x512xi32, #tpu.memory_space<hbm>>
    %dma_start3A_38 = tpu.memref_squeeze %dma_start3A_37 : memref<1x512xi32, #tpu.memory_space<hbm>> -> memref<512xi32, #tpu.memory_space<hbm>>
    tpu.enqueue_dma source(%dma_start3A_38 : memref<512xi32, #tpu.memory_space<hbm>>) target(%dma_start3A_36 : memref<512xi32, #tpu.memory_space<vmem>>) target_semaphore(%arg10 : memref<!tpu.dma_semaphore, #tpu.memory_space<semaphore_mem>>)
    %scan3A = arith.constant 0 : i32
    %scan3A_39 = arith.constant 0 : i32
    %scan3A_40 = arith.constant 8 : i32
    %scan3A_41 = arith.addi %scan3A_39, %scan3A_40 : i32
    %scan3A_42 = arith.constant 1 : i32
    scf.for %scan3A_44 = %scan3A_39 to %scan3A_41 step %scan3A_42  : i32 {
      %mul3A_45 = arith.constant 2 : i32
      %mul3A_46 = arith.muli %mul3A_45, %scan3A_44 : i32
      %add3A_47 = arith.constant 1 : i32
      %add3A_48 = arith.addi %mul3A_46, %add3A_47 : i32
      %mul3A_49 = arith.constant 4 : i32
      %mul3A_50 = arith.muli %add3A, %mul3A_49 : i32
      %shift_right_arithmetic3A_51 = arith.constant 2 : i32
      %shift_right_arithmetic3A_52 = arith.shrsi %add3A_48, %shift_right_arithmetic3A_51 : i32
      %add3A_53 = arith.addi %mul3A_50, %shift_right_arithmetic3A_52 : i32
      %and3A_54 = arith.constant 3 : i32
      %and3A_55 = arith.andi %add3A_48, %and3A_54 : i32
      %mul3A_56 = arith.constant 512 : i32
      %mul3A_57 = arith.muli %and3A_55, %mul3A_56 : i32
      %dma_start3A_58 = arith.constant 1 : i32
      %dma_start3A_59 = arith.constant 0 : i32
      %dma_start3A_60 = arith.constant 0 : i32
      %dma_start3A_61 = tpu.memref_slice %arg5[%dma_start3A_58, %dma_start3A_59, %dma_start3A_60] : memref<2x66x512xf32, #tpu.memory_space<vmem>> -> memref<1x66x512xf32, #tpu.memory_space<vmem>>
      %dma_start3A_62 = tpu.memref_squeeze %dma_start3A_61 : memref<1x66x512xf32, #tpu.memory_space<vmem>> -> memref<66x512xf32, #tpu.memory_space<vmem>>
      %dma_start3A_63 = arith.constant 0 : i32
      %dma_start3A_64 = tpu.memref_slice %arg2[%add3A_53, %dma_start3A_63, %mul3A_57] : memref<256x66x2048xf32, #tpu.memory_space<hbm>> -> memref<1x66x512xf32, #tpu.memory_space<hbm>>
      %dma_start3A_65 = tpu.memref_squeeze %dma_start3A_64 : memref<1x66x512xf32, #tpu.memory_space<hbm>> -> memref<66x512xf32, #tpu.memory_space<hbm>>
      %dma_start3A_66 = arith.constant 0 : i32
      %dma_start3A_67 = arith.constant 0 : i32
      %dma_start3A_68 = tpu.memref_slice %arg5[%dma_start3A_58, %dma_start3A_66, %dma_start3A_67] : memref<2x66x512xf32, #tpu.memory_space<vmem>> -> memref<1x66x512xf32, #tpu.memory_space<vmem>>
      %dma_start3A_69 = tpu.memref_squeeze %dma_start3A_68 : memref<1x66x512xf32, #tpu.memory_space<vmem>> -> memref<66x512xf32, #tpu.memory_space<vmem>>
      %dma_start3A_70 = arith.constant 0 : i32
      %dma_start3A_71 = tpu.memref_slice %arg2[%add3A_53, %dma_start3A_70, %mul3A_57] : memref<256x66x2048xf32, #tpu.memory_space<hbm>> -> memref<1x66x512xf32, #tpu.memory_space<hbm>>
      %dma_start3A_72 = tpu.memref_squeeze %dma_start3A_71 : memref<1x66x512xf32, #tpu.memory_space<hbm>> -> memref<66x512xf32, #tpu.memory_space<hbm>>
      tpu.enqueue_dma source(%dma_start3A_72 : memref<66x512xf32, #tpu.memory_space<hbm>>) target(%dma_start3A_69 : memref<66x512xf32, #tpu.memory_space<vmem>>) target_semaphore(%arg9 : memref<!tpu.dma_semaphore, #tpu.memory_space<semaphore_mem>>)
      %dma_start3A_73 = arith.constant 1 : i32
      %dma_start3A_74 = arith.constant 0 : i32
      %dma_start3A_75 = tpu.memref_slice %arg6[%dma_start3A_73, %dma_start3A_74] : memref<2x512xi32, #tpu.memory_space<vmem>> -> memref<1x512xi32, #tpu.memory_space<vmem>>
      %dma_start3A_76 = tpu.memref_squeeze %dma_start3A_75 : memref<1x512xi32, #tpu.memory_space<vmem>> -> memref<512xi32, #tpu.memory_space<vmem>>
      %dma_start3A_77 = tpu.memref_slice %arg3[%add3A_53, %mul3A_57] : memref<256x2048xi32, #tpu.memory_space<hbm>> -> memref<1x512xi32, #tpu.memory_space<hbm>>
      %dma_start3A_78 = tpu.memref_squeeze %dma_start3A_77 : memref<1x512xi32, #tpu.memory_space<hbm>> -> memref<512xi32, #tpu.memory_space<hbm>>
      %dma_start3A_79 = arith.constant 0 : i32
      %dma_start3A_80 = tpu.memref_slice %arg6[%dma_start3A_73, %dma_start3A_79] : memref<2x512xi32, #tpu.memory_space<vmem>> -> memref<1x512xi32, #tpu.memory_space<vmem>>
      %dma_start3A_81 = tpu.memref_squeeze %dma_start3A_80 : memref<1x512xi32, #tpu.memory_space<vmem>> -> memref<512xi32, #tpu.memory_space<vmem>>
      %dma_start3A_82 = tpu.memref_slice %arg3[%add3A_53, %mul3A_57] : memref<256x2048xi32, #tpu.memory_space<hbm>> -> memref<1x512xi32, #tpu.memory_space<hbm>>
      %dma_start3A_83 = tpu.memref_squeeze %dma_start3A_82 : memref<1x512xi32, #tpu.memory_space<hbm>> -> memref<512xi32, #tpu.memory_space<hbm>>
      tpu.enqueue_dma source(%dma_start3A_83 : memref<512xi32, #tpu.memory_space<hbm>>) target(%dma_start3A_81 : memref<512xi32, #tpu.memory_space<vmem>>) target_semaphore(%arg11 : memref<!tpu.dma_semaphore, #tpu.memory_space<semaphore_mem>>)
      %dma_wait3A = arith.constant 0 : i32
      %dma_wait3A_84 = arith.constant 0 : i32
      %dma_wait3A_85 = arith.constant 0 : i32
      %dma_wait3A_86 = arith.constant 0 : i32
      %dma_wait3A_87 = tpu.memref_slice %arg5[%dma_wait3A_84, %dma_wait3A_85, %dma_wait3A_86] : memref<2x66x512xf32, #tpu.memory_space<vmem>> -> memref<1x66x512xf32, #tpu.memory_space<vmem>>
      %dma_wait3A_88 = tpu.memref_squeeze %dma_wait3A_87 : memref<1x66x512xf32, #tpu.memory_space<vmem>> -> memref<66x512xf32, #tpu.memory_space<vmem>>
      %dma_wait3A_89 = arith.constant 0 : i32
      %dma_wait3A_90 = arith.constant 0 : i32
      %dma_wait3A_91 = tpu.memref_slice %arg2[%dma_wait3A, %dma_wait3A_89, %dma_wait3A_90] : memref<256x66x2048xf32, #tpu.memory_space<hbm>> -> memref<1x66x512xf32, #tpu.memory_space<hbm>>
      %dma_wait3A_92 = tpu.memref_squeeze %dma_wait3A_91 : memref<1x66x512xf32, #tpu.memory_space<hbm>> -> memref<66x512xf32, #tpu.memory_space<hbm>>
      %dma_wait3A_93 = arith.constant 0 : i32
      %dma_wait3A_94 = arith.constant 0 : i32
      %dma_wait3A_95 = tpu.memref_slice %arg5[%dma_wait3A_84, %dma_wait3A_93, %dma_wait3A_94] : memref<2x66x512xf32, #tpu.memory_space<vmem>> -> memref<1x66x512xf32, #tpu.memory_space<vmem>>
      %dma_wait3A_96 = tpu.memref_squeeze %dma_wait3A_95 : memref<1x66x512xf32, #tpu.memory_space<vmem>> -> memref<66x512xf32, #tpu.memory_space<vmem>>
      %dma_wait3A_97 = arith.constant 0 : i32
      %dma_wait3A_98 = arith.constant 0 : i32
      %dma_wait3A_99 = tpu.memref_slice %arg2[%dma_wait3A, %dma_wait3A_97, %dma_wait3A_98] : memref<256x66x2048xf32, #tpu.memory_space<hbm>> -> memref<1x66x512xf32, #tpu.memory_space<hbm>>
      %dma_wait3A_100 = tpu.memref_squeeze %dma_wait3A_99 : memref<1x66x512xf32, #tpu.memory_space<hbm>> -> memref<66x512xf32, #tpu.memory_space<hbm>>
      tpu.wait_dma2 semaphore(%arg8 : memref<!tpu.dma_semaphore, #tpu.memory_space<semaphore_mem>>) src(%dma_wait3A_100 : memref<66x512xf32, #tpu.memory_space<hbm>>) dst(%dma_wait3A_96 : memref<66x512xf32, #tpu.memory_space<vmem>>)
      %dma_wait3A_101 = arith.constant 0 : i32
      %dma_wait3A_102 = arith.constant 0 : i32
      %dma_wait3A_103 = arith.constant 0 : i32
      %dma_wait3A_104 = tpu.memref_slice %arg6[%dma_wait3A_102, %dma_wait3A_103] : memref<2x512xi32, #tpu.memory_space<vmem>> -> memref<1x512xi32, #tpu.memory_space<vmem>>
      %dma_wait3A_105 = tpu.memref_squeeze %dma_wait3A_104 : memref<1x512xi32, #tpu.memory_space<vmem>> -> memref<512xi32, #tpu.memory_space<vmem>>
      %dma_wait3A_106 = arith.constant 0 : i32
      %dma_wait3A_107 = tpu.memref_slice %arg3[%dma_wait3A_101, %dma_wait3A_106] : memref<256x2048xi32, #tpu.memory_space<hbm>> -> memref<1x512xi32, #tpu.memory_space<hbm>>
      %dma_wait3A_108 = tpu.memref_squeeze %dma_wait3A_107 : memref<1x512xi32, #tpu.memory_space<hbm>> -> memref<512xi32, #tpu.memory_space<hbm>>
      %dma_wait3A_109 = arith.constant 0 : i32
      %dma_wait3A_110 = tpu.memref_slice %arg6[%dma_wait3A_102, %dma_wait3A_109] : memref<2x512xi32, #tpu.memory_space<vmem>> -> memref<1x512xi32, #tpu.memory_space<vmem>>
      %dma_wait3A_111 = tpu.memref_squeeze %dma_wait3A_110 : memref<1x512xi32, #tpu.memory_space<vmem>> -> memref<512xi32, #tpu.memory_space<vmem>>
      %dma_wait3A_112 = arith.constant 0 : i32
      %dma_wait3A_113 = tpu.memref_slice %arg3[%dma_wait3A_101, %dma_wait3A_112] : memref<256x2048xi32, #tpu.memory_space<hbm>> -> memref<1x512xi32, #tpu.memory_space<hbm>>
      %dma_wait3A_114 = tpu.memref_squeeze %dma_wait3A_113 : memref<1x512xi32, #tpu.memory_space<hbm>> -> memref<512xi32, #tpu.memory_space<hbm>>
      tpu.wait_dma2 semaphore(%arg10 : memref<!tpu.dma_semaphore, #tpu.memory_space<semaphore_mem>>) src(%dma_wait3A_114 : memref<512xi32, #tpu.memory_space<hbm>>) dst(%dma_wait3A_111 : memref<512xi32, #tpu.memory_space<vmem>>)
      %scan3A_115 = arith.constant 0 : i32
      %scan3A_116 = arith.constant 0 : i32
      %scan3A_117 = arith.constant 32 : i32
      %scan3A_118 = arith.addi %scan3A_116, %scan3A_117 : i32
      %scan3A_119 = arith.constant 1 : i32
      scf.for %scan3A_161 = %scan3A_116 to %scan3A_118 step %scan3A_119  : i32 {
        %mul3A_162 = arith.constant 16 : i32
        %mul3A_163 = arith.muli %scan3A_161, %mul3A_162 : i32
        %get3A = arith.constant 0 : i32
        %get3A_164 = arith.index_cast %get3A : i32 to index
        %get3A_165 = arith.index_cast %mul3A_163 : i32 to index
        %get3A_166 = tpu.vector_load %arg6[%get3A_164, %get3A_165] {strides = array<i32>} : memref<2x512xi32, #tpu.memory_space<vmem>>, vector<1x16xi32>,
        %get3A_167 = vector.shape_cast %get3A_166 : vector<1x16xi32> to vector<16xi32>
        %get3A_168 = arith.constant 0 : index
        %get3A_169 = tpu.vector_load %arg7[%get3A_168] {strides = array<i32>} : memref<16xf32, #tpu.memory_space<vmem>>, vector<16xf32>,
        %get3A_170 = vector.shape_cast %get3A_169 : vector<16xf32> to vector<16xf32>
        %get3A_171 = arith.constant 0 : i32
        %get3A_172 = arith.constant 1 : i32
        %get3A_173 = arith.index_cast %get3A_171 : i32 to index
        %get3A_174 = arith.index_cast %get3A_172 : i32 to index
        %get3A_175 = arith.index_cast %mul3A_163 : i32 to index
        %get3A_176 = tpu.vector_load %arg5[%get3A_173, %get3A_174, %get3A_175] {strides = array<i32>} : memref<2x66x512xf32, #tpu.memory_space<vmem>>, vector<1x1x16xf32>,
        %get3A_177 = vector.shape_cast %get3A_176 : vector<1x1x16xf32> to vector<16xf32>
        %get3A_178 = arith.constant 0 : i32
        %get3A_179 = arith.constant 2 : i32
        %get3A_180 = arith.index_cast %get3A_178 : i32 to index
        %get3A_181 = arith.index_cast %get3A_179 : i32 to index
        %get3A_182 = arith.index_cast %mul3A_163 : i32 to index
        %get3A_183 = tpu.vector_load %arg5[%get3A_180, %get3A_181, %get3A_182] {strides = array<i32>} : memref<2x66x512xf32, #tpu.memory_space<vmem>>, vector<1x1x16xf32>,
        %get3A_184 = vector.shape_cast %get3A_183 : vector<1x1x16xf32> to vector<16xf32>
        %get3A_185 = arith.constant 0 : i32
        %get3A_186 = arith.constant 3 : i32
        %get3A_187 = arith.index_cast %get3A_185 : i32 to index
        %get3A_188 = arith.index_cast %get3A_186 : i32 to index
        %get3A_189 = arith.index_cast %mul3A_163 : i32 to index
        %get3A_190 = tpu.vector_load %arg5[%get3A_187, %get3A_188, %get3A_189] {strides = array<i32>} : memref<2x66x512xf32, #tpu.memory_space<vmem>>, vector<1x1x16xf32>,
        %get3A_191 = vector.shape_cast %get3A_190 : vector<1x1x16xf32> to vector<16xf32>
        %get3A_192 = arith.constant 0 : i32
        %get3A_193 = arith.constant 4 : i32
        %get3A_194 = arith.index_cast %get3A_192 : i32 to index
        %get3A_195 = arith.index_cast %get3A_193 : i32 to index
        %get3A_196 = arith.index_cast %mul3A_163 : i32 to index
        %get3A_197 = tpu.vector_load %arg5[%get3A_194, %get3A_195, %get3A_196] {strides = array<i32>} : memref<2x66x512xf32, #tpu.memory_space<vmem>>, vector<1x1x16xf32>,
        %get3A_198 = vector.shape_cast %get3A_197 : vector<1x1x16xf32> to vector<16xf32>
        %add3A_199 = arith.addf %get3A_177, %get3A_184 : vector<16xf32>
        %add3A_200 = arith.addf %get3A_191, %get3A_198 : vector<16xf32>
        %add3A_201 = arith.addf %add3A_199, %add3A_200 : vector<16xf32>
        %get3A_202 = arith.constant 0 : i32
        %get3A_203 = arith.constant 5 : i32
        %get3A_204 = arith.index_cast %get3A_202 : i32 to index
        %get3A_205 = arith.index_cast %get3A_203 : i32 to index
        %get3A_206 = arith.index_cast %mul3A_163 : i32 to index
        %get3A_207 = tpu.vector_load %arg5[%get3A_204, %get3A_205, %get3A_206] {strides = array<i32>} : memref<2x66x512xf32, #tpu.memory_space<vmem>>, vector<1x1x16xf32>,
        %get3A_208 = vector.shape_cast %get3A_207 : vector<1x1x16xf32> to vector<16xf32>
        %get3A_209 = arith.constant 0 : i32
        %get3A_210 = arith.constant 6 : i32
        %get3A_211 = arith.index_cast %get3A_209 : i32 to index
        %get3A_212 = arith.index_cast %get3A_210 : i32 to index
        %get3A_213 = arith.index_cast %mul3A_163 : i32 to index
        %get3A_214 = tpu.vector_load %arg5[%get3A_211, %get3A_212, %get3A_213] {strides = array<i32>} : memref<2x66x512xf32, #tpu.memory_space<vmem>>, vector<1x1x16xf32>,
        %get3A_215 = vector.shape_cast %get3A_214 : vector<1x1x16xf32> to vector<16xf32>
        %get3A_216 = arith.constant 0 : i32
        %get3A_217 = arith.constant 7 : i32
        %get3A_218 = arith.index_cast %get3A_216 : i32 to index
        %get3A_219 = arith.index_cast %get3A_217 : i32 to index
        %get3A_220 = arith.index_cast %mul3A_163 : i32 to index
        %get3A_221 = tpu.vector_load %arg5[%get3A_218, %get3A_219, %get3A_220] {strides = array<i32>} : memref<2x66x512xf32, #tpu.memory_space<vmem>>, vector<1x1x16xf32>,
        %get3A_222 = vector.shape_cast %get3A_221 : vector<1x1x16xf32> to vector<16xf32>
        %get3A_223 = arith.constant 0 : i32
        %get3A_224 = arith.constant 8 : i32
        %get3A_225 = arith.index_cast %get3A_223 : i32 to index
        %get3A_226 = arith.index_cast %get3A_224 : i32 to index
        %get3A_227 = arith.index_cast %mul3A_163 : i32 to index
        %get3A_228 = tpu.vector_load %arg5[%get3A_225, %get3A_226, %get3A_227] {strides = array<i32>} : memref<2x66x512xf32, #tpu.memory_space<vmem>>, vector<1x1x16xf32>,
        %get3A_229 = vector.shape_cast %get3A_228 : vector<1x1x16xf32> to vector<16xf32>
        %add3A_230 = arith.addf %get3A_208, %get3A_215 : vector<16xf32>
        %add3A_231 = arith.addf %get3A_222, %get3A_229 : vector<16xf32>
        %add3A_232 = arith.addf %add3A_230, %add3A_231 : vector<16xf32>
        %exp3A = math.exp %get3A_215 : vector<16xf32>
        %exp3A_233 = math.exp %get3A_222 : vector<16xf32>
        %add3A_234 = arith.addf %exp3A, %exp3A_233 : vector<16xf32>
        %exp3A_235 = math.exp %get3A_229 : vector<16xf32>
        %add3A_236 = arith.addf %add3A_234, %exp3A_235 : vector<16xf32>
        %get3A_237 = arith.constant 0 : i32
        %get3A_238 = arith.constant 9 : i32
        %get3A_239 = arith.index_cast %get3A_237 : i32 to index
        %get3A_240 = arith.index_cast %get3A_238 : i32 to index
        %get3A_241 = arith.index_cast %mul3A_163 : i32 to index
        %get3A_242 = tpu.vector_load %arg5[%get3A_239, %get3A_240, %get3A_241] {strides = array<i32>} : memref<2x66x512xf32, #tpu.memory_space<vmem>>, vector<1x1x16xf32>,
        %get3A_243 = vector.shape_cast %get3A_242 : vector<1x1x16xf32> to vector<16xf32>
        %get3A_244 = arith.constant 0 : i32
        %get3A_245 = arith.constant 10 : i32
        %get3A_246 = arith.index_cast %get3A_244 : i32 to index
        %get3A_247 = arith.index_cast %get3A_245 : i32 to index
        %get3A_248 = arith.index_cast %mul3A_163 : i32 to index
        %get3A_249 = tpu.vector_load %arg5[%get3A_246, %get3A_247, %get3A_248] {strides = array<i32>} : memref<2x66x512xf32, #tpu.memory_space<vmem>>, vector<1x1x16xf32>,
        %get3A_250 = vector.shape_cast %get3A_249 : vector<1x1x16xf32> to vector<16xf32>
        %get3A_251 = arith.constant 0 : i32
        %get3A_252 = arith.constant 11 : i32
        %get3A_253 = arith.index_cast %get3A_251 : i32 to index
        %get3A_254 = arith.index_cast %get3A_252 : i32 to index
        %get3A_255 = arith.index_cast %mul3A_163 : i32 to index
        %get3A_256 = tpu.vector_load %arg5[%get3A_253, %get3A_254, %get3A_255] {strides = array<i32>} : memref<2x66x512xf32, #tpu.memory_space<vmem>>, vector<1x1x16xf32>,
        %get3A_257 = vector.shape_cast %get3A_256 : vector<1x1x16xf32> to vector<16xf32>
        %get3A_258 = arith.constant 0 : i32
        %get3A_259 = arith.constant 12 : i32
        %get3A_260 = arith.index_cast %get3A_258 : i32 to index
        %get3A_261 = arith.index_cast %get3A_259 : i32 to index
        %get3A_262 = arith.index_cast %mul3A_163 : i32 to index
        %get3A_263 = tpu.vector_load %arg5[%get3A_260, %get3A_261, %get3A_262] {strides = array<i32>} : memref<2x66x512xf32, #tpu.memory_space<vmem>>, vector<1x1x16xf32>,
        %get3A_264 = vector.shape_cast %get3A_263 : vector<1x1x16xf32> to vector<16xf32>
        %add3A_265 = arith.addf %get3A_243, %get3A_250 : vector<16xf32>
        %add3A_266 = arith.addf %get3A_257, %get3A_264 : vector<16xf32>
        %add3A_267 = arith.addf %add3A_265, %add3A_266 : vector<16xf32>
        %exp3A_268 = math.exp %get3A_243 : vector<16xf32>
        %add3A_269 = arith.addf %add3A_236, %exp3A_268 : vector<16xf32>
        %exp3A_270 = math.exp %get3A_250 : vector<16xf32>
        %add3A_271 = arith.addf %add3A_269, %exp3A_270 : vector<16xf32>
        %exp3A_272 = math.exp %get3A_257 : vector<16xf32>
        %add3A_273 = arith.addf %add3A_271, %exp3A_272 : vector<16xf32>
        %exp3A_274 = math.exp %get3A_264 : vector<16xf32>
        %add3A_275 = arith.addf %add3A_273, %exp3A_274 : vector<16xf32>
        %get3A_276 = arith.constant 0 : i32
        %get3A_277 = arith.constant 13 : i32
        %get3A_278 = arith.index_cast %get3A_276 : i32 to index
        %get3A_279 = arith.index_cast %get3A_277 : i32 to index
        %get3A_280 = arith.index_cast %mul3A_163 : i32 to index
        %get3A_281 = tpu.vector_load %arg5[%get3A_278, %get3A_279, %get3A_280] {strides = array<i32>} : memref<2x66x512xf32, #tpu.memory_space<vmem>>, vector<1x1x16xf32>,
        %get3A_282 = vector.shape_cast %get3A_281 : vector<1x1x16xf32> to vector<16xf32>
        %get3A_283 = arith.constant 0 : i32
        %get3A_284 = arith.constant 14 : i32
        %get3A_285 = arith.index_cast %get3A_283 : i32 to index
        %get3A_286 = arith.index_cast %get3A_284 : i32 to index
        %get3A_287 = arith.index_cast %mul3A_163 : i32 to index
        %get3A_288 = tpu.vector_load %arg5[%get3A_285, %get3A_286, %get3A_287] {strides = array<i32>} : memref<2x66x512xf32, #tpu.memory_space<vmem>>, vector<1x1x16xf32>,
        %get3A_289 = vector.shape_cast %get3A_288 : vector<1x1x16xf32> to vector<16xf32>
        %get3A_290 = arith.constant 0 : i32
        %get3A_291 = arith.constant 15 : i32
        %get3A_292 = arith.index_cast %get3A_290 : i32 to index
        %get3A_293 = arith.index_cast %get3A_291 : i32 to index
        %get3A_294 = arith.index_cast %mul3A_163 : i32 to index
        %get3A_295 = tpu.vector_load %arg5[%get3A_292, %get3A_293, %get3A_294] {strides = array<i32>} : memref<2x66x512xf32, #tpu.memory_space<vmem>>, vector<1x1x16xf32>,
        %get3A_296 = vector.shape_cast %get3A_295 : vector<1x1x16xf32> to vector<16xf32>
        %get3A_297 = arith.constant 0 : i32
        %get3A_298 = arith.constant 16 : i32
        %get3A_299 = arith.index_cast %get3A_297 : i32 to index
        %get3A_300 = arith.index_cast %get3A_298 : i32 to index
        %get3A_301 = arith.index_cast %mul3A_163 : i32 to index
        %get3A_302 = tpu.vector_load %arg5[%get3A_299, %get3A_300, %get3A_301] {strides = array<i32>} : memref<2x66x512xf32, #tpu.memory_space<vmem>>, vector<1x1x16xf32>,
        %get3A_303 = vector.shape_cast %get3A_302 : vector<1x1x16xf32> to vector<16xf32>
        %add3A_304 = arith.addf %get3A_282, %get3A_289 : vector<16xf32>
        %add3A_305 = arith.addf %get3A_296, %get3A_303 : vector<16xf32>
        %add3A_306 = arith.addf %add3A_304, %add3A_305 : vector<16xf32>
        %exp3A_307 = math.exp %get3A_282 : vector<16xf32>
        %add3A_308 = arith.addf %add3A_275, %exp3A_307 : vector<16xf32>
        %exp3A_309 = math.exp %get3A_289 : vector<16xf32>
        %add3A_310 = arith.addf %add3A_308, %exp3A_309 : vector<16xf32>
        %exp3A_311 = math.exp %get3A_296 : vector<16xf32>
        %add3A_312 = arith.addf %add3A_310, %exp3A_311 : vector<16xf32>
        %exp3A_313 = math.exp %get3A_303 : vector<16xf32>
        %add3A_314 = arith.addf %add3A_312, %exp3A_313 : vector<16xf32>
        %get3A_315 = arith.constant 0 : i32
        %get3A_316 = arith.constant 17 : i32
        %get3A_317 = arith.index_cast %get3A_315 : i32 to index
        %get3A_318 = arith.index_cast %get3A_316 : i32 to index
        %get3A_319 = arith.index_cast %mul3A_163 : i32 to index
        %get3A_320 = tpu.vector_load %arg5[%get3A_317, %get3A_318, %get3A_319] {strides = array<i32>} : memref<2x66x512xf32, #tpu.memory_space<vmem>>, vector<1x1x16xf32>,
        %get3A_321 = vector.shape_cast %get3A_320 : vector<1x1x16xf32> to vector<16xf32>
        %get3A_322 = arith.constant 0 : i32
        %get3A_323 = arith.constant 18 : i32
        %get3A_324 = arith.index_cast %get3A_322 : i32 to index
        %get3A_325 = arith.index_cast %get3A_323 : i32 to index
        %get3A_326 = arith.index_cast %mul3A_163 : i32 to index
        %get3A_327 = tpu.vector_load %arg5[%get3A_324, %get3A_325, %get3A_326] {strides = array<i32>} : memref<2x66x512xf32, #tpu.memory_space<vmem>>, vector<1x1x16xf32>,
        %get3A_328 = vector.shape_cast %get3A_327 : vector<1x1x16xf32> to vector<16xf32>
        %get3A_329 = arith.constant 0 : i32
        %get3A_330 = arith.constant 19 : i32
        %get3A_331 = arith.index_cast %get3A_329 : i32 to index
        %get3A_332 = arith.index_cast %get3A_330 : i32 to index
        %get3A_333 = arith.index_cast %mul3A_163 : i32 to index
        %get3A_334 = tpu.vector_load %arg5[%get3A_331, %get3A_332, %get3A_333] {strides = array<i32>} : memref<2x66x512xf32, #tpu.memory_space<vmem>>, vector<1x1x16xf32>,
        %get3A_335 = vector.shape_cast %get3A_334 : vector<1x1x16xf32> to vector<16xf32>
        %get3A_336 = arith.constant 0 : i32
        %get3A_337 = arith.constant 20 : i32
        %get3A_338 = arith.index_cast %get3A_336 : i32 to index
        %get3A_339 = arith.index_cast %get3A_337 : i32 to index
        %get3A_340 = arith.index_cast %mul3A_163 : i32 to index
        %get3A_341 = tpu.vector_load %arg5[%get3A_338, %get3A_339, %get3A_340] {strides = array<i32>} : memref<2x66x512xf32, #tpu.memory_space<vmem>>, vector<1x1x16xf32>,
        %get3A_342 = vector.shape_cast %get3A_341 : vector<1x1x16xf32> to vector<16xf32>
        %add3A_343 = arith.addf %get3A_321, %get3A_328 : vector<16xf32>
        %add3A_344 = arith.addf %get3A_335, %get3A_342 : vector<16xf32>
        %add3A_345 = arith.addf %add3A_343, %add3A_344 : vector<16xf32>
        %add3A_346 = arith.addf %get3A_177, %get3A_321 : vector<16xf32>
        %exp3A_347 = math.exp %get3A_321 : vector<16xf32>
        %add3A_348 = arith.addf %add3A_314, %exp3A_347 : vector<16xf32>
        %add3A_349 = arith.addf %get3A_184, %get3A_328 : vector<16xf32>
        %exp3A_350 = math.exp %get3A_328 : vector<16xf32>
        %add3A_351 = arith.addf %add3A_348, %exp3A_350 : vector<16xf32>
        %add3A_352 = arith.addf %get3A_191, %get3A_335 : vector<16xf32>
        %exp3A_353 = math.exp %get3A_335 : vector<16xf32>
        %add3A_354 = arith.addf %add3A_351, %exp3A_353 : vector<16xf32>
        %add3A_355 = arith.addf %get3A_198, %get3A_342 : vector<16xf32>
        %exp3A_356 = math.exp %get3A_342 : vector<16xf32>
        %add3A_357 = arith.addf %add3A_354, %exp3A_356 : vector<16xf32>
        %get3A_358 = arith.constant 0 : i32
        %get3A_359 = arith.constant 21 : i32
        %get3A_360 = arith.index_cast %get3A_358 : i32 to index
        %get3A_361 = arith.index_cast %get3A_359 : i32 to index
        %get3A_362 = arith.index_cast %mul3A_163 : i32 to index
        %get3A_363 = tpu.vector_load %arg5[%get3A_360, %get3A_361, %get3A_362] {strides = array<i32>} : memref<2x66x512xf32, #tpu.memory_space<vmem>>, vector<1x1x16xf32>,
        %get3A_364 = vector.shape_cast %get3A_363 : vector<1x1x16xf32> to vector<16xf32>
        %get3A_365 = arith.constant 0 : i32
        %get3A_366 = arith.constant 22 : i32
        %get3A_367 = arith.index_cast %get3A_365 : i32 to index
        %get3A_368 = arith.index_cast %get3A_366 : i32 to index
        %get3A_369 = arith.index_cast %mul3A_163 : i32 to index
        %get3A_370 = tpu.vector_load %arg5[%get3A_367, %get3A_368, %get3A_369] {strides = array<i32>} : memref<2x66x512xf32, #tpu.memory_space<vmem>>, vector<1x1x16xf32>,
        %get3A_371 = vector.shape_cast %get3A_370 : vector<1x1x16xf32> to vector<16xf32>
        %get3A_372 = arith.constant 0 : i32
        %get3A_373 = arith.constant 23 : i32
        %get3A_374 = arith.index_cast %get3A_372 : i32 to index
        %get3A_375 = arith.index_cast %get3A_373 : i32 to index
        %get3A_376 = arith.index_cast %mul3A_163 : i32 to index
        %get3A_377 = tpu.vector_load %arg5[%get3A_374, %get3A_375, %get3A_376] {strides = array<i32>} : memref<2x66x512xf32, #tpu.memory_space<vmem>>, vector<1x1x16xf32>,
        %get3A_378 = vector.shape_cast %get3A_377 : vector<1x1x16xf32> to vector<16xf32>
        %get3A_379 = arith.constant 0 : i32
        %get3A_380 = arith.constant 24 : i32
        %get3A_381 = arith.index_cast %get3A_379 : i32 to index
        %get3A_382 = arith.index_cast %get3A_380 : i32 to index
        %get3A_383 = arith.index_cast %mul3A_163 : i32 to index
        %get3A_384 = tpu.vector_load %arg5[%get3A_381, %get3A_382, %get3A_383] {strides = array<i32>} : memref<2x66x512xf32, #tpu.memory_space<vmem>>, vector<1x1x16xf32>,
        %get3A_385 = vector.shape_cast %get3A_384 : vector<1x1x16xf32> to vector<16xf32>
        %add3A_386 = arith.addf %get3A_364, %get3A_371 : vector<16xf32>
        %add3A_387 = arith.addf %get3A_378, %get3A_385 : vector<16xf32>
        %add3A_388 = arith.addf %add3A_386, %add3A_387 : vector<16xf32>
        %add3A_389 = arith.addf %get3A_208, %get3A_364 : vector<16xf32>
        %exp3A_390 = math.exp %get3A_364 : vector<16xf32>
        %add3A_391 = arith.addf %add3A_357, %exp3A_390 : vector<16xf32>
        %add3A_392 = arith.addf %get3A_215, %get3A_371 : vector<16xf32>
        %exp3A_393 = math.exp %get3A_371 : vector<16xf32>
        %add3A_394 = arith.addf %add3A_391, %exp3A_393 : vector<16xf32>
        %add3A_395 = arith.addf %get3A_222, %get3A_378 : vector<16xf32>
        %exp3A_396 = math.exp %get3A_378 : vector<16xf32>
        %add3A_397 = arith.addf %add3A_394, %exp3A_396 : vector<16xf32>
        %add3A_398 = arith.addf %get3A_229, %get3A_385 : vector<16xf32>
        %exp3A_399 = math.exp %get3A_385 : vector<16xf32>
        %add3A_400 = arith.addf %add3A_397, %exp3A_399 : vector<16xf32>
        %get3A_401 = arith.constant 0 : i32
        %get3A_402 = arith.constant 25 : i32
        %get3A_403 = arith.index_cast %get3A_401 : i32 to index
        %get3A_404 = arith.index_cast %get3A_402 : i32 to index
        %get3A_405 = arith.index_cast %mul3A_163 : i32 to index
        %get3A_406 = tpu.vector_load %arg5[%get3A_403, %get3A_404, %get3A_405] {strides = array<i32>} : memref<2x66x512xf32, #tpu.memory_space<vmem>>, vector<1x1x16xf32>,
        %get3A_407 = vector.shape_cast %get3A_406 : vector<1x1x16xf32> to vector<16xf32>
        %get3A_408 = arith.constant 0 : i32
        %get3A_409 = arith.constant 26 : i32
        %get3A_410 = arith.index_cast %get3A_408 : i32 to index
        %get3A_411 = arith.index_cast %get3A_409 : i32 to index
        %get3A_412 = arith.index_cast %mul3A_163 : i32 to index
        %get3A_413 = tpu.vector_load %arg5[%get3A_410, %get3A_411, %get3A_412] {strides = array<i32>} : memref<2x66x512xf32, #tpu.memory_space<vmem>>, vector<1x1x16xf32>,
        %get3A_414 = vector.shape_cast %get3A_413 : vector<1x1x16xf32> to vector<16xf32>
        %get3A_415 = arith.constant 0 : i32
        %get3A_416 = arith.constant 27 : i32
        %get3A_417 = arith.index_cast %get3A_415 : i32 to index
        %get3A_418 = arith.index_cast %get3A_416 : i32 to index
        %get3A_419 = arith.index_cast %mul3A_163 : i32 to index
        %get3A_420 = tpu.vector_load %arg5[%get3A_417, %get3A_418, %get3A_419] {strides = array<i32>} : memref<2x66x512xf32, #tpu.memory_space<vmem>>, vector<1x1x16xf32>,
        %get3A_421 = vector.shape_cast %get3A_420 : vector<1x1x16xf32> to vector<16xf32>
        %get3A_422 = arith.constant 0 : i32
        %get3A_423 = arith.constant 28 : i32
        %get3A_424 = arith.index_cast %get3A_422 : i32 to index
        %get3A_425 = arith.index_cast %get3A_423 : i32 to index
        %get3A_426 = arith.index_cast %mul3A_163 : i32 to index
        %get3A_427 = tpu.vector_load %arg5[%get3A_424, %get3A_425, %get3A_426] {strides = array<i32>} : memref<2x66x512xf32, #tpu.memory_space<vmem>>, vector<1x1x16xf32>,
        %get3A_428 = vector.shape_cast %get3A_427 : vector<1x1x16xf32> to vector<16xf32>
        %add3A_429 = arith.addf %get3A_407, %get3A_414 : vector<16xf32>
        %add3A_430 = arith.addf %get3A_421, %get3A_428 : vector<16xf32>
        %add3A_431 = arith.addf %add3A_429, %add3A_430 : vector<16xf32>
        %add3A_432 = arith.addf %get3A_243, %get3A_407 : vector<16xf32>
        %exp3A_433 = math.exp %get3A_407 : vector<16xf32>
        %add3A_434 = arith.addf %add3A_400, %exp3A_433 : vector<16xf32>
        %add3A_435 = arith.addf %get3A_250, %get3A_414 : vector<16xf32>
        %exp3A_436 = math.exp %get3A_414 : vector<16xf32>
        %add3A_437 = arith.addf %add3A_434, %exp3A_436 : vector<16xf32>
        %add3A_438 = arith.addf %get3A_257, %get3A_421 : vector<16xf32>
        %exp3A_439 = math.exp %get3A_421 : vector<16xf32>
        %add3A_440 = arith.addf %add3A_437, %exp3A_439 : vector<16xf32>
        %add3A_441 = arith.addf %get3A_264, %get3A_428 : vector<16xf32>
        %exp3A_442 = math.exp %get3A_428 : vector<16xf32>
        %add3A_443 = arith.addf %add3A_440, %exp3A_442 : vector<16xf32>
        %get3A_444 = arith.constant 0 : i32
        %get3A_445 = arith.constant 29 : i32
        %get3A_446 = arith.index_cast %get3A_444 : i32 to index
        %get3A_447 = arith.index_cast %get3A_445 : i32 to index
        %get3A_448 = arith.index_cast %mul3A_163 : i32 to index
        %get3A_449 = tpu.vector_load %arg5[%get3A_446, %get3A_447, %get3A_448] {strides = array<i32>} : memref<2x66x512xf32, #tpu.memory_space<vmem>>, vector<1x1x16xf32>,
        %get3A_450 = vector.shape_cast %get3A_449 : vector<1x1x16xf32> to vector<16xf32>
        %get3A_451 = arith.constant 0 : i32
        %get3A_452 = arith.constant 30 : i32
        %get3A_453 = arith.index_cast %get3A_451 : i32 to index
        %get3A_454 = arith.index_cast %get3A_452 : i32 to index
        %get3A_455 = arith.index_cast %mul3A_163 : i32 to index
        %get3A_456 = tpu.vector_load %arg5[%get3A_453, %get3A_454, %get3A_455] {strides = array<i32>} : memref<2x66x512xf32, #tpu.memory_space<vmem>>, vector<1x1x16xf32>,
        %get3A_457 = vector.shape_cast %get3A_456 : vector<1x1x16xf32> to vector<16xf32>
        %get3A_458 = arith.constant 0 : i32
        %get3A_459 = arith.constant 31 : i32
        %get3A_460 = arith.index_cast %get3A_458 : i32 to index
        %get3A_461 = arith.index_cast %get3A_459 : i32 to index
        %get3A_462 = arith.index_cast %mul3A_163 : i32 to index
        %get3A_463 = tpu.vector_load %arg5[%get3A_460, %get3A_461, %get3A_462] {strides = array<i32>} : memref<2x66x512xf32, #tpu.memory_space<vmem>>, vector<1x1x16xf32>,
        %get3A_464 = vector.shape_cast %get3A_463 : vector<1x1x16xf32> to vector<16xf32>
        %get3A_465 = arith.constant 0 : i32
        %get3A_466 = arith.constant 32 : i32
        %get3A_467 = arith.index_cast %get3A_465 : i32 to index
        %get3A_468 = arith.index_cast %get3A_466 : i32 to index
        %get3A_469 = arith.index_cast %mul3A_163 : i32 to index
        %get3A_470 = tpu.vector_load %arg5[%get3A_467, %get3A_468, %get3A_469] {strides = array<i32>} : memref<2x66x512xf32, #tpu.memory_space<vmem>>, vector<1x1x16xf32>,
        %get3A_471 = vector.shape_cast %get3A_470 : vector<1x1x16xf32> to vector<16xf32>
        %add3A_472 = arith.addf %get3A_450, %get3A_457 : vector<16xf32>
        %add3A_473 = arith.addf %get3A_464, %get3A_471 : vector<16xf32>
        %add3A_474 = arith.addf %add3A_472, %add3A_473 : vector<16xf32>
        %add3A_475 = arith.addf %get3A_282, %get3A_450 : vector<16xf32>
        %exp3A_476 = math.exp %get3A_450 : vector<16xf32>
        %add3A_477 = arith.addf %add3A_443, %exp3A_476 : vector<16xf32>
        %add3A_478 = arith.addf %get3A_289, %get3A_457 : vector<16xf32>
        %exp3A_479 = math.exp %get3A_457 : vector<16xf32>
        %add3A_480 = arith.addf %add3A_477, %exp3A_479 : vector<16xf32>
        %add3A_481 = arith.addf %get3A_296, %get3A_464 : vector<16xf32>
        %exp3A_482 = math.exp %get3A_464 : vector<16xf32>
        %add3A_483 = arith.addf %add3A_480, %exp3A_482 : vector<16xf32>
        %add3A_484 = arith.addf %get3A_303, %get3A_471 : vector<16xf32>
        %exp3A_485 = math.exp %get3A_471 : vector<16xf32>
        %add3A_486 = arith.addf %add3A_483, %exp3A_485 : vector<16xf32>
        %get3A_487 = arith.constant 0 : i32
        %get3A_488 = arith.constant 33 : i32
        %get3A_489 = arith.index_cast %get3A_487 : i32 to index
        %get3A_490 = arith.index_cast %get3A_488 : i32 to index
        %get3A_491 = arith.index_cast %mul3A_163 : i32 to index
        %get3A_492 = tpu.vector_load %arg5[%get3A_489, %get3A_490, %get3A_491] {strides = array<i32>} : memref<2x66x512xf32, #tpu.memory_space<vmem>>, vector<1x1x16xf32>,
        %get3A_493 = vector.shape_cast %get3A_492 : vector<1x1x16xf32> to vector<16xf32>
        %get3A_494 = arith.constant 0 : i32
        %get3A_495 = arith.constant 34 : i32
        %get3A_496 = arith.index_cast %get3A_494 : i32 to index
        %get3A_497 = arith.index_cast %get3A_495 : i32 to index
        %get3A_498 = arith.index_cast %mul3A_163 : i32 to index
        %get3A_499 = tpu.vector_load %arg5[%get3A_496, %get3A_497, %get3A_498] {strides = array<i32>} : memref<2x66x512xf32, #tpu.memory_space<vmem>>, vector<1x1x16xf32>,
        %get3A_500 = vector.shape_cast %get3A_499 : vector<1x1x16xf32> to vector<16xf32>
        %get3A_501 = arith.constant 0 : i32
        %get3A_502 = arith.constant 35 : i32
        %get3A_503 = arith.index_cast %get3A_501 : i32 to index
        %get3A_504 = arith.index_cast %get3A_502 : i32 to index
        %get3A_505 = arith.index_cast %mul3A_163 : i32 to index
        %get3A_506 = tpu.vector_load %arg5[%get3A_503, %get3A_504, %get3A_505] {strides = array<i32>} : memref<2x66x512xf32, #tpu.memory_space<vmem>>, vector<1x1x16xf32>,
        %get3A_507 = vector.shape_cast %get3A_506 : vector<1x1x16xf32> to vector<16xf32>
        %get3A_508 = arith.constant 0 : i32
        %get3A_509 = arith.constant 36 : i32
        %get3A_510 = arith.index_cast %get3A_508 : i32 to index
        %get3A_511 = arith.index_cast %get3A_509 : i32 to index
        %get3A_512 = arith.index_cast %mul3A_163 : i32 to index
        %get3A_513 = tpu.vector_load %arg5[%get3A_510, %get3A_511, %get3A_512] {strides = array<i32>} : memref<2x66x512xf32, #tpu.memory_space<vmem>>, vector<1x1x16xf32>,
        %get3A_514 = vector.shape_cast %get3A_513 : vector<1x1x16xf32> to vector<16xf32>
        %add3A_515 = arith.addf %get3A_493, %get3A_500 : vector<16xf32>
        %add3A_516 = arith.addf %get3A_507, %get3A_514 : vector<16xf32>
        %add3A_517 = arith.addf %add3A_515, %add3A_516 : vector<16xf32>
        %add3A_518 = arith.addf %add3A_346, %get3A_493 : vector<16xf32>
        %exp3A_519 = math.exp %get3A_493 : vector<16xf32>
        %add3A_520 = arith.addf %add3A_486, %exp3A_519 : vector<16xf32>
        %add3A_521 = arith.addf %add3A_349, %get3A_500 : vector<16xf32>
        %exp3A_522 = math.exp %get3A_500 : vector<16xf32>
        %add3A_523 = arith.addf %add3A_520, %exp3A_522 : vector<16xf32>
        %add3A_524 = arith.addf %add3A_352, %get3A_507 : vector<16xf32>
        %exp3A_525 = math.exp %get3A_507 : vector<16xf32>
        %add3A_526 = arith.addf %add3A_523, %exp3A_525 : vector<16xf32>
        %add3A_527 = arith.addf %add3A_355, %get3A_514 : vector<16xf32>
        %exp3A_528 = math.exp %get3A_514 : vector<16xf32>
        %add3A_529 = arith.addf %add3A_526, %exp3A_528 : vector<16xf32>
        %get3A_530 = arith.constant 0 : i32
        %get3A_531 = arith.constant 37 : i32
        %get3A_532 = arith.index_cast %get3A_530 : i32 to index
        %get3A_533 = arith.index_cast %get3A_531 : i32 to index
        %get3A_534 = arith.index_cast %mul3A_163 : i32 to index
        %get3A_535 = tpu.vector_load %arg5[%get3A_532, %get3A_533, %get3A_534] {strides = array<i32>} : memref<2x66x512xf32, #tpu.memory_space<vmem>>, vector<1x1x16xf32>,
        %get3A_536 = vector.shape_cast %get3A_535 : vector<1x1x16xf32> to vector<16xf32>
        %get3A_537 = arith.constant 0 : i32
        %get3A_538 = arith.constant 38 : i32
        %get3A_539 = arith.index_cast %get3A_537 : i32 to index
        %get3A_540 = arith.index_cast %get3A_538 : i32 to index
        %get3A_541 = arith.index_cast %mul3A_163 : i32 to index
        %get3A_542 = tpu.vector_load %arg5[%get3A_539, %get3A_540, %get3A_541] {strides = array<i32>} : memref<2x66x512xf32, #tpu.memory_space<vmem>>, vector<1x1x16xf32>,
        %get3A_543 = vector.shape_cast %get3A_542 : vector<1x1x16xf32> to vector<16xf32>
        %get3A_544 = arith.constant 0 : i32
        %get3A_545 = arith.constant 39 : i32
        %get3A_546 = arith.index_cast %get3A_544 : i32 to index
        %get3A_547 = arith.index_cast %get3A_545 : i32 to index
        %get3A_548 = arith.index_cast %mul3A_163 : i32 to index
        %get3A_549 = tpu.vector_load %arg5[%get3A_546, %get3A_547, %get3A_548] {strides = array<i32>} : memref<2x66x512xf32, #tpu.memory_space<vmem>>, vector<1x1x16xf32>,
        %get3A_550 = vector.shape_cast %get3A_549 : vector<1x1x16xf32> to vector<16xf32>
        %get3A_551 = arith.constant 0 : i32
        %get3A_552 = arith.constant 40 : i32
        %get3A_553 = arith.index_cast %get3A_551 : i32 to index
        %get3A_554 = arith.index_cast %get3A_552 : i32 to index
        %get3A_555 = arith.index_cast %mul3A_163 : i32 to index
        %get3A_556 = tpu.vector_load %arg5[%get3A_553, %get3A_554, %get3A_555] {strides = array<i32>} : memref<2x66x512xf32, #tpu.memory_space<vmem>>, vector<1x1x16xf32>,
        %get3A_557 = vector.shape_cast %get3A_556 : vector<1x1x16xf32> to vector<16xf32>
        %add3A_558 = arith.addf %get3A_536, %get3A_543 : vector<16xf32>
        %add3A_559 = arith.addf %get3A_550, %get3A_557 : vector<16xf32>
        %add3A_560 = arith.addf %add3A_558, %add3A_559 : vector<16xf32>
        %add3A_561 = arith.addf %add3A_389, %get3A_536 : vector<16xf32>
        %exp3A_562 = math.exp %get3A_536 : vector<16xf32>
        %add3A_563 = arith.addf %add3A_529, %exp3A_562 : vector<16xf32>
        %add3A_564 = arith.addf %add3A_392, %get3A_543 : vector<16xf32>
        %exp3A_565 = math.exp %get3A_543 : vector<16xf32>
        %add3A_566 = arith.addf %add3A_563, %exp3A_565 : vector<16xf32>
        %add3A_567 = arith.addf %add3A_395, %get3A_550 : vector<16xf32>
        %exp3A_568 = math.exp %get3A_550 : vector<16xf32>
        %add3A_569 = arith.addf %add3A_566, %exp3A_568 : vector<16xf32>
        %add3A_570 = arith.addf %add3A_398, %get3A_557 : vector<16xf32>
        %exp3A_571 = math.exp %get3A_557 : vector<16xf32>
        %add3A_572 = arith.addf %add3A_569, %exp3A_571 : vector<16xf32>
        %get3A_573 = arith.constant 0 : i32
        %get3A_574 = arith.constant 41 : i32
        %get3A_575 = arith.index_cast %get3A_573 : i32 to index
        %get3A_576 = arith.index_cast %get3A_574 : i32 to index
        %get3A_577 = arith.index_cast %mul3A_163 : i32 to index
        %get3A_578 = tpu.vector_load %arg5[%get3A_575, %get3A_576, %get3A_577] {strides = array<i32>} : memref<2x66x512xf32, #tpu.memory_space<vmem>>, vector<1x1x16xf32>,
        %get3A_579 = vector.shape_cast %get3A_578 : vector<1x1x16xf32> to vector<16xf32>
        %get3A_580 = arith.constant 0 : i32
        %get3A_581 = arith.constant 42 : i32
        %get3A_582 = arith.index_cast %get3A_580 : i32 to index
        %get3A_583 = arith.index_cast %get3A_581 : i32 to index
        %get3A_584 = arith.index_cast %mul3A_163 : i32 to index
        %get3A_585 = tpu.vector_load %arg5[%get3A_582, %get3A_583, %get3A_584] {strides = array<i32>} : memref<2x66x512xf32, #tpu.memory_space<vmem>>, vector<1x1x16xf32>,
        %get3A_586 = vector.shape_cast %get3A_585 : vector<1x1x16xf32> to vector<16xf32>
        %get3A_587 = arith.constant 0 : i32
        %get3A_588 = arith.constant 43 : i32
        %get3A_589 = arith.index_cast %get3A_587 : i32 to index
        %get3A_590 = arith.index_cast %get3A_588 : i32 to index
        %get3A_591 = arith.index_cast %mul3A_163 : i32 to index
        %get3A_592 = tpu.vector_load %arg5[%get3A_589, %get3A_590, %get3A_591] {strides = array<i32>} : memref<2x66x512xf32, #tpu.memory_space<vmem>>, vector<1x1x16xf32>,
        %get3A_593 = vector.shape_cast %get3A_592 : vector<1x1x16xf32> to vector<16xf32>
        %get3A_594 = arith.constant 0 : i32
        %get3A_595 = arith.constant 44 : i32
        %get3A_596 = arith.index_cast %get3A_594 : i32 to index
        %get3A_597 = arith.index_cast %get3A_595 : i32 to index
        %get3A_598 = arith.index_cast %mul3A_163 : i32 to index
        %get3A_599 = tpu.vector_load %arg5[%get3A_596, %get3A_597, %get3A_598] {strides = array<i32>} : memref<2x66x512xf32, #tpu.memory_space<vmem>>, vector<1x1x16xf32>,
        %get3A_600 = vector.shape_cast %get3A_599 : vector<1x1x16xf32> to vector<16xf32>
        %add3A_601 = arith.addf %get3A_579, %get3A_586 : vector<16xf32>
        %add3A_602 = arith.addf %get3A_593, %get3A_600 : vector<16xf32>
        %add3A_603 = arith.addf %add3A_601, %add3A_602 : vector<16xf32>
        %add3A_604 = arith.addf %add3A_432, %get3A_579 : vector<16xf32>
        %exp3A_605 = math.exp %get3A_579 : vector<16xf32>
        %add3A_606 = arith.addf %add3A_572, %exp3A_605 : vector<16xf32>
        %add3A_607 = arith.addf %add3A_435, %get3A_586 : vector<16xf32>
        %exp3A_608 = math.exp %get3A_586 : vector<16xf32>
        %add3A_609 = arith.addf %add3A_606, %exp3A_608 : vector<16xf32>
        %add3A_610 = arith.addf %add3A_438, %get3A_593 : vector<16xf32>
        %exp3A_611 = math.exp %get3A_593 : vector<16xf32>
        %add3A_612 = arith.addf %add3A_609, %exp3A_611 : vector<16xf32>
        %add3A_613 = arith.addf %add3A_441, %get3A_600 : vector<16xf32>
        %exp3A_614 = math.exp %get3A_600 : vector<16xf32>
        %add3A_615 = arith.addf %add3A_612, %exp3A_614 : vector<16xf32>
        %get3A_616 = arith.constant 0 : i32
        %get3A_617 = arith.constant 45 : i32
        %get3A_618 = arith.index_cast %get3A_616 : i32 to index
        %get3A_619 = arith.index_cast %get3A_617 : i32 to index
        %get3A_620 = arith.index_cast %mul3A_163 : i32 to index
        %get3A_621 = tpu.vector_load %arg5[%get3A_618, %get3A_619, %get3A_620] {strides = array<i32>} : memref<2x66x512xf32, #tpu.memory_space<vmem>>, vector<1x1x16xf32>,
        %get3A_622 = vector.shape_cast %get3A_621 : vector<1x1x16xf32> to vector<16xf32>
        %get3A_623 = arith.constant 0 : i32
        %get3A_624 = arith.constant 46 : i32
        %get3A_625 = arith.index_cast %get3A_623 : i32 to index
        %get3A_626 = arith.index_cast %get3A_624 : i32 to index
        %get3A_627 = arith.index_cast %mul3A_163 : i32 to index
        %get3A_628 = tpu.vector_load %arg5[%get3A_625, %get3A_626, %get3A_627] {strides = array<i32>} : memref<2x66x512xf32, #tpu.memory_space<vmem>>, vector<1x1x16xf32>,
        %get3A_629 = vector.shape_cast %get3A_628 : vector<1x1x16xf32> to vector<16xf32>
        %get3A_630 = arith.constant 0 : i32
        %get3A_631 = arith.constant 47 : i32
        %get3A_632 = arith.index_cast %get3A_630 : i32 to index
        %get3A_633 = arith.index_cast %get3A_631 : i32 to index
        %get3A_634 = arith.index_cast %mul3A_163 : i32 to index
        %get3A_635 = tpu.vector_load %arg5[%get3A_632, %get3A_633, %get3A_634] {strides = array<i32>} : memref<2x66x512xf32, #tpu.memory_space<vmem>>, vector<1x1x16xf32>,
        %get3A_636 = vector.shape_cast %get3A_635 : vector<1x1x16xf32> to vector<16xf32>
        %get3A_637 = arith.constant 0 : i32
        %get3A_638 = arith.constant 48 : i32
        %get3A_639 = arith.index_cast %get3A_637 : i32 to index
        %get3A_640 = arith.index_cast %get3A_638 : i32 to index
        %get3A_641 = arith.index_cast %mul3A_163 : i32 to index
        %get3A_642 = tpu.vector_load %arg5[%get3A_639, %get3A_640, %get3A_641] {strides = array<i32>} : memref<2x66x512xf32, #tpu.memory_space<vmem>>, vector<1x1x16xf32>,
        %get3A_643 = vector.shape_cast %get3A_642 : vector<1x1x16xf32> to vector<16xf32>
        %add3A_644 = arith.addf %get3A_622, %get3A_629 : vector<16xf32>
        %add3A_645 = arith.addf %get3A_636, %get3A_643 : vector<16xf32>
        %add3A_646 = arith.addf %add3A_644, %add3A_645 : vector<16xf32>
        %add3A_647 = arith.addf %add3A_475, %get3A_622 : vector<16xf32>
        %exp3A_648 = math.exp %get3A_622 : vector<16xf32>
        %add3A_649 = arith.addf %add3A_615, %exp3A_648 : vector<16xf32>
        %add3A_650 = arith.addf %add3A_478, %get3A_629 : vector<16xf32>
        %exp3A_651 = math.exp %get3A_629 : vector<16xf32>
        %add3A_652 = arith.addf %add3A_649, %exp3A_651 : vector<16xf32>
        %add3A_653 = arith.addf %add3A_481, %get3A_636 : vector<16xf32>
        %exp3A_654 = math.exp %get3A_636 : vector<16xf32>
        %add3A_655 = arith.addf %add3A_652, %exp3A_654 : vector<16xf32>
        %add3A_656 = arith.addf %add3A_484, %get3A_643 : vector<16xf32>
        %exp3A_657 = math.exp %get3A_643 : vector<16xf32>
        %add3A_658 = arith.addf %add3A_655, %exp3A_657 : vector<16xf32>
        %get3A_659 = arith.constant 0 : i32
        %get3A_660 = arith.constant 49 : i32
        %get3A_661 = arith.index_cast %get3A_659 : i32 to index
        %get3A_662 = arith.index_cast %get3A_660 : i32 to index
        %get3A_663 = arith.index_cast %mul3A_163 : i32 to index
        %get3A_664 = tpu.vector_load %arg5[%get3A_661, %get3A_662, %get3A_663] {strides = array<i32>} : memref<2x66x512xf32, #tpu.memory_space<vmem>>, vector<1x1x16xf32>,
        %get3A_665 = vector.shape_cast %get3A_664 : vector<1x1x16xf32> to vector<16xf32>
        %get3A_666 = arith.constant 0 : i32
        %get3A_667 = arith.constant 50 : i32
        %get3A_668 = arith.index_cast %get3A_666 : i32 to index
        %get3A_669 = arith.index_cast %get3A_667 : i32 to index
        %get3A_670 = arith.index_cast %mul3A_163 : i32 to index
        %get3A_671 = tpu.vector_load %arg5[%get3A_668, %get3A_669, %get3A_670] {strides = array<i32>} : memref<2x66x512xf32, #tpu.memory_space<vmem>>, vector<1x1x16xf32>,
        %get3A_672 = vector.shape_cast %get3A_671 : vector<1x1x16xf32> to vector<16xf32>
        %get3A_673 = arith.constant 0 : i32
        %get3A_674 = arith.constant 51 : i32
        %get3A_675 = arith.index_cast %get3A_673 : i32 to index
        %get3A_676 = arith.index_cast %get3A_674 : i32 to index
        %get3A_677 = arith.index_cast %mul3A_163 : i32 to index
        %get3A_678 = tpu.vector_load %arg5[%get3A_675, %get3A_676, %get3A_677] {strides = array<i32>} : memref<2x66x512xf32, #tpu.memory_space<vmem>>, vector<1x1x16xf32>,
        %get3A_679 = vector.shape_cast %get3A_678 : vector<1x1x16xf32> to vector<16xf32>
        %get3A_680 = arith.constant 0 : i32
        %get3A_681 = arith.constant 52 : i32
        %get3A_682 = arith.index_cast %get3A_680 : i32 to index
        %get3A_683 = arith.index_cast %get3A_681 : i32 to index
        %get3A_684 = arith.index_cast %mul3A_163 : i32 to index
        %get3A_685 = tpu.vector_load %arg5[%get3A_682, %get3A_683, %get3A_684] {strides = array<i32>} : memref<2x66x512xf32, #tpu.memory_space<vmem>>, vector<1x1x16xf32>,
        %get3A_686 = vector.shape_cast %get3A_685 : vector<1x1x16xf32> to vector<16xf32>
        %add3A_687 = arith.addf %get3A_665, %get3A_672 : vector<16xf32>
        %add3A_688 = arith.addf %get3A_679, %get3A_686 : vector<16xf32>
        %add3A_689 = arith.addf %add3A_687, %add3A_688 : vector<16xf32>
        %add3A_690 = arith.addf %add3A_518, %get3A_665 : vector<16xf32>
        %exp3A_691 = math.exp %get3A_665 : vector<16xf32>
        %add3A_692 = arith.addf %add3A_658, %exp3A_691 : vector<16xf32>
        %add3A_693 = arith.addf %add3A_521, %get3A_672 : vector<16xf32>
        %exp3A_694 = math.exp %get3A_672 : vector<16xf32>
        %add3A_695 = arith.addf %add3A_692, %exp3A_694 : vector<16xf32>
        %add3A_696 = arith.addf %add3A_524, %get3A_679 : vector<16xf32>
        %exp3A_697 = math.exp %get3A_679 : vector<16xf32>
        %add3A_698 = arith.addf %add3A_695, %exp3A_697 : vector<16xf32>
        %add3A_699 = arith.addf %add3A_527, %get3A_686 : vector<16xf32>
        %exp3A_700 = math.exp %get3A_686 : vector<16xf32>
        %add3A_701 = arith.addf %add3A_698, %exp3A_700 : vector<16xf32>
        %get3A_702 = arith.constant 0 : i32
        %get3A_703 = arith.constant 53 : i32
        %get3A_704 = arith.index_cast %get3A_702 : i32 to index
        %get3A_705 = arith.index_cast %get3A_703 : i32 to index
        %get3A_706 = arith.index_cast %mul3A_163 : i32 to index
        %get3A_707 = tpu.vector_load %arg5[%get3A_704, %get3A_705, %get3A_706] {strides = array<i32>} : memref<2x66x512xf32, #tpu.memory_space<vmem>>, vector<1x1x16xf32>,
        %get3A_708 = vector.shape_cast %get3A_707 : vector<1x1x16xf32> to vector<16xf32>
        %get3A_709 = arith.constant 0 : i32
        %get3A_710 = arith.constant 54 : i32
        %get3A_711 = arith.index_cast %get3A_709 : i32 to index
        %get3A_712 = arith.index_cast %get3A_710 : i32 to index
        %get3A_713 = arith.index_cast %mul3A_163 : i32 to index
        %get3A_714 = tpu.vector_load %arg5[%get3A_711, %get3A_712, %get3A_713] {strides = array<i32>} : memref<2x66x512xf32, #tpu.memory_space<vmem>>, vector<1x1x16xf32>,
        %get3A_715 = vector.shape_cast %get3A_714 : vector<1x1x16xf32> to vector<16xf32>
        %get3A_716 = arith.constant 0 : i32
        %get3A_717 = arith.constant 55 : i32
        %get3A_718 = arith.index_cast %get3A_716 : i32 to index
        %get3A_719 = arith.index_cast %get3A_717 : i32 to index
        %get3A_720 = arith.index_cast %mul3A_163 : i32 to index
        %get3A_721 = tpu.vector_load %arg5[%get3A_718, %get3A_719, %get3A_720] {strides = array<i32>} : memref<2x66x512xf32, #tpu.memory_space<vmem>>, vector<1x1x16xf32>,
        %get3A_722 = vector.shape_cast %get3A_721 : vector<1x1x16xf32> to vector<16xf32>
        %get3A_723 = arith.constant 0 : i32
        %get3A_724 = arith.constant 56 : i32
        %get3A_725 = arith.index_cast %get3A_723 : i32 to index
        %get3A_726 = arith.index_cast %get3A_724 : i32 to index
        %get3A_727 = arith.index_cast %mul3A_163 : i32 to index
        %get3A_728 = tpu.vector_load %arg5[%get3A_725, %get3A_726, %get3A_727] {strides = array<i32>} : memref<2x66x512xf32, #tpu.memory_space<vmem>>, vector<1x1x16xf32>,
        %get3A_729 = vector.shape_cast %get3A_728 : vector<1x1x16xf32> to vector<16xf32>
        %add3A_730 = arith.addf %get3A_708, %get3A_715 : vector<16xf32>
        %add3A_731 = arith.addf %get3A_722, %get3A_729 : vector<16xf32>
        %add3A_732 = arith.addf %add3A_730, %add3A_731 : vector<16xf32>
        %add3A_733 = arith.addf %add3A_561, %get3A_708 : vector<16xf32>
        %exp3A_734 = math.exp %get3A_708 : vector<16xf32>
        %add3A_735 = arith.addf %add3A_701, %exp3A_734 : vector<16xf32>
        %add3A_736 = arith.addf %add3A_564, %get3A_715 : vector<16xf32>
        %exp3A_737 = math.exp %get3A_715 : vector<16xf32>
        %add3A_738 = arith.addf %add3A_735, %exp3A_737 : vector<16xf32>
        %add3A_739 = arith.addf %add3A_567, %get3A_722 : vector<16xf32>
        %exp3A_740 = math.exp %get3A_722 : vector<16xf32>
        %add3A_741 = arith.addf %add3A_738, %exp3A_740 : vector<16xf32>
        %add3A_742 = arith.addf %add3A_570, %get3A_729 : vector<16xf32>
        %exp3A_743 = math.exp %get3A_729 : vector<16xf32>
        %add3A_744 = arith.addf %add3A_741, %exp3A_743 : vector<16xf32>
        %get3A_745 = arith.constant 0 : i32
        %get3A_746 = arith.constant 57 : i32
        %get3A_747 = arith.index_cast %get3A_745 : i32 to index
        %get3A_748 = arith.index_cast %get3A_746 : i32 to index
        %get3A_749 = arith.index_cast %mul3A_163 : i32 to index
        %get3A_750 = tpu.vector_load %arg5[%get3A_747, %get3A_748, %get3A_749] {strides = array<i32>} : memref<2x66x512xf32, #tpu.memory_space<vmem>>, vector<1x1x16xf32>,
        %get3A_751 = vector.shape_cast %get3A_750 : vector<1x1x16xf32> to vector<16xf32>
        %get3A_752 = arith.constant 0 : i32
        %get3A_753 = arith.constant 58 : i32
        %get3A_754 = arith.index_cast %get3A_752 : i32 to index
        %get3A_755 = arith.index_cast %get3A_753 : i32 to index
        %get3A_756 = arith.index_cast %mul3A_163 : i32 to index
        %get3A_757 = tpu.vector_load %arg5[%get3A_754, %get3A_755, %get3A_756] {strides = array<i32>} : memref<2x66x512xf32, #tpu.memory_space<vmem>>, vector<1x1x16xf32>,
        %get3A_758 = vector.shape_cast %get3A_757 : vector<1x1x16xf32> to vector<16xf32>
        %get3A_759 = arith.constant 0 : i32
        %get3A_760 = arith.constant 59 : i32
        %get3A_761 = arith.index_cast %get3A_759 : i32 to index
        %get3A_762 = arith.index_cast %get3A_760 : i32 to index
        %get3A_763 = arith.index_cast %mul3A_163 : i32 to index
        %get3A_764 = tpu.vector_load %arg5[%get3A_761, %get3A_762, %get3A_763] {strides = array<i32>} : memref<2x66x512xf32, #tpu.memory_space<vmem>>, vector<1x1x16xf32>,
        %get3A_765 = vector.shape_cast %get3A_764 : vector<1x1x16xf32> to vector<16xf32>
        %get3A_766 = arith.constant 0 : i32
        %get3A_767 = arith.constant 60 : i32
        %get3A_768 = arith.index_cast %get3A_766 : i32 to index
        %get3A_769 = arith.index_cast %get3A_767 : i32 to index
        %get3A_770 = arith.index_cast %mul3A_163 : i32 to index
        %get3A_771 = tpu.vector_load %arg5[%get3A_768, %get3A_769, %get3A_770] {strides = array<i32>} : memref<2x66x512xf32, #tpu.memory_space<vmem>>, vector<1x1x16xf32>,
        %get3A_772 = vector.shape_cast %get3A_771 : vector<1x1x16xf32> to vector<16xf32>
        %add3A_773 = arith.addf %get3A_751, %get3A_758 : vector<16xf32>
        %add3A_774 = arith.addf %get3A_765, %get3A_772 : vector<16xf32>
        %add3A_775 = arith.addf %add3A_773, %add3A_774 : vector<16xf32>
        %add3A_776 = arith.addf %add3A_604, %get3A_751 : vector<16xf32>
        %exp3A_777 = math.exp %get3A_751 : vector<16xf32>
        %add3A_778 = arith.addf %add3A_744, %exp3A_777 : vector<16xf32>
        %add3A_779 = arith.addf %add3A_607, %get3A_758 : vector<16xf32>
        %exp3A_780 = math.exp %get3A_758 : vector<16xf32>
        %add3A_781 = arith.addf %add3A_778, %exp3A_780 : vector<16xf32>
        %add3A_782 = arith.addf %add3A_610, %get3A_765 : vector<16xf32>
        %exp3A_783 = math.exp %get3A_765 : vector<16xf32>
        %add3A_784 = arith.addf %add3A_781, %exp3A_783 : vector<16xf32>
        %add3A_785 = arith.addf %add3A_613, %get3A_772 : vector<16xf32>
        %exp3A_786 = math.exp %get3A_772 : vector<16xf32>
        %add3A_787 = arith.addf %add3A_784, %exp3A_786 : vector<16xf32>
        %get3A_788 = arith.constant 0 : i32
        %get3A_789 = arith.constant 61 : i32
        %get3A_790 = arith.index_cast %get3A_788 : i32 to index
        %get3A_791 = arith.index_cast %get3A_789 : i32 to index
        %get3A_792 = arith.index_cast %mul3A_163 : i32 to index
        %get3A_793 = tpu.vector_load %arg5[%get3A_790, %get3A_791, %get3A_792] {strides = array<i32>} : memref<2x66x512xf32, #tpu.memory_space<vmem>>, vector<1x1x16xf32>,
        %get3A_794 = vector.shape_cast %get3A_793 : vector<1x1x16xf32> to vector<16xf32>
        %get3A_795 = arith.constant 0 : i32
        %get3A_796 = arith.constant 62 : i32
        %get3A_797 = arith.index_cast %get3A_795 : i32 to index
        %get3A_798 = arith.index_cast %get3A_796 : i32 to index
        %get3A_799 = arith.index_cast %mul3A_163 : i32 to index
        %get3A_800 = tpu.vector_load %arg5[%get3A_797, %get3A_798, %get3A_799] {strides = array<i32>} : memref<2x66x512xf32, #tpu.memory_space<vmem>>, vector<1x1x16xf32>,
        %get3A_801 = vector.shape_cast %get3A_800 : vector<1x1x16xf32> to vector<16xf32>
        %get3A_802 = arith.constant 0 : i32
        %get3A_803 = arith.constant 63 : i32
        %get3A_804 = arith.index_cast %get3A_802 : i32 to index
        %get3A_805 = arith.index_cast %get3A_803 : i32 to index
        %get3A_806 = arith.index_cast %mul3A_163 : i32 to index
        %get3A_807 = tpu.vector_load %arg5[%get3A_804, %get3A_805, %get3A_806] {strides = array<i32>} : memref<2x66x512xf32, #tpu.memory_space<vmem>>, vector<1x1x16xf32>,
        %get3A_808 = vector.shape_cast %get3A_807 : vector<1x1x16xf32> to vector<16xf32>
        %get3A_809 = arith.constant 0 : i32
        %get3A_810 = arith.constant 64 : i32
        %get3A_811 = arith.index_cast %get3A_809 : i32 to index
        %get3A_812 = arith.index_cast %get3A_810 : i32 to index
        %get3A_813 = arith.index_cast %mul3A_163 : i32 to index
        %get3A_814 = tpu.vector_load %arg5[%get3A_811, %get3A_812, %get3A_813] {strides = array<i32>} : memref<2x66x512xf32, #tpu.memory_space<vmem>>, vector<1x1x16xf32>,
        %get3A_815 = vector.shape_cast %get3A_814 : vector<1x1x16xf32> to vector<16xf32>
        %add3A_816 = arith.addf %get3A_794, %get3A_801 : vector<16xf32>
        %add3A_817 = arith.addf %get3A_808, %get3A_815 : vector<16xf32>
        %add3A_818 = arith.addf %add3A_816, %add3A_817 : vector<16xf32>
        %add3A_819 = arith.addf %add3A_647, %get3A_794 : vector<16xf32>
        %exp3A_820 = math.exp %get3A_794 : vector<16xf32>
        %add3A_821 = arith.addf %add3A_787, %exp3A_820 : vector<16xf32>
        %add3A_822 = arith.addf %add3A_650, %get3A_801 : vector<16xf32>
        %exp3A_823 = math.exp %get3A_801 : vector<16xf32>
        %add3A_824 = arith.addf %add3A_821, %exp3A_823 : vector<16xf32>
        %add3A_825 = arith.addf %add3A_653, %get3A_808 : vector<16xf32>
        %exp3A_826 = math.exp %get3A_808 : vector<16xf32>
        %add3A_827 = arith.addf %add3A_824, %exp3A_826 : vector<16xf32>
        %add3A_828 = arith.addf %add3A_656, %get3A_815 : vector<16xf32>
        %exp3A_829 = math.exp %get3A_815 : vector<16xf32>
        %add3A_830 = arith.addf %add3A_827, %exp3A_829 : vector<16xf32>
        %get3A_831 = arith.constant 0 : i32
        %get3A_832 = arith.constant 65 : i32
        %get3A_833 = arith.index_cast %get3A_831 : i32 to index
        %get3A_834 = arith.index_cast %get3A_832 : i32 to index
        %get3A_835 = arith.index_cast %mul3A_163 : i32 to index
        %get3A_836 = tpu.vector_load %arg5[%get3A_833, %get3A_834, %get3A_835] {strides = array<i32>} : memref<2x66x512xf32, #tpu.memory_space<vmem>>, vector<1x1x16xf32>,
        %get3A_837 = vector.shape_cast %get3A_836 : vector<1x1x16xf32> to vector<16xf32>
        %exp3A_838 = math.exp %get3A_837 : vector<16xf32>
        %add3A_839 = arith.addf %add3A_830, %exp3A_838 : vector<16xf32>
        %add3A_840 = arith.addf %add3A_201, %add3A_232 : vector<16xf32>
        %add3A_841 = arith.addf %add3A_267, %add3A_306 : vector<16xf32>
        %add3A_842 = arith.addf %add3A_840, %add3A_841 : vector<16xf32>
        %add3A_843 = arith.addf %add3A_345, %add3A_388 : vector<16xf32>
        %add3A_844 = arith.addf %add3A_431, %add3A_474 : vector<16xf32>
        %add3A_845 = arith.addf %add3A_843, %add3A_844 : vector<16xf32>
        %add3A_846 = arith.addf %add3A_517, %add3A_560 : vector<16xf32>
        %add3A_847 = arith.addf %add3A_603, %add3A_646 : vector<16xf32>
        %add3A_848 = arith.addf %add3A_846, %add3A_847 : vector<16xf32>
        %add3A_849 = arith.addf %add3A_689, %add3A_732 : vector<16xf32>
        %add3A_850 = arith.addf %add3A_775, %add3A_818 : vector<16xf32>
        %add3A_851 = arith.addf %add3A_849, %add3A_850 : vector<16xf32>
        %add3A_852 = arith.addf %add3A_201, %add3A_345 : vector<16xf32>
        %add3A_853 = arith.addf %add3A_517, %add3A_689 : vector<16xf32>
        %add3A_854 = arith.addf %add3A_852, %add3A_853 : vector<16xf32>
        %add3A_855 = arith.addf %add3A_232, %add3A_388 : vector<16xf32>
        %add3A_856 = arith.addf %add3A_560, %add3A_732 : vector<16xf32>
        %add3A_857 = arith.addf %add3A_855, %add3A_856 : vector<16xf32>
        %add3A_858 = arith.addf %add3A_267, %add3A_431 : vector<16xf32>
        %add3A_859 = arith.addf %add3A_603, %add3A_775 : vector<16xf32>
        %add3A_860 = arith.addf %add3A_858, %add3A_859 : vector<16xf32>
        %add3A_861 = arith.addf %add3A_306, %add3A_474 : vector<16xf32>
        %add3A_862 = arith.addf %add3A_646, %add3A_818 : vector<16xf32>
        %add3A_863 = arith.addf %add3A_861, %add3A_862 : vector<16xf32>
        %add3A_864 = arith.addf %add3A_690, %add3A_733 : vector<16xf32>
        %add3A_865 = arith.addf %add3A_776, %add3A_819 : vector<16xf32>
        %add3A_866 = arith.addf %add3A_864, %add3A_865 : vector<16xf32>
        %add3A_867 = arith.addf %add3A_693, %add3A_736 : vector<16xf32>
        %add3A_868 = arith.addf %add3A_779, %add3A_822 : vector<16xf32>
        %add3A_869 = arith.addf %add3A_867, %add3A_868 : vector<16xf32>
        %add3A_870 = arith.addf %add3A_696, %add3A_739 : vector<16xf32>
        %add3A_871 = arith.addf %add3A_782, %add3A_825 : vector<16xf32>
        %add3A_872 = arith.addf %add3A_870, %add3A_871 : vector<16xf32>
        %add3A_873 = arith.addf %add3A_699, %add3A_742 : vector<16xf32>
        %add3A_874 = arith.addf %add3A_785, %add3A_828 : vector<16xf32>
        %add3A_875 = arith.addf %add3A_873, %add3A_874 : vector<16xf32>
        %get3A_876 = arith.constant 0 : i32
        %get3A_877 = arith.constant 0 : i32
        %get3A_878 = arith.index_cast %get3A_876 : i32 to index
        %get3A_879 = arith.index_cast %get3A_877 : i32 to index
        %get3A_880 = arith.index_cast %mul3A_163 : i32 to index
        %get3A_881 = tpu.vector_load %arg5[%get3A_878, %get3A_879, %get3A_880] {strides = array<i32>} : memref<2x66x512xf32, #tpu.memory_space<vmem>>, vector<1x1x16xf32>,
        %get3A_882 = vector.shape_cast %get3A_881 : vector<1x1x16xf32> to vector<16xf32>
        %add3A_883 = arith.addf %get3A_882, %get3A_882 : vector<16xf32>
        %add3A_884 = arith.addf %get3A_208, %get3A_837 : vector<16xf32>
        %sub3A = arith.constant 1 : i32
        %sub3A_885 = vector.broadcast %sub3A : i32 to vector<16xi32>
        %sub3A_886 = arith.subi %get3A_167, %sub3A_885 : vector<16xi32>
        %shift_right_arithmetic3A_887 = arith.constant 4 : i32
        %shift_right_arithmetic3A_888 = vector.broadcast %shift_right_arithmetic3A_887 : i32 to vector<16xi32>
        %shift_right_arithmetic3A_889 = arith.shrsi %sub3A_886, %shift_right_arithmetic3A_888 : vector<16xi32>
        %shift_right_arithmetic3A_890 = arith.constant 2 : i32
        %shift_right_arithmetic3A_891 = vector.broadcast %shift_right_arithmetic3A_890 : i32 to vector<16xi32>
        %shift_right_arithmetic3A_892 = arith.shrsi %sub3A_886, %shift_right_arithmetic3A_891 : vector<16xi32>
        %and3A_893 = arith.constant 3 : i32
        %and3A_894 = vector.broadcast %and3A_893 : i32 to vector<16xi32>
        %and3A_895 = arith.andi %shift_right_arithmetic3A_892, %and3A_894 : vector<16xi32>
        %and3A_896 = arith.constant 3 : i32
        %and3A_897 = vector.broadcast %and3A_896 : i32 to vector<16xi32>
        %and3A_898 = arith.andi %sub3A_886, %and3A_897 : vector<16xi32>
        %eq3A = arith.constant 0 : i32
        %eq3A_899 = vector.broadcast %eq3A : i32 to vector<16xi32>
        %eq3A_900 = arith.cmpi eq, %get3A_167, %eq3A_899 : vector<16xi32>
        %eq3A_901 = arith.constant 65 : i32
        %eq3A_902 = vector.broadcast %eq3A_901 : i32 to vector<16xi32>
        %eq3A_903 = arith.cmpi eq, %get3A_167, %eq3A_902 : vector<16xi32>
        %add3A_904 = arith.addf %get3A_177, %add3A_842 : vector<16xf32>
        %add3A_905 = arith.addf %get3A_184, %add3A_845 : vector<16xf32>
        %add3A_906 = arith.addf %get3A_191, %add3A_848 : vector<16xf32>
        %add3A_907 = arith.addf %get3A_198, %add3A_851 : vector<16xf32>
        %exp3A_908 = math.exp %add3A_883 : vector<16xf32>
        %exp3A_909 = math.exp %add3A_904 : vector<16xf32>
        %exp3A_910 = math.exp %add3A_905 : vector<16xf32>
        %exp3A_911 = math.exp %add3A_906 : vector<16xf32>
        %exp3A_912 = math.exp %add3A_907 : vector<16xf32>
        %exp3A_913 = math.exp %add3A_884 : vector<16xf32>
        %add3A_914 = arith.addf %exp3A_908, %exp3A_909 : vector<16xf32>
        %add3A_915 = arith.addf %exp3A_910, %exp3A_911 : vector<16xf32>
        %add3A_916 = arith.addf %exp3A_912, %exp3A_913 : vector<16xf32>
        %add3A_917 = arith.addf %add3A_914, %add3A_915 : vector<16xf32>
        %add3A_918 = arith.addf %add3A_917, %add3A_916 : vector<16xf32>
        %add3A_919 = arith.addf %add3A_839, %add3A_918 : vector<16xf32>
        %add3A_920 = arith.constant 1 : i32
        %add3A_921 = vector.broadcast %add3A_920 : i32 to vector<16xi32>
        %add3A_922 = arith.addi %shift_right_arithmetic3A_889, %add3A_921 : vector<16xi32>
        %jit3A = arith.constant 5 : i32
        %broadcast_in_dim3A_923 = vector.broadcast %jit3A : i32 to vector<16xi32>
        %select_n3A = arith.select %eq3A_903, %broadcast_in_dim3A_923, %add3A_922 : vector<16xi1>, vector<16xi32>
        %jit3A_924 = arith.constant 0 : i32
        %broadcast_in_dim3A_925 = vector.broadcast %jit3A_924 : i32 to vector<16xi32>
        %select_n3A_926 = arith.select %eq3A_900, %broadcast_in_dim3A_925, %select_n3A : vector<16xi1>, vector<16xi32>
        %eq3A_927 = arith.constant 0 : i32
        %eq3A_928 = vector.broadcast %eq3A_927 : i32 to vector<16xi32>
        %eq3A_929 = arith.cmpi eq, %select_n3A_926, %eq3A_928 : vector<16xi32>
        %jit3A_930 = arith.constant 0.000000e+00 : f32
        %broadcast_in_dim3A_931 = vector.broadcast %jit3A_930 : f32 to vector<16xf32>
        %select_n3A_932 = arith.select %eq3A_929, %add3A_883, %broadcast_in_dim3A_931 : vector<16xi1>, vector<16xf32>
        %eq3A_933 = arith.constant 1 : i32
        %eq3A_934 = vector.broadcast %eq3A_933 : i32 to vector<16xi32>
        %eq3A_935 = arith.cmpi eq, %select_n3A_926, %eq3A_934 : vector<16xi32>
        %jit3A_936 = arith.constant 0.000000e+00 : f32
        %broadcast_in_dim3A_937 = vector.broadcast %jit3A_936 : f32 to vector<16xf32>
        %select_n3A_938 = arith.select %eq3A_935, %add3A_904, %broadcast_in_dim3A_937 : vector<16xi1>, vector<16xf32>
        %eq3A_939 = arith.constant 2 : i32
        %eq3A_940 = vector.broadcast %eq3A_939 : i32 to vector<16xi32>
        %eq3A_941 = arith.cmpi eq, %select_n3A_926, %eq3A_940 : vector<16xi32>
        %jit3A_942 = arith.constant 0.000000e+00 : f32
        %broadcast_in_dim3A_943 = vector.broadcast %jit3A_942 : f32 to vector<16xf32>
        %select_n3A_944 = arith.select %eq3A_941, %add3A_905, %broadcast_in_dim3A_943 : vector<16xi1>, vector<16xf32>
        %eq3A_945 = arith.constant 3 : i32
        %eq3A_946 = vector.broadcast %eq3A_945 : i32 to vector<16xi32>
        %eq3A_947 = arith.cmpi eq, %select_n3A_926, %eq3A_946 : vector<16xi32>
        %jit3A_948 = arith.constant 0.000000e+00 : f32
        %broadcast_in_dim3A_949 = vector.broadcast %jit3A_948 : f32 to vector<16xf32>
        %select_n3A_950 = arith.select %eq3A_947, %add3A_906, %broadcast_in_dim3A_949 : vector<16xi1>, vector<16xf32>
        %eq3A_951 = arith.constant 4 : i32
        %eq3A_952 = vector.broadcast %eq3A_951 : i32 to vector<16xi32>
        %eq3A_953 = arith.cmpi eq, %select_n3A_926, %eq3A_952 : vector<16xi32>
        %jit3A_954 = arith.constant 0.000000e+00 : f32
        %broadcast_in_dim3A_955 = vector.broadcast %jit3A_954 : f32 to vector<16xf32>
        %select_n3A_956 = arith.select %eq3A_953, %add3A_907, %broadcast_in_dim3A_955 : vector<16xi1>, vector<16xf32>
        %eq3A_957 = arith.constant 5 : i32
        %eq3A_958 = vector.broadcast %eq3A_957 : i32 to vector<16xi32>
        %eq3A_959 = arith.cmpi eq, %select_n3A_926, %eq3A_958 : vector<16xi32>
        %jit3A_960 = arith.constant 0.000000e+00 : f32
        %broadcast_in_dim3A_961 = vector.broadcast %jit3A_960 : f32 to vector<16xf32>
        %select_n3A_962 = arith.select %eq3A_959, %add3A_884, %broadcast_in_dim3A_961 : vector<16xi1>, vector<16xf32>
        %add3A_963 = arith.addf %select_n3A_932, %select_n3A_938 : vector<16xf32>
        %add3A_964 = arith.addf %select_n3A_944, %select_n3A_950 : vector<16xf32>
        %add3A_965 = arith.addf %select_n3A_956, %select_n3A_962 : vector<16xf32>
        %add3A_966 = arith.addf %add3A_963, %add3A_964 : vector<16xf32>
        %add3A_967 = arith.addf %add3A_966, %add3A_965 : vector<16xf32>
        %bitcast_convert_type3A = tpu.bitcast %add3A_919 : vector<16xf32> -> vector<16xi32>
        %shift_right_arithmetic3A_968 = arith.constant 23 : i32
        %shift_right_arithmetic3A_969 = vector.broadcast %shift_right_arithmetic3A_968 : i32 to vector<16xi32>
        %shift_right_arithmetic3A_970 = arith.shrsi %bitcast_convert_type3A, %shift_right_arithmetic3A_969 : vector<16xi32>
        %sub3A_971 = arith.constant 127 : i32
        %sub3A_972 = vector.broadcast %sub3A_971 : i32 to vector<16xi32>
        %sub3A_973 = arith.subi %shift_right_arithmetic3A_970, %sub3A_972 : vector<16xi32>
        %and3A_974 = arith.constant 8388607 : i32
        %and3A_975 = vector.broadcast %and3A_974 : i32 to vector<16xi32>
        %and3A_976 = arith.andi %bitcast_convert_type3A, %and3A_975 : vector<16xi32>
        %or3A = arith.constant 1065353216 : i32
        %or3A_977 = vector.broadcast %or3A : i32 to vector<16xi32>
        %or3A_978 = arith.ori %and3A_976, %or3A_977 : vector<16xi32>
        %bitcast_convert_type3A_979 = tpu.bitcast %or3A_978 : vector<16xi32> -> vector<16xf32>
        %gt3A = arith.constant 1.41421354 : f32
        %gt3A_980 = vector.broadcast %gt3A : f32 to vector<16xf32>
        %gt3A_981 = arith.cmpf ogt, %bitcast_convert_type3A_979, %gt3A_980 : vector<16xf32>
        %mul3A_982 = arith.constant 5.000000e-01 : f32
        %mul3A_983 = vector.broadcast %mul3A_982 : f32 to vector<16xf32>
        %mul3A_984 = arith.mulf %bitcast_convert_type3A_979, %mul3A_983 : vector<16xf32>
        %select_n3A_985 = arith.select %gt3A_981, %mul3A_984, %bitcast_convert_type3A_979 : vector<16xi1>, vector<16xf32>
        %convert_element_type3A_986 = arith.sitofp %sub3A_973 : vector<16xi32> to vector<16xf32>
        %jit3A_987 = arith.constant 1.000000e+00 : f32
        %jit3A_988 = arith.constant 0.000000e+00 : f32
        %broadcast_in_dim3A_989 = vector.broadcast %jit3A_987 : f32 to vector<16xf32>
        %broadcast_in_dim3A_990 = vector.broadcast %jit3A_988 : f32 to vector<16xf32>
        %select_n3A_991 = arith.select %gt3A_981, %broadcast_in_dim3A_989, %broadcast_in_dim3A_990 : vector<16xi1>, vector<16xf32>
        %add3A_992 = arith.addf %convert_element_type3A_986, %select_n3A_991 : vector<16xf32>
        %sub3A_993 = arith.constant 1.000000e+00 : f32
        %sub3A_994 = vector.broadcast %sub3A_993 : f32 to vector<16xf32>
        %sub3A_995 = arith.subf %select_n3A_985, %sub3A_994 : vector<16xf32>
        %add3A_996 = arith.constant 1.000000e+00 : f32
        %add3A_997 = vector.broadcast %add3A_996 : f32 to vector<16xf32>
        %add3A_998 = arith.addf %select_n3A_985, %add3A_997 : vector<16xf32>
        %div3A = arith.divf %sub3A_995, %add3A_998 : vector<16xf32>
        %mul3A_999 = arith.mulf %div3A, %div3A : vector<16xf32>
        %mul3A_1000 = arith.constant 0.285714298 : f32
        %mul3A_1001 = vector.broadcast %mul3A_1000 : f32 to vector<16xf32>
        %mul3A_1002 = arith.mulf %mul3A_999, %mul3A_1001 : vector<16xf32>
        %add3A_1003 = arith.constant 4.000000e-01 : f32
        %add3A_1004 = vector.broadcast %add3A_1003 : f32 to vector<16xf32>
        %add3A_1005 = arith.addf %add3A_1004, %mul3A_1002 : vector<16xf32>
        %mul3A_1006 = arith.mulf %mul3A_999, %add3A_1005 : vector<16xf32>
        %add3A_1007 = arith.constant 0.666666627 : f32
        %add3A_1008 = vector.broadcast %add3A_1007 : f32 to vector<16xf32>
        %add3A_1009 = arith.addf %add3A_1008, %mul3A_1006 : vector<16xf32>
        %mul3A_1010 = arith.mulf %mul3A_999, %add3A_1009 : vector<16xf32>
        %add3A_1011 = arith.constant 2.000000e+00 : f32
        %add3A_1012 = vector.broadcast %add3A_1011 : f32 to vector<16xf32>
        %add3A_1013 = arith.addf %add3A_1012, %mul3A_1010 : vector<16xf32>
        %mul3A_1014 = arith.constant 0.693147182 : f32
        %mul3A_1015 = vector.broadcast %mul3A_1014 : f32 to vector<16xf32>
        %mul3A_1016 = arith.mulf %add3A_992, %mul3A_1015 : vector<16xf32>
        %mul3A_1017 = arith.mulf %div3A, %add3A_1013 : vector<16xf32>
        %add3A_1018 = arith.addf %mul3A_1016, %mul3A_1017 : vector<16xf32>
        %sub3A_1019 = arith.subf %add3A_1018, %add3A_967 : vector<16xf32>
        %mul3A_1020 = arith.constant 1.000000e+00 : f32
        %mul3A_1021 = vector.broadcast %mul3A_1020 : f32 to vector<16xf32>
        %mul3A_1022 = arith.mulf %sub3A_1019, %mul3A_1021 : vector<16xf32>
        %add3A_1023 = arith.addf %get3A_177, %add3A_854 : vector<16xf32>
        %add3A_1024 = arith.addf %get3A_184, %add3A_857 : vector<16xf32>
        %add3A_1025 = arith.addf %get3A_191, %add3A_860 : vector<16xf32>
        %add3A_1026 = arith.addf %get3A_198, %add3A_863 : vector<16xf32>
        %exp3A_1027 = math.exp %add3A_883 : vector<16xf32>
        %exp3A_1028 = math.exp %add3A_1023 : vector<16xf32>
        %exp3A_1029 = math.exp %add3A_1024 : vector<16xf32>
        %exp3A_1030 = math.exp %add3A_1025 : vector<16xf32>
        %exp3A_1031 = math.exp %add3A_1026 : vector<16xf32>
        %exp3A_1032 = math.exp %add3A_884 : vector<16xf32>
        %add3A_1033 = arith.addf %exp3A_1027, %exp3A_1028 : vector<16xf32>
        %add3A_1034 = arith.addf %exp3A_1029, %exp3A_1030 : vector<16xf32>
        %add3A_1035 = arith.addf %exp3A_1031, %exp3A_1032 : vector<16xf32>
        %add3A_1036 = arith.addf %add3A_1033, %add3A_1034 : vector<16xf32>
        %add3A_1037 = arith.addf %add3A_1036, %add3A_1035 : vector<16xf32>
        %add3A_1038 = arith.addf %add3A_839, %add3A_1037 : vector<16xf32>
        %add3A_1039 = arith.constant 1 : i32
        %add3A_1040 = vector.broadcast %add3A_1039 : i32 to vector<16xi32>
        %add3A_1041 = arith.addi %and3A_895, %add3A_1040 : vector<16xi32>
        %jit3A_1042 = arith.constant 5 : i32
        %broadcast_in_dim3A_1043 = vector.broadcast %jit3A_1042 : i32 to vector<16xi32>
        %select_n3A_1044 = arith.select %eq3A_903, %broadcast_in_dim3A_1043, %add3A_1041 : vector<16xi1>, vector<16xi32>
        %jit3A_1045 = arith.constant 0 : i32
        %broadcast_in_dim3A_1046 = vector.broadcast %jit3A_1045 : i32 to vector<16xi32>
        %select_n3A_1047 = arith.select %eq3A_900, %broadcast_in_dim3A_1046, %select_n3A_1044 : vector<16xi1>, vector<16xi32>
        %eq3A_1048 = arith.constant 0 : i32
        %eq3A_1049 = vector.broadcast %eq3A_1048 : i32 to vector<16xi32>
        %eq3A_1050 = arith.cmpi eq, %select_n3A_1047, %eq3A_1049 : vector<16xi32>
        %jit3A_1051 = arith.constant 0.000000e+00 : f32
        %broadcast_in_dim3A_1052 = vector.broadcast %jit3A_1051 : f32 to vector<16xf32>
        %select_n3A_1053 = arith.select %eq3A_1050, %add3A_883, %broadcast_in_dim3A_1052 : vector<16xi1>, vector<16xf32>
        %eq3A_1054 = arith.constant 1 : i32
        %eq3A_1055 = vector.broadcast %eq3A_1054 : i32 to vector<16xi32>
        %eq3A_1056 = arith.cmpi eq, %select_n3A_1047, %eq3A_1055 : vector<16xi32>
        %jit3A_1057 = arith.constant 0.000000e+00 : f32
        %broadcast_in_dim3A_1058 = vector.broadcast %jit3A_1057 : f32 to vector<16xf32>
        %select_n3A_1059 = arith.select %eq3A_1056, %add3A_1023, %broadcast_in_dim3A_1058 : vector<16xi1>, vector<16xf32>
        %eq3A_1060 = arith.constant 2 : i32
        %eq3A_1061 = vector.broadcast %eq3A_1060 : i32 to vector<16xi32>
        %eq3A_1062 = arith.cmpi eq, %select_n3A_1047, %eq3A_1061 : vector<16xi32>
        %jit3A_1063 = arith.constant 0.000000e+00 : f32
        %broadcast_in_dim3A_1064 = vector.broadcast %jit3A_1063 : f32 to vector<16xf32>
        %select_n3A_1065 = arith.select %eq3A_1062, %add3A_1024, %broadcast_in_dim3A_1064 : vector<16xi1>, vector<16xf32>
        %eq3A_1066 = arith.constant 3 : i32
        %eq3A_1067 = vector.broadcast %eq3A_1066 : i32 to vector<16xi32>
        %eq3A_1068 = arith.cmpi eq, %select_n3A_1047, %eq3A_1067 : vector<16xi32>
        %jit3A_1069 = arith.constant 0.000000e+00 : f32
        %broadcast_in_dim3A_1070 = vector.broadcast %jit3A_1069 : f32 to vector<16xf32>
        %select_n3A_1071 = arith.select %eq3A_1068, %add3A_1025, %broadcast_in_dim3A_1070 : vector<16xi1>, vector<16xf32>
        %eq3A_1072 = arith.constant 4 : i32
        %eq3A_1073 = vector.broadcast %eq3A_1072 : i32 to vector<16xi32>
        %eq3A_1074 = arith.cmpi eq, %select_n3A_1047, %eq3A_1073 : vector<16xi32>
        %jit3A_1075 = arith.constant 0.000000e+00 : f32
        %broadcast_in_dim3A_1076 = vector.broadcast %jit3A_1075 : f32 to vector<16xf32>
        %select_n3A_1077 = arith.select %eq3A_1074, %add3A_1026, %broadcast_in_dim3A_1076 : vector<16xi1>, vector<16xf32>
        %eq3A_1078 = arith.constant 5 : i32
        %eq3A_1079 = vector.broadcast %eq3A_1078 : i32 to vector<16xi32>
        %eq3A_1080 = arith.cmpi eq, %select_n3A_1047, %eq3A_1079 : vector<16xi32>
        %jit3A_1081 = arith.constant 0.000000e+00 : f32
        %broadcast_in_dim3A_1082 = vector.broadcast %jit3A_1081 : f32 to vector<16xf32>
        %select_n3A_1083 = arith.select %eq3A_1080, %add3A_884, %broadcast_in_dim3A_1082 : vector<16xi1>, vector<16xf32>
        %add3A_1084 = arith.addf %select_n3A_1053, %select_n3A_1059 : vector<16xf32>
        %add3A_1085 = arith.addf %select_n3A_1065, %select_n3A_1071 : vector<16xf32>
        %add3A_1086 = arith.addf %select_n3A_1077, %select_n3A_1083 : vector<16xf32>
        %add3A_1087 = arith.addf %add3A_1084, %add3A_1085 : vector<16xf32>
        %add3A_1088 = arith.addf %add3A_1087, %add3A_1086 : vector<16xf32>
        %bitcast_convert_type3A_1089 = tpu.bitcast %add3A_1038 : vector<16xf32> -> vector<16xi32>
        %shift_right_arithmetic3A_1090 = arith.constant 23 : i32
        %shift_right_arithmetic3A_1091 = vector.broadcast %shift_right_arithmetic3A_1090 : i32 to vector<16xi32>
        %shift_right_arithmetic3A_1092 = arith.shrsi %bitcast_convert_type3A_1089, %shift_right_arithmetic3A_1091 : vector<16xi32>
        %sub3A_1093 = arith.constant 127 : i32
        %sub3A_1094 = vector.broadcast %sub3A_1093 : i32 to vector<16xi32>
        %sub3A_1095 = arith.subi %shift_right_arithmetic3A_1092, %sub3A_1094 : vector<16xi32>
        %and3A_1096 = arith.constant 8388607 : i32
        %and3A_1097 = vector.broadcast %and3A_1096 : i32 to vector<16xi32>
        %and3A_1098 = arith.andi %bitcast_convert_type3A_1089, %and3A_1097 : vector<16xi32>
        %or3A_1099 = arith.constant 1065353216 : i32
        %or3A_1100 = vector.broadcast %or3A_1099 : i32 to vector<16xi32>
        %or3A_1101 = arith.ori %and3A_1098, %or3A_1100 : vector<16xi32>
        %bitcast_convert_type3A_1102 = tpu.bitcast %or3A_1101 : vector<16xi32> -> vector<16xf32>
        %gt3A_1103 = arith.constant 1.41421354 : f32
        %gt3A_1104 = vector.broadcast %gt3A_1103 : f32 to vector<16xf32>
        %gt3A_1105 = arith.cmpf ogt, %bitcast_convert_type3A_1102, %gt3A_1104 : vector<16xf32>
        %mul3A_1106 = arith.constant 5.000000e-01 : f32
        %mul3A_1107 = vector.broadcast %mul3A_1106 : f32 to vector<16xf32>
        %mul3A_1108 = arith.mulf %bitcast_convert_type3A_1102, %mul3A_1107 : vector<16xf32>
        %select_n3A_1109 = arith.select %gt3A_1105, %mul3A_1108, %bitcast_convert_type3A_1102 : vector<16xi1>, vector<16xf32>
        %convert_element_type3A_1110 = arith.sitofp %sub3A_1095 : vector<16xi32> to vector<16xf32>
        %jit3A_1111 = arith.constant 1.000000e+00 : f32
        %jit3A_1112 = arith.constant 0.000000e+00 : f32
        %broadcast_in_dim3A_1113 = vector.broadcast %jit3A_1111 : f32 to vector<16xf32>
        %broadcast_in_dim3A_1114 = vector.broadcast %jit3A_1112 : f32 to vector<16xf32>
        %select_n3A_1115 = arith.select %gt3A_1105, %broadcast_in_dim3A_1113, %broadcast_in_dim3A_1114 : vector<16xi1>, vector<16xf32>
        %add3A_1116 = arith.addf %convert_element_type3A_1110, %select_n3A_1115 : vector<16xf32>
        %sub3A_1117 = arith.constant 1.000000e+00 : f32
        %sub3A_1118 = vector.broadcast %sub3A_1117 : f32 to vector<16xf32>
        %sub3A_1119 = arith.subf %select_n3A_1109, %sub3A_1118 : vector<16xf32>
        %add3A_1120 = arith.constant 1.000000e+00 : f32
        %add3A_1121 = vector.broadcast %add3A_1120 : f32 to vector<16xf32>
        %add3A_1122 = arith.addf %select_n3A_1109, %add3A_1121 : vector<16xf32>
        %div3A_1123 = arith.divf %sub3A_1119, %add3A_1122 : vector<16xf32>
        %mul3A_1124 = arith.mulf %div3A_1123, %div3A_1123 : vector<16xf32>
        %mul3A_1125 = arith.constant 0.285714298 : f32
        %mul3A_1126 = vector.broadcast %mul3A_1125 : f32 to vector<16xf32>
        %mul3A_1127 = arith.mulf %mul3A_1124, %mul3A_1126 : vector<16xf32>
        %add3A_1128 = arith.constant 4.000000e-01 : f32
        %add3A_1129 = vector.broadcast %add3A_1128 : f32 to vector<16xf32>
        %add3A_1130 = arith.addf %add3A_1129, %mul3A_1127 : vector<16xf32>
        %mul3A_1131 = arith.mulf %mul3A_1124, %add3A_1130 : vector<16xf32>
        %add3A_1132 = arith.constant 0.666666627 : f32
        %add3A_1133 = vector.broadcast %add3A_1132 : f32 to vector<16xf32>
        %add3A_1134 = arith.addf %add3A_1133, %mul3A_1131 : vector<16xf32>
        %mul3A_1135 = arith.mulf %mul3A_1124, %add3A_1134 : vector<16xf32>
        %add3A_1136 = arith.constant 2.000000e+00 : f32
        %add3A_1137 = vector.broadcast %add3A_1136 : f32 to vector<16xf32>
        %add3A_1138 = arith.addf %add3A_1137, %mul3A_1135 : vector<16xf32>
        %mul3A_1139 = arith.constant 0.693147182 : f32
        %mul3A_1140 = vector.broadcast %mul3A_1139 : f32 to vector<16xf32>
        %mul3A_1141 = arith.mulf %add3A_1116, %mul3A_1140 : vector<16xf32>
        %mul3A_1142 = arith.mulf %div3A_1123, %add3A_1138 : vector<16xf32>
        %add3A_1143 = arith.addf %mul3A_1141, %mul3A_1142 : vector<16xf32>
        %sub3A_1144 = arith.subf %add3A_1143, %add3A_1088 : vector<16xf32>
        %mul3A_1145 = arith.constant 1.000000e+00 : f32
        %mul3A_1146 = vector.broadcast %mul3A_1145 : f32 to vector<16xf32>
        %mul3A_1147 = arith.mulf %sub3A_1144, %mul3A_1146 : vector<16xf32>
        %add3A_1148 = arith.addf %mul3A_1022, %mul3A_1147 : vector<16xf32>
        %add3A_1149 = arith.addf %get3A_177, %add3A_866 : vector<16xf32>
        %add3A_1150 = arith.addf %get3A_184, %add3A_869 : vector<16xf32>
        %add3A_1151 = arith.addf %get3A_191, %add3A_872 : vector<16xf32>
        %add3A_1152 = arith.addf %get3A_198, %add3A_875 : vector<16xf32>
        %exp3A_1153 = math.exp %add3A_883 : vector<16xf32>
        %exp3A_1154 = math.exp %add3A_1149 : vector<16xf32>
        %exp3A_1155 = math.exp %add3A_1150 : vector<16xf32>
        %exp3A_1156 = math.exp %add3A_1151 : vector<16xf32>
        %exp3A_1157 = math.exp %add3A_1152 : vector<16xf32>
        %exp3A_1158 = math.exp %add3A_884 : vector<16xf32>
        %add3A_1159 = arith.addf %exp3A_1153, %exp3A_1154 : vector<16xf32>
        %add3A_1160 = arith.addf %exp3A_1155, %exp3A_1156 : vector<16xf32>
        %add3A_1161 = arith.addf %exp3A_1157, %exp3A_1158 : vector<16xf32>
        %add3A_1162 = arith.addf %add3A_1159, %add3A_1160 : vector<16xf32>
        %add3A_1163 = arith.addf %add3A_1162, %add3A_1161 : vector<16xf32>
        %add3A_1164 = arith.addf %add3A_839, %add3A_1163 : vector<16xf32>
        %add3A_1165 = arith.constant 1 : i32
        %add3A_1166 = vector.broadcast %add3A_1165 : i32 to vector<16xi32>
        %add3A_1167 = arith.addi %and3A_898, %add3A_1166 : vector<16xi32>
        %jit3A_1168 = arith.constant 5 : i32
        %broadcast_in_dim3A_1169 = vector.broadcast %jit3A_1168 : i32 to vector<16xi32>
        %select_n3A_1170 = arith.select %eq3A_903, %broadcast_in_dim3A_1169, %add3A_1167 : vector<16xi1>, vector<16xi32>
        %jit3A_1171 = arith.constant 0 : i32
        %broadcast_in_dim3A_1172 = vector.broadcast %jit3A_1171 : i32 to vector<16xi32>
        %select_n3A_1173 = arith.select %eq3A_900, %broadcast_in_dim3A_1172, %select_n3A_1170 : vector<16xi1>, vector<16xi32>
        %eq3A_1174 = arith.constant 0 : i32
        %eq3A_1175 = vector.broadcast %eq3A_1174 : i32 to vector<16xi32>
        %eq3A_1176 = arith.cmpi eq, %select_n3A_1173, %eq3A_1175 : vector<16xi32>
        %jit3A_1177 = arith.constant 0.000000e+00 : f32
        %broadcast_in_dim3A_1178 = vector.broadcast %jit3A_1177 : f32 to vector<16xf32>
        %select_n3A_1179 = arith.select %eq3A_1176, %add3A_883, %broadcast_in_dim3A_1178 : vector<16xi1>, vector<16xf32>
        %eq3A_1180 = arith.constant 1 : i32
        %eq3A_1181 = vector.broadcast %eq3A_1180 : i32 to vector<16xi32>
        %eq3A_1182 = arith.cmpi eq, %select_n3A_1173, %eq3A_1181 : vector<16xi32>
        %jit3A_1183 = arith.constant 0.000000e+00 : f32
        %broadcast_in_dim3A_1184 = vector.broadcast %jit3A_1183 : f32 to vector<16xf32>
        %select_n3A_1185 = arith.select %eq3A_1182, %add3A_1149, %broadcast_in_dim3A_1184 : vector<16xi1>, vector<16xf32>
        %eq3A_1186 = arith.constant 2 : i32
        %eq3A_1187 = vector.broadcast %eq3A_1186 : i32 to vector<16xi32>
        %eq3A_1188 = arith.cmpi eq, %select_n3A_1173, %eq3A_1187 : vector<16xi32>
        %jit3A_1189 = arith.constant 0.000000e+00 : f32
        %broadcast_in_dim3A_1190 = vector.broadcast %jit3A_1189 : f32 to vector<16xf32>
        %select_n3A_1191 = arith.select %eq3A_1188, %add3A_1150, %broadcast_in_dim3A_1190 : vector<16xi1>, vector<16xf32>
        %eq3A_1192 = arith.constant 3 : i32
        %eq3A_1193 = vector.broadcast %eq3A_1192 : i32 to vector<16xi32>
        %eq3A_1194 = arith.cmpi eq, %select_n3A_1173, %eq3A_1193 : vector<16xi32>
        %jit3A_1195 = arith.constant 0.000000e+00 : f32
        %broadcast_in_dim3A_1196 = vector.broadcast %jit3A_1195 : f32 to vector<16xf32>
        %select_n3A_1197 = arith.select %eq3A_1194, %add3A_1151, %broadcast_in_dim3A_1196 : vector<16xi1>, vector<16xf32>
        %eq3A_1198 = arith.constant 4 : i32
        %eq3A_1199 = vector.broadcast %eq3A_1198 : i32 to vector<16xi32>
        %eq3A_1200 = arith.cmpi eq, %select_n3A_1173, %eq3A_1199 : vector<16xi32>
        %jit3A_1201 = arith.constant 0.000000e+00 : f32
        %broadcast_in_dim3A_1202 = vector.broadcast %jit3A_1201 : f32 to vector<16xf32>
        %select_n3A_1203 = arith.select %eq3A_1200, %add3A_1152, %broadcast_in_dim3A_1202 : vector<16xi1>, vector<16xf32>
        %eq3A_1204 = arith.constant 5 : i32
        %eq3A_1205 = vector.broadcast %eq3A_1204 : i32 to vector<16xi32>
        %eq3A_1206 = arith.cmpi eq, %select_n3A_1173, %eq3A_1205 : vector<16xi32>
        %jit3A_1207 = arith.constant 0.000000e+00 : f32
        %broadcast_in_dim3A_1208 = vector.broadcast %jit3A_1207 : f32 to vector<16xf32>
        %select_n3A_1209 = arith.select %eq3A_1206, %add3A_884, %broadcast_in_dim3A_1208 : vector<16xi1>, vector<16xf32>
        %add3A_1210 = arith.addf %select_n3A_1179, %select_n3A_1185 : vector<16xf32>
        %add3A_1211 = arith.addf %select_n3A_1191, %select_n3A_1197 : vector<16xf32>
        %add3A_1212 = arith.addf %select_n3A_1203, %select_n3A_1209 : vector<16xf32>
        %add3A_1213 = arith.addf %add3A_1210, %add3A_1211 : vector<16xf32>
        %add3A_1214 = arith.addf %add3A_1213, %add3A_1212 : vector<16xf32>
        %bitcast_convert_type3A_1215 = tpu.bitcast %add3A_1164 : vector<16xf32> -> vector<16xi32>
        %shift_right_arithmetic3A_1216 = arith.constant 23 : i32
        %shift_right_arithmetic3A_1217 = vector.broadcast %shift_right_arithmetic3A_1216 : i32 to vector<16xi32>
        %shift_right_arithmetic3A_1218 = arith.shrsi %bitcast_convert_type3A_1215, %shift_right_arithmetic3A_1217 : vector<16xi32>
        %sub3A_1219 = arith.constant 127 : i32
        %sub3A_1220 = vector.broadcast %sub3A_1219 : i32 to vector<16xi32>
        %sub3A_1221 = arith.subi %shift_right_arithmetic3A_1218, %sub3A_1220 : vector<16xi32>
        %and3A_1222 = arith.constant 8388607 : i32
        %and3A_1223 = vector.broadcast %and3A_1222 : i32 to vector<16xi32>
        %and3A_1224 = arith.andi %bitcast_convert_type3A_1215, %and3A_1223 : vector<16xi32>
        %or3A_1225 = arith.constant 1065353216 : i32
        %or3A_1226 = vector.broadcast %or3A_1225 : i32 to vector<16xi32>
        %or3A_1227 = arith.ori %and3A_1224, %or3A_1226 : vector<16xi32>
        %bitcast_convert_type3A_1228 = tpu.bitcast %or3A_1227 : vector<16xi32> -> vector<16xf32>
        %gt3A_1229 = arith.constant 1.41421354 : f32
        %gt3A_1230 = vector.broadcast %gt3A_1229 : f32 to vector<16xf32>
        %gt3A_1231 = arith.cmpf ogt, %bitcast_convert_type3A_1228, %gt3A_1230 : vector<16xf32>
        %mul3A_1232 = arith.constant 5.000000e-01 : f32
        %mul3A_1233 = vector.broadcast %mul3A_1232 : f32 to vector<16xf32>
        %mul3A_1234 = arith.mulf %bitcast_convert_type3A_1228, %mul3A_1233 : vector<16xf32>
        %select_n3A_1235 = arith.select %gt3A_1231, %mul3A_1234, %bitcast_convert_type3A_1228 : vector<16xi1>, vector<16xf32>
        %convert_element_type3A_1236 = arith.sitofp %sub3A_1221 : vector<16xi32> to vector<16xf32>
        %jit3A_1237 = arith.constant 1.000000e+00 : f32
        %jit3A_1238 = arith.constant 0.000000e+00 : f32
        %broadcast_in_dim3A_1239 = vector.broadcast %jit3A_1237 : f32 to vector<16xf32>
        %broadcast_in_dim3A_1240 = vector.broadcast %jit3A_1238 : f32 to vector<16xf32>
        %select_n3A_1241 = arith.select %gt3A_1231, %broadcast_in_dim3A_1239, %broadcast_in_dim3A_1240 : vector<16xi1>, vector<16xf32>
        %add3A_1242 = arith.addf %convert_element_type3A_1236, %select_n3A_1241 : vector<16xf32>
        %sub3A_1243 = arith.constant 1.000000e+00 : f32
        %sub3A_1244 = vector.broadcast %sub3A_1243 : f32 to vector<16xf32>
        %sub3A_1245 = arith.subf %select_n3A_1235, %sub3A_1244 : vector<16xf32>
        %add3A_1246 = arith.constant 1.000000e+00 : f32
        %add3A_1247 = vector.broadcast %add3A_1246 : f32 to vector<16xf32>
        %add3A_1248 = arith.addf %select_n3A_1235, %add3A_1247 : vector<16xf32>
        %div3A_1249 = arith.divf %sub3A_1245, %add3A_1248 : vector<16xf32>
        %mul3A_1250 = arith.mulf %div3A_1249, %div3A_1249 : vector<16xf32>
        %mul3A_1251 = arith.constant 0.285714298 : f32
        %mul3A_1252 = vector.broadcast %mul3A_1251 : f32 to vector<16xf32>
        %mul3A_1253 = arith.mulf %mul3A_1250, %mul3A_1252 : vector<16xf32>
        %add3A_1254 = arith.constant 4.000000e-01 : f32
        %add3A_1255 = vector.broadcast %add3A_1254 : f32 to vector<16xf32>
        %add3A_1256 = arith.addf %add3A_1255, %mul3A_1253 : vector<16xf32>
        %mul3A_1257 = arith.mulf %mul3A_1250, %add3A_1256 : vector<16xf32>
        %add3A_1258 = arith.constant 0.666666627 : f32
        %add3A_1259 = vector.broadcast %add3A_1258 : f32 to vector<16xf32>
        %add3A_1260 = arith.addf %add3A_1259, %mul3A_1257 : vector<16xf32>
        %mul3A_1261 = arith.mulf %mul3A_1250, %add3A_1260 : vector<16xf32>
        %add3A_1262 = arith.constant 2.000000e+00 : f32
        %add3A_1263 = vector.broadcast %add3A_1262 : f32 to vector<16xf32>
        %add3A_1264 = arith.addf %add3A_1263, %mul3A_1261 : vector<16xf32>
        %mul3A_1265 = arith.constant 0.693147182 : f32
        %mul3A_1266 = vector.broadcast %mul3A_1265 : f32 to vector<16xf32>
        %mul3A_1267 = arith.mulf %add3A_1242, %mul3A_1266 : vector<16xf32>
        %mul3A_1268 = arith.mulf %div3A_1249, %add3A_1264 : vector<16xf32>
        %add3A_1269 = arith.addf %mul3A_1267, %mul3A_1268 : vector<16xf32>
        %sub3A_1270 = arith.subf %add3A_1269, %add3A_1214 : vector<16xf32>
        %mul3A_1271 = arith.constant 1.000000e+00 : f32
        %mul3A_1272 = vector.broadcast %mul3A_1271 : f32 to vector<16xf32>
        %mul3A_1273 = arith.mulf %sub3A_1270, %mul3A_1272 : vector<16xf32>
        %add3A_1274 = arith.addf %add3A_1148, %mul3A_1273 : vector<16xf32>
        %add3A_1275 = arith.addf %get3A_170, %add3A_1274 : vector<16xf32>
        %swap3A_1276 = arith.constant 0 : index
        %swap3A_1277 = tpu.vector_load %arg7[%swap3A_1276] {strides = array<i32>} : memref<16xf32, #tpu.memory_space<vmem>>, vector<16xf32>,
        %swap3A_1278 = vector.shape_cast %swap3A_1277 : vector<16xf32> to vector<16xf32>
        %swap3A_1279 = vector.shape_cast %add3A_1275 : vector<16xf32> to vector<16xf32>
        tpu.vector_store %arg7[%swap3A_1276], %swap3A_1279 {strides = array<i32>} : memref<16xf32, #tpu.memory_space<vmem>>, vector<16xf32>,
      }
      %scan3A_120 = arith.constant 32 : i32
      %lt3A = arith.constant 7 : i32
      %lt3A_121 = arith.cmpi slt, %scan3A_44, %lt3A : i32
      %convert_element_type3A = arith.extui %lt3A_121 : i1 to i32
      %cond3A = arith.constant 0 : i32
      %cond3A_122 = arith.cmpi ne, %convert_element_type3A, %cond3A : i32
      scf.if %cond3A_122 {
        %mul3A_161 = arith.constant 2 : i32
        %mul3A_162 = arith.muli %mul3A_161, %scan3A_44 : i32
        %add3A_163 = arith.constant 2 : i32
        %add3A_164 = arith.addi %mul3A_162, %add3A_163 : i32
        %mul3A_165 = arith.constant 4 : i32
        %mul3A_166 = arith.muli %add3A, %mul3A_165 : i32
        %shift_right_arithmetic3A_167 = arith.constant 2 : i32
        %shift_right_arithmetic3A_168 = arith.shrsi %add3A_164, %shift_right_arithmetic3A_167 : i32
        %add3A_169 = arith.addi %mul3A_166, %shift_right_arithmetic3A_168 : i32
        %and3A_170 = arith.constant 3 : i32
        %and3A_171 = arith.andi %add3A_164, %and3A_170 : i32
        %mul3A_172 = arith.constant 512 : i32
        %mul3A_173 = arith.muli %and3A_171, %mul3A_172 : i32
        %dma_start3A_174 = arith.constant 0 : i32
        %dma_start3A_175 = arith.constant 0 : i32
        %dma_start3A_176 = arith.constant 0 : i32
        %dma_start3A_177 = tpu.memref_slice %arg5[%dma_start3A_174, %dma_start3A_175, %dma_start3A_176] : memref<2x66x512xf32, #tpu.memory_space<vmem>> -> memref<1x66x512xf32, #tpu.memory_space<vmem>>
        %dma_start3A_178 = tpu.memref_squeeze %dma_start3A_177 : memref<1x66x512xf32, #tpu.memory_space<vmem>> -> memref<66x512xf32, #tpu.memory_space<vmem>>
        %dma_start3A_179 = arith.constant 0 : i32
        %dma_start3A_180 = tpu.memref_slice %arg2[%add3A_169, %dma_start3A_179, %mul3A_173] : memref<256x66x2048xf32, #tpu.memory_space<hbm>> -> memref<1x66x512xf32, #tpu.memory_space<hbm>>
        %dma_start3A_181 = tpu.memref_squeeze %dma_start3A_180 : memref<1x66x512xf32, #tpu.memory_space<hbm>> -> memref<66x512xf32, #tpu.memory_space<hbm>>
        %dma_start3A_182 = arith.constant 0 : i32
        %dma_start3A_183 = arith.constant 0 : i32
        %dma_start3A_184 = tpu.memref_slice %arg5[%dma_start3A_174, %dma_start3A_182, %dma_start3A_183] : memref<2x66x512xf32, #tpu.memory_space<vmem>> -> memref<1x66x512xf32, #tpu.memory_space<vmem>>
        %dma_start3A_185 = tpu.memref_squeeze %dma_start3A_184 : memref<1x66x512xf32, #tpu.memory_space<vmem>> -> memref<66x512xf32, #tpu.memory_space<vmem>>
        %dma_start3A_186 = arith.constant 0 : i32
        %dma_start3A_187 = tpu.memref_slice %arg2[%add3A_169, %dma_start3A_186, %mul3A_173] : memref<256x66x2048xf32, #tpu.memory_space<hbm>> -> memref<1x66x512xf32, #tpu.memory_space<hbm>>
        %dma_start3A_188 = tpu.memref_squeeze %dma_start3A_187 : memref<1x66x512xf32, #tpu.memory_space<hbm>> -> memref<66x512xf32, #tpu.memory_space<hbm>>
        tpu.enqueue_dma source(%dma_start3A_188 : memref<66x512xf32, #tpu.memory_space<hbm>>) target(%dma_start3A_185 : memref<66x512xf32, #tpu.memory_space<vmem>>) target_semaphore(%arg8 : memref<!tpu.dma_semaphore, #tpu.memory_space<semaphore_mem>>)
        %dma_start3A_189 = arith.constant 0 : i32
        %dma_start3A_190 = arith.constant 0 : i32
        %dma_start3A_191 = tpu.memref_slice %arg6[%dma_start3A_189, %dma_start3A_190] : memref<2x512xi32, #tpu.memory_space<vmem>> -> memref<1x512xi32, #tpu.memory_space<vmem>>
        %dma_start3A_192 = tpu.memref_squeeze %dma_start3A_191 : memref<1x512xi32, #tpu.memory_space<vmem>> -> memref<512xi32, #tpu.memory_space<vmem>>
        %dma_start3A_193 = tpu.memref_slice %arg3[%add3A_169, %mul3A_173] : memref<256x2048xi32, #tpu.memory_space<hbm>> -> memref<1x512xi32, #tpu.memory_space<hbm>>
        %dma_start3A_194 = tpu.memref_squeeze %dma_start3A_193 : memref<1x512xi32, #tpu.memory_space<hbm>> -> memref<512xi32, #tpu.memory_space<hbm>>
        %dma_start3A_195 = arith.constant 0 : i32
        %dma_start3A_196 = tpu.memref_slice %arg6[%dma_start3A_189, %dma_start3A_195] : memref<2x512xi32, #tpu.memory_space<vmem>> -> memref<1x512xi32, #tpu.memory_space<vmem>>
        %dma_start3A_197 = tpu.memref_squeeze %dma_start3A_196 : memref<1x512xi32, #tpu.memory_space<vmem>> -> memref<512xi32, #tpu.memory_space<vmem>>
        %dma_start3A_198 = tpu.memref_slice %arg3[%add3A_169, %mul3A_173] : memref<256x2048xi32, #tpu.memory_space<hbm>> -> memref<1x512xi32, #tpu.memory_space<hbm>>
        %dma_start3A_199 = tpu.memref_squeeze %dma_start3A_198 : memref<1x512xi32, #tpu.memory_space<hbm>> -> memref<512xi32, #tpu.memory_space<hbm>>
        tpu.enqueue_dma source(%dma_start3A_199 : memref<512xi32, #tpu.memory_space<hbm>>) target(%dma_start3A_197 : memref<512xi32, #tpu.memory_space<vmem>>) target_semaphore(%arg10 : memref<!tpu.dma_semaphore, #tpu.memory_space<semaphore_mem>>)
      } else {
      }
      %dma_wait3A_123 = arith.constant 0 : i32
      %dma_wait3A_124 = arith.constant 1 : i32
      %dma_wait3A_125 = arith.constant 0 : i32
      %dma_wait3A_126 = arith.constant 0 : i32
      %dma_wait3A_127 = tpu.memref_slice %arg5[%dma_wait3A_124, %dma_wait3A_125, %dma_wait3A_126] : memref<2x66x512xf32, #tpu.memory_space<vmem>> -> memref<1x66x512xf32, #tpu.memory_space<vmem>>
      %dma_wait3A_128 = tpu.memref_squeeze %dma_wait3A_127 : memref<1x66x512xf32, #tpu.memory_space<vmem>> -> memref<66x512xf32, #tpu.memory_space<vmem>>
      %dma_wait3A_129 = arith.constant 0 : i32
      %dma_wait3A_130 = arith.constant 0 : i32
      %dma_wait3A_131 = tpu.memref_slice %arg2[%dma_wait3A_123, %dma_wait3A_129, %dma_wait3A_130] : memref<256x66x2048xf32, #tpu.memory_space<hbm>> -> memref<1x66x512xf32, #tpu.memory_space<hbm>>
      %dma_wait3A_132 = tpu.memref_squeeze %dma_wait3A_131 : memref<1x66x512xf32, #tpu.memory_space<hbm>> -> memref<66x512xf32, #tpu.memory_space<hbm>>
      %dma_wait3A_133 = arith.constant 0 : i32
      %dma_wait3A_134 = arith.constant 0 : i32
      %dma_wait3A_135 = tpu.memref_slice %arg5[%dma_wait3A_124, %dma_wait3A_133, %dma_wait3A_134] : memref<2x66x512xf32, #tpu.memory_space<vmem>> -> memref<1x66x512xf32, #tpu.memory_space<vmem>>
      %dma_wait3A_136 = tpu.memref_squeeze %dma_wait3A_135 : memref<1x66x512xf32, #tpu.memory_space<vmem>> -> memref<66x512xf32, #tpu.memory_space<vmem>>
      %dma_wait3A_137 = arith.constant 0 : i32
      %dma_wait3A_138 = arith.constant 0 : i32
      %dma_wait3A_139 = tpu.memref_slice %arg2[%dma_wait3A_123, %dma_wait3A_137, %dma_wait3A_138] : memref<256x66x2048xf32, #tpu.memory_space<hbm>> -> memref<1x66x512xf32, #tpu.memory_space<hbm>>
      %dma_wait3A_140 = tpu.memref_squeeze %dma_wait3A_139 : memref<1x66x512xf32, #tpu.memory_space<hbm>> -> memref<66x512xf32, #tpu.memory_space<hbm>>
      tpu.wait_dma2 semaphore(%arg9 : memref<!tpu.dma_semaphore, #tpu.memory_space<semaphore_mem>>) src(%dma_wait3A_140 : memref<66x512xf32, #tpu.memory_space<hbm>>) dst(%dma_wait3A_136 : memref<66x512xf32, #tpu.memory_space<vmem>>)
      %dma_wait3A_141 = arith.constant 0 : i32
      %dma_wait3A_142 = arith.constant 1 : i32
      %dma_wait3A_143 = arith.constant 0 : i32
      %dma_wait3A_144 = tpu.memref_slice %arg6[%dma_wait3A_142, %dma_wait3A_143] : memref<2x512xi32, #tpu.memory_space<vmem>> -> memref<1x512xi32, #tpu.memory_space<vmem>>
      %dma_wait3A_145 = tpu.memref_squeeze %dma_wait3A_144 : memref<1x512xi32, #tpu.memory_space<vmem>> -> memref<512xi32, #tpu.memory_space<vmem>>
      %dma_wait3A_146 = arith.constant 0 : i32
      %dma_wait3A_147 = tpu.memref_slice %arg3[%dma_wait3A_141, %dma_wait3A_146] : memref<256x2048xi32, #tpu.memory_space<hbm>> -> memref<1x512xi32, #tpu.memory_space<hbm>>
      %dma_wait3A_148 = tpu.memref_squeeze %dma_wait3A_147 : memref<1x512xi32, #tpu.memory_space<hbm>> -> memref<512xi32, #tpu.memory_space<hbm>>
      %dma_wait3A_149 = arith.constant 0 : i32
      %dma_wait3A_150 = tpu.memref_slice %arg6[%dma_wait3A_142, %dma_wait3A_149] : memref<2x512xi32, #tpu.memory_space<vmem>> -> memref<1x512xi32, #tpu.memory_space<vmem>>
      %dma_wait3A_151 = tpu.memref_squeeze %dma_wait3A_150 : memref<1x512xi32, #tpu.memory_space<vmem>> -> memref<512xi32, #tpu.memory_space<vmem>>
      %dma_wait3A_152 = arith.constant 0 : i32
      %dma_wait3A_153 = tpu.memref_slice %arg3[%dma_wait3A_141, %dma_wait3A_152] : memref<256x2048xi32, #tpu.memory_space<hbm>> -> memref<1x512xi32, #tpu.memory_space<hbm>>
      %dma_wait3A_154 = tpu.memref_squeeze %dma_wait3A_153 : memref<1x512xi32, #tpu.memory_space<hbm>> -> memref<512xi32, #tpu.memory_space<hbm>>
      tpu.wait_dma2 semaphore(%arg11 : memref<!tpu.dma_semaphore, #tpu.memory_space<semaphore_mem>>) src(%dma_wait3A_154 : memref<512xi32, #tpu.memory_space<hbm>>) dst(%dma_wait3A_151 : memref<512xi32, #tpu.memory_space<vmem>>)
      %scan3A_155 = arith.constant 0 : i32
      %scan3A_156 = arith.constant 0 : i32
      %scan3A_157 = arith.constant 32 : i32
      %scan3A_158 = arith.addi %scan3A_156, %scan3A_157 : i32
      %scan3A_159 = arith.constant 1 : i32
      scf.for %scan3A_161 = %scan3A_156 to %scan3A_158 step %scan3A_159  : i32 {
        %mul3A_162 = arith.constant 16 : i32
        %mul3A_163 = arith.muli %scan3A_161, %mul3A_162 : i32
        %get3A = arith.constant 1 : i32
        %get3A_164 = arith.index_cast %get3A : i32 to index
        %get3A_165 = arith.index_cast %mul3A_163 : i32 to index
        %get3A_166 = tpu.vector_load %arg6[%get3A_164, %get3A_165] {strides = array<i32>} : memref<2x512xi32, #tpu.memory_space<vmem>>, vector<1x16xi32>,
        %get3A_167 = vector.shape_cast %get3A_166 : vector<1x16xi32> to vector<16xi32>
        %get3A_168 = arith.constant 0 : index
        %get3A_169 = tpu.vector_load %arg7[%get3A_168] {strides = array<i32>} : memref<16xf32, #tpu.memory_space<vmem>>, vector<16xf32>,
        %get3A_170 = vector.shape_cast %get3A_169 : vector<16xf32> to vector<16xf32>
        %get3A_171 = arith.constant 1 : i32
        %get3A_172 = arith.constant 1 : i32
        %get3A_173 = arith.index_cast %get3A_171 : i32 to index
        %get3A_174 = arith.index_cast %get3A_172 : i32 to index
        %get3A_175 = arith.index_cast %mul3A_163 : i32 to index
        %get3A_176 = tpu.vector_load %arg5[%get3A_173, %get3A_174, %get3A_175] {strides = array<i32>} : memref<2x66x512xf32, #tpu.memory_space<vmem>>, vector<1x1x16xf32>,
        %get3A_177 = vector.shape_cast %get3A_176 : vector<1x1x16xf32> to vector<16xf32>
        %get3A_178 = arith.constant 1 : i32
        %get3A_179 = arith.constant 2 : i32
        %get3A_180 = arith.index_cast %get3A_178 : i32 to index
        %get3A_181 = arith.index_cast %get3A_179 : i32 to index
        %get3A_182 = arith.index_cast %mul3A_163 : i32 to index
        %get3A_183 = tpu.vector_load %arg5[%get3A_180, %get3A_181, %get3A_182] {strides = array<i32>} : memref<2x66x512xf32, #tpu.memory_space<vmem>>, vector<1x1x16xf32>,
        %get3A_184 = vector.shape_cast %get3A_183 : vector<1x1x16xf32> to vector<16xf32>
        %get3A_185 = arith.constant 1 : i32
        %get3A_186 = arith.constant 3 : i32
        %get3A_187 = arith.index_cast %get3A_185 : i32 to index
        %get3A_188 = arith.index_cast %get3A_186 : i32 to index
        %get3A_189 = arith.index_cast %mul3A_163 : i32 to index
        %get3A_190 = tpu.vector_load %arg5[%get3A_187, %get3A_188, %get3A_189] {strides = array<i32>} : memref<2x66x512xf32, #tpu.memory_space<vmem>>, vector<1x1x16xf32>,
        %get3A_191 = vector.shape_cast %get3A_190 : vector<1x1x16xf32> to vector<16xf32>
        %get3A_192 = arith.constant 1 : i32
        %get3A_193 = arith.constant 4 : i32
        %get3A_194 = arith.index_cast %get3A_192 : i32 to index
        %get3A_195 = arith.index_cast %get3A_193 : i32 to index
        %get3A_196 = arith.index_cast %mul3A_163 : i32 to index
        %get3A_197 = tpu.vector_load %arg5[%get3A_194, %get3A_195, %get3A_196] {strides = array<i32>} : memref<2x66x512xf32, #tpu.memory_space<vmem>>, vector<1x1x16xf32>,
        %get3A_198 = vector.shape_cast %get3A_197 : vector<1x1x16xf32> to vector<16xf32>
        %add3A_199 = arith.addf %get3A_177, %get3A_184 : vector<16xf32>
        %add3A_200 = arith.addf %get3A_191, %get3A_198 : vector<16xf32>
        %add3A_201 = arith.addf %add3A_199, %add3A_200 : vector<16xf32>
        %get3A_202 = arith.constant 1 : i32
        %get3A_203 = arith.constant 5 : i32
        %get3A_204 = arith.index_cast %get3A_202 : i32 to index
        %get3A_205 = arith.index_cast %get3A_203 : i32 to index
        %get3A_206 = arith.index_cast %mul3A_163 : i32 to index
        %get3A_207 = tpu.vector_load %arg5[%get3A_204, %get3A_205, %get3A_206] {strides = array<i32>} : memref<2x66x512xf32, #tpu.memory_space<vmem>>, vector<1x1x16xf32>,
        %get3A_208 = vector.shape_cast %get3A_207 : vector<1x1x16xf32> to vector<16xf32>
        %get3A_209 = arith.constant 1 : i32
        %get3A_210 = arith.constant 6 : i32
        %get3A_211 = arith.index_cast %get3A_209 : i32 to index
        %get3A_212 = arith.index_cast %get3A_210 : i32 to index
        %get3A_213 = arith.index_cast %mul3A_163 : i32 to index
        %get3A_214 = tpu.vector_load %arg5[%get3A_211, %get3A_212, %get3A_213] {strides = array<i32>} : memref<2x66x512xf32, #tpu.memory_space<vmem>>, vector<1x1x16xf32>,
        %get3A_215 = vector.shape_cast %get3A_214 : vector<1x1x16xf32> to vector<16xf32>
        %get3A_216 = arith.constant 1 : i32
        %get3A_217 = arith.constant 7 : i32
        %get3A_218 = arith.index_cast %get3A_216 : i32 to index
        %get3A_219 = arith.index_cast %get3A_217 : i32 to index
        %get3A_220 = arith.index_cast %mul3A_163 : i32 to index
        %get3A_221 = tpu.vector_load %arg5[%get3A_218, %get3A_219, %get3A_220] {strides = array<i32>} : memref<2x66x512xf32, #tpu.memory_space<vmem>>, vector<1x1x16xf32>,
        %get3A_222 = vector.shape_cast %get3A_221 : vector<1x1x16xf32> to vector<16xf32>
        %get3A_223 = arith.constant 1 : i32
        %get3A_224 = arith.constant 8 : i32
        %get3A_225 = arith.index_cast %get3A_223 : i32 to index
        %get3A_226 = arith.index_cast %get3A_224 : i32 to index
        %get3A_227 = arith.index_cast %mul3A_163 : i32 to index
        %get3A_228 = tpu.vector_load %arg5[%get3A_225, %get3A_226, %get3A_227] {strides = array<i32>} : memref<2x66x512xf32, #tpu.memory_space<vmem>>, vector<1x1x16xf32>,
        %get3A_229 = vector.shape_cast %get3A_228 : vector<1x1x16xf32> to vector<16xf32>
        %add3A_230 = arith.addf %get3A_208, %get3A_215 : vector<16xf32>
        %add3A_231 = arith.addf %get3A_222, %get3A_229 : vector<16xf32>
        %add3A_232 = arith.addf %add3A_230, %add3A_231 : vector<16xf32>
        %exp3A = math.exp %get3A_215 : vector<16xf32>
        %exp3A_233 = math.exp %get3A_222 : vector<16xf32>
        %add3A_234 = arith.addf %exp3A, %exp3A_233 : vector<16xf32>
        %exp3A_235 = math.exp %get3A_229 : vector<16xf32>
        %add3A_236 = arith.addf %add3A_234, %exp3A_235 : vector<16xf32>
        %get3A_237 = arith.constant 1 : i32
        %get3A_238 = arith.constant 9 : i32
        %get3A_239 = arith.index_cast %get3A_237 : i32 to index
        %get3A_240 = arith.index_cast %get3A_238 : i32 to index
        %get3A_241 = arith.index_cast %mul3A_163 : i32 to index
        %get3A_242 = tpu.vector_load %arg5[%get3A_239, %get3A_240, %get3A_241] {strides = array<i32>} : memref<2x66x512xf32, #tpu.memory_space<vmem>>, vector<1x1x16xf32>,
        %get3A_243 = vector.shape_cast %get3A_242 : vector<1x1x16xf32> to vector<16xf32>
        %get3A_244 = arith.constant 1 : i32
        %get3A_245 = arith.constant 10 : i32
        %get3A_246 = arith.index_cast %get3A_244 : i32 to index
        %get3A_247 = arith.index_cast %get3A_245 : i32 to index
        %get3A_248 = arith.index_cast %mul3A_163 : i32 to index
        %get3A_249 = tpu.vector_load %arg5[%get3A_246, %get3A_247, %get3A_248] {strides = array<i32>} : memref<2x66x512xf32, #tpu.memory_space<vmem>>, vector<1x1x16xf32>,
        %get3A_250 = vector.shape_cast %get3A_249 : vector<1x1x16xf32> to vector<16xf32>
        %get3A_251 = arith.constant 1 : i32
        %get3A_252 = arith.constant 11 : i32
        %get3A_253 = arith.index_cast %get3A_251 : i32 to index
        %get3A_254 = arith.index_cast %get3A_252 : i32 to index
        %get3A_255 = arith.index_cast %mul3A_163 : i32 to index
        %get3A_256 = tpu.vector_load %arg5[%get3A_253, %get3A_254, %get3A_255] {strides = array<i32>} : memref<2x66x512xf32, #tpu.memory_space<vmem>>, vector<1x1x16xf32>,
        %get3A_257 = vector.shape_cast %get3A_256 : vector<1x1x16xf32> to vector<16xf32>
        %get3A_258 = arith.constant 1 : i32
        %get3A_259 = arith.constant 12 : i32
        %get3A_260 = arith.index_cast %get3A_258 : i32 to index
        %get3A_261 = arith.index_cast %get3A_259 : i32 to index
        %get3A_262 = arith.index_cast %mul3A_163 : i32 to index
        %get3A_263 = tpu.vector_load %arg5[%get3A_260, %get3A_261, %get3A_262] {strides = array<i32>} : memref<2x66x512xf32, #tpu.memory_space<vmem>>, vector<1x1x16xf32>,
        %get3A_264 = vector.shape_cast %get3A_263 : vector<1x1x16xf32> to vector<16xf32>
        %add3A_265 = arith.addf %get3A_243, %get3A_250 : vector<16xf32>
        %add3A_266 = arith.addf %get3A_257, %get3A_264 : vector<16xf32>
        %add3A_267 = arith.addf %add3A_265, %add3A_266 : vector<16xf32>
        %exp3A_268 = math.exp %get3A_243 : vector<16xf32>
        %add3A_269 = arith.addf %add3A_236, %exp3A_268 : vector<16xf32>
        %exp3A_270 = math.exp %get3A_250 : vector<16xf32>
        %add3A_271 = arith.addf %add3A_269, %exp3A_270 : vector<16xf32>
        %exp3A_272 = math.exp %get3A_257 : vector<16xf32>
        %add3A_273 = arith.addf %add3A_271, %exp3A_272 : vector<16xf32>
        %exp3A_274 = math.exp %get3A_264 : vector<16xf32>
        %add3A_275 = arith.addf %add3A_273, %exp3A_274 : vector<16xf32>
        %get3A_276 = arith.constant 1 : i32
        %get3A_277 = arith.constant 13 : i32
        %get3A_278 = arith.index_cast %get3A_276 : i32 to index
        %get3A_279 = arith.index_cast %get3A_277 : i32 to index
        %get3A_280 = arith.index_cast %mul3A_163 : i32 to index
        %get3A_281 = tpu.vector_load %arg5[%get3A_278, %get3A_279, %get3A_280] {strides = array<i32>} : memref<2x66x512xf32, #tpu.memory_space<vmem>>, vector<1x1x16xf32>,
        %get3A_282 = vector.shape_cast %get3A_281 : vector<1x1x16xf32> to vector<16xf32>
        %get3A_283 = arith.constant 1 : i32
        %get3A_284 = arith.constant 14 : i32
        %get3A_285 = arith.index_cast %get3A_283 : i32 to index
        %get3A_286 = arith.index_cast %get3A_284 : i32 to index
        %get3A_287 = arith.index_cast %mul3A_163 : i32 to index
        %get3A_288 = tpu.vector_load %arg5[%get3A_285, %get3A_286, %get3A_287] {strides = array<i32>} : memref<2x66x512xf32, #tpu.memory_space<vmem>>, vector<1x1x16xf32>,
        %get3A_289 = vector.shape_cast %get3A_288 : vector<1x1x16xf32> to vector<16xf32>
        %get3A_290 = arith.constant 1 : i32
        %get3A_291 = arith.constant 15 : i32
        %get3A_292 = arith.index_cast %get3A_290 : i32 to index
        %get3A_293 = arith.index_cast %get3A_291 : i32 to index
        %get3A_294 = arith.index_cast %mul3A_163 : i32 to index
        %get3A_295 = tpu.vector_load %arg5[%get3A_292, %get3A_293, %get3A_294] {strides = array<i32>} : memref<2x66x512xf32, #tpu.memory_space<vmem>>, vector<1x1x16xf32>,
        %get3A_296 = vector.shape_cast %get3A_295 : vector<1x1x16xf32> to vector<16xf32>
        %get3A_297 = arith.constant 1 : i32
        %get3A_298 = arith.constant 16 : i32
        %get3A_299 = arith.index_cast %get3A_297 : i32 to index
        %get3A_300 = arith.index_cast %get3A_298 : i32 to index
        %get3A_301 = arith.index_cast %mul3A_163 : i32 to index
        %get3A_302 = tpu.vector_load %arg5[%get3A_299, %get3A_300, %get3A_301] {strides = array<i32>} : memref<2x66x512xf32, #tpu.memory_space<vmem>>, vector<1x1x16xf32>,
        %get3A_303 = vector.shape_cast %get3A_302 : vector<1x1x16xf32> to vector<16xf32>
        %add3A_304 = arith.addf %get3A_282, %get3A_289 : vector<16xf32>
        %add3A_305 = arith.addf %get3A_296, %get3A_303 : vector<16xf32>
        %add3A_306 = arith.addf %add3A_304, %add3A_305 : vector<16xf32>
        %exp3A_307 = math.exp %get3A_282 : vector<16xf32>
        %add3A_308 = arith.addf %add3A_275, %exp3A_307 : vector<16xf32>
        %exp3A_309 = math.exp %get3A_289 : vector<16xf32>
        %add3A_310 = arith.addf %add3A_308, %exp3A_309 : vector<16xf32>
        %exp3A_311 = math.exp %get3A_296 : vector<16xf32>
        %add3A_312 = arith.addf %add3A_310, %exp3A_311 : vector<16xf32>
        %exp3A_313 = math.exp %get3A_303 : vector<16xf32>
        %add3A_314 = arith.addf %add3A_312, %exp3A_313 : vector<16xf32>
        %get3A_315 = arith.constant 1 : i32
        %get3A_316 = arith.constant 17 : i32
        %get3A_317 = arith.index_cast %get3A_315 : i32 to index
        %get3A_318 = arith.index_cast %get3A_316 : i32 to index
        %get3A_319 = arith.index_cast %mul3A_163 : i32 to index
        %get3A_320 = tpu.vector_load %arg5[%get3A_317, %get3A_318, %get3A_319] {strides = array<i32>} : memref<2x66x512xf32, #tpu.memory_space<vmem>>, vector<1x1x16xf32>,
        %get3A_321 = vector.shape_cast %get3A_320 : vector<1x1x16xf32> to vector<16xf32>
        %get3A_322 = arith.constant 1 : i32
        %get3A_323 = arith.constant 18 : i32
        %get3A_324 = arith.index_cast %get3A_322 : i32 to index
        %get3A_325 = arith.index_cast %get3A_323 : i32 to index
        %get3A_326 = arith.index_cast %mul3A_163 : i32 to index
        %get3A_327 = tpu.vector_load %arg5[%get3A_324, %get3A_325, %get3A_326] {strides = array<i32>} : memref<2x66x512xf32, #tpu.memory_space<vmem>>, vector<1x1x16xf32>,
        %get3A_328 = vector.shape_cast %get3A_327 : vector<1x1x16xf32> to vector<16xf32>
        %get3A_329 = arith.constant 1 : i32
        %get3A_330 = arith.constant 19 : i32
        %get3A_331 = arith.index_cast %get3A_329 : i32 to index
        %get3A_332 = arith.index_cast %get3A_330 : i32 to index
        %get3A_333 = arith.index_cast %mul3A_163 : i32 to index
        %get3A_334 = tpu.vector_load %arg5[%get3A_331, %get3A_332, %get3A_333] {strides = array<i32>} : memref<2x66x512xf32, #tpu.memory_space<vmem>>, vector<1x1x16xf32>,
        %get3A_335 = vector.shape_cast %get3A_334 : vector<1x1x16xf32> to vector<16xf32>
        %get3A_336 = arith.constant 1 : i32
        %get3A_337 = arith.constant 20 : i32
        %get3A_338 = arith.index_cast %get3A_336 : i32 to index
        %get3A_339 = arith.index_cast %get3A_337 : i32 to index
        %get3A_340 = arith.index_cast %mul3A_163 : i32 to index
        %get3A_341 = tpu.vector_load %arg5[%get3A_338, %get3A_339, %get3A_340] {strides = array<i32>} : memref<2x66x512xf32, #tpu.memory_space<vmem>>, vector<1x1x16xf32>,
        %get3A_342 = vector.shape_cast %get3A_341 : vector<1x1x16xf32> to vector<16xf32>
        %add3A_343 = arith.addf %get3A_321, %get3A_328 : vector<16xf32>
        %add3A_344 = arith.addf %get3A_335, %get3A_342 : vector<16xf32>
        %add3A_345 = arith.addf %add3A_343, %add3A_344 : vector<16xf32>
        %add3A_346 = arith.addf %get3A_177, %get3A_321 : vector<16xf32>
        %exp3A_347 = math.exp %get3A_321 : vector<16xf32>
        %add3A_348 = arith.addf %add3A_314, %exp3A_347 : vector<16xf32>
        %add3A_349 = arith.addf %get3A_184, %get3A_328 : vector<16xf32>
        %exp3A_350 = math.exp %get3A_328 : vector<16xf32>
        %add3A_351 = arith.addf %add3A_348, %exp3A_350 : vector<16xf32>
        %add3A_352 = arith.addf %get3A_191, %get3A_335 : vector<16xf32>
        %exp3A_353 = math.exp %get3A_335 : vector<16xf32>
        %add3A_354 = arith.addf %add3A_351, %exp3A_353 : vector<16xf32>
        %add3A_355 = arith.addf %get3A_198, %get3A_342 : vector<16xf32>
        %exp3A_356 = math.exp %get3A_342 : vector<16xf32>
        %add3A_357 = arith.addf %add3A_354, %exp3A_356 : vector<16xf32>
        %get3A_358 = arith.constant 1 : i32
        %get3A_359 = arith.constant 21 : i32
        %get3A_360 = arith.index_cast %get3A_358 : i32 to index
        %get3A_361 = arith.index_cast %get3A_359 : i32 to index
        %get3A_362 = arith.index_cast %mul3A_163 : i32 to index
        %get3A_363 = tpu.vector_load %arg5[%get3A_360, %get3A_361, %get3A_362] {strides = array<i32>} : memref<2x66x512xf32, #tpu.memory_space<vmem>>, vector<1x1x16xf32>,
        %get3A_364 = vector.shape_cast %get3A_363 : vector<1x1x16xf32> to vector<16xf32>
        %get3A_365 = arith.constant 1 : i32
        %get3A_366 = arith.constant 22 : i32
        %get3A_367 = arith.index_cast %get3A_365 : i32 to index
        %get3A_368 = arith.index_cast %get3A_366 : i32 to index
        %get3A_369 = arith.index_cast %mul3A_163 : i32 to index
        %get3A_370 = tpu.vector_load %arg5[%get3A_367, %get3A_368, %get3A_369] {strides = array<i32>} : memref<2x66x512xf32, #tpu.memory_space<vmem>>, vector<1x1x16xf32>,
        %get3A_371 = vector.shape_cast %get3A_370 : vector<1x1x16xf32> to vector<16xf32>
        %get3A_372 = arith.constant 1 : i32
        %get3A_373 = arith.constant 23 : i32
        %get3A_374 = arith.index_cast %get3A_372 : i32 to index
        %get3A_375 = arith.index_cast %get3A_373 : i32 to index
        %get3A_376 = arith.index_cast %mul3A_163 : i32 to index
        %get3A_377 = tpu.vector_load %arg5[%get3A_374, %get3A_375, %get3A_376] {strides = array<i32>} : memref<2x66x512xf32, #tpu.memory_space<vmem>>, vector<1x1x16xf32>,
        %get3A_378 = vector.shape_cast %get3A_377 : vector<1x1x16xf32> to vector<16xf32>
        %get3A_379 = arith.constant 1 : i32
        %get3A_380 = arith.constant 24 : i32
        %get3A_381 = arith.index_cast %get3A_379 : i32 to index
        %get3A_382 = arith.index_cast %get3A_380 : i32 to index
        %get3A_383 = arith.index_cast %mul3A_163 : i32 to index
        %get3A_384 = tpu.vector_load %arg5[%get3A_381, %get3A_382, %get3A_383] {strides = array<i32>} : memref<2x66x512xf32, #tpu.memory_space<vmem>>, vector<1x1x16xf32>,
        %get3A_385 = vector.shape_cast %get3A_384 : vector<1x1x16xf32> to vector<16xf32>
        %add3A_386 = arith.addf %get3A_364, %get3A_371 : vector<16xf32>
        %add3A_387 = arith.addf %get3A_378, %get3A_385 : vector<16xf32>
        %add3A_388 = arith.addf %add3A_386, %add3A_387 : vector<16xf32>
        %add3A_389 = arith.addf %get3A_208, %get3A_364 : vector<16xf32>
        %exp3A_390 = math.exp %get3A_364 : vector<16xf32>
        %add3A_391 = arith.addf %add3A_357, %exp3A_390 : vector<16xf32>
        %add3A_392 = arith.addf %get3A_215, %get3A_371 : vector<16xf32>
        %exp3A_393 = math.exp %get3A_371 : vector<16xf32>
        %add3A_394 = arith.addf %add3A_391, %exp3A_393 : vector<16xf32>
        %add3A_395 = arith.addf %get3A_222, %get3A_378 : vector<16xf32>
        %exp3A_396 = math.exp %get3A_378 : vector<16xf32>
        %add3A_397 = arith.addf %add3A_394, %exp3A_396 : vector<16xf32>
        %add3A_398 = arith.addf %get3A_229, %get3A_385 : vector<16xf32>
        %exp3A_399 = math.exp %get3A_385 : vector<16xf32>
        %add3A_400 = arith.addf %add3A_397, %exp3A_399 : vector<16xf32>
        %get3A_401 = arith.constant 1 : i32
        %get3A_402 = arith.constant 25 : i32
        %get3A_403 = arith.index_cast %get3A_401 : i32 to index
        %get3A_404 = arith.index_cast %get3A_402 : i32 to index
        %get3A_405 = arith.index_cast %mul3A_163 : i32 to index
        %get3A_406 = tpu.vector_load %arg5[%get3A_403, %get3A_404, %get3A_405] {strides = array<i32>} : memref<2x66x512xf32, #tpu.memory_space<vmem>>, vector<1x1x16xf32>,
        %get3A_407 = vector.shape_cast %get3A_406 : vector<1x1x16xf32> to vector<16xf32>
        %get3A_408 = arith.constant 1 : i32
        %get3A_409 = arith.constant 26 : i32
        %get3A_410 = arith.index_cast %get3A_408 : i32 to index
        %get3A_411 = arith.index_cast %get3A_409 : i32 to index
        %get3A_412 = arith.index_cast %mul3A_163 : i32 to index
        %get3A_413 = tpu.vector_load %arg5[%get3A_410, %get3A_411, %get3A_412] {strides = array<i32>} : memref<2x66x512xf32, #tpu.memory_space<vmem>>, vector<1x1x16xf32>,
        %get3A_414 = vector.shape_cast %get3A_413 : vector<1x1x16xf32> to vector<16xf32>
        %get3A_415 = arith.constant 1 : i32
        %get3A_416 = arith.constant 27 : i32
        %get3A_417 = arith.index_cast %get3A_415 : i32 to index
        %get3A_418 = arith.index_cast %get3A_416 : i32 to index
        %get3A_419 = arith.index_cast %mul3A_163 : i32 to index
        %get3A_420 = tpu.vector_load %arg5[%get3A_417, %get3A_418, %get3A_419] {strides = array<i32>} : memref<2x66x512xf32, #tpu.memory_space<vmem>>, vector<1x1x16xf32>,
        %get3A_421 = vector.shape_cast %get3A_420 : vector<1x1x16xf32> to vector<16xf32>
        %get3A_422 = arith.constant 1 : i32
        %get3A_423 = arith.constant 28 : i32
        %get3A_424 = arith.index_cast %get3A_422 : i32 to index
        %get3A_425 = arith.index_cast %get3A_423 : i32 to index
        %get3A_426 = arith.index_cast %mul3A_163 : i32 to index
        %get3A_427 = tpu.vector_load %arg5[%get3A_424, %get3A_425, %get3A_426] {strides = array<i32>} : memref<2x66x512xf32, #tpu.memory_space<vmem>>, vector<1x1x16xf32>,
        %get3A_428 = vector.shape_cast %get3A_427 : vector<1x1x16xf32> to vector<16xf32>
        %add3A_429 = arith.addf %get3A_407, %get3A_414 : vector<16xf32>
        %add3A_430 = arith.addf %get3A_421, %get3A_428 : vector<16xf32>
        %add3A_431 = arith.addf %add3A_429, %add3A_430 : vector<16xf32>
        %add3A_432 = arith.addf %get3A_243, %get3A_407 : vector<16xf32>
        %exp3A_433 = math.exp %get3A_407 : vector<16xf32>
        %add3A_434 = arith.addf %add3A_400, %exp3A_433 : vector<16xf32>
        %add3A_435 = arith.addf %get3A_250, %get3A_414 : vector<16xf32>
        %exp3A_436 = math.exp %get3A_414 : vector<16xf32>
        %add3A_437 = arith.addf %add3A_434, %exp3A_436 : vector<16xf32>
        %add3A_438 = arith.addf %get3A_257, %get3A_421 : vector<16xf32>
        %exp3A_439 = math.exp %get3A_421 : vector<16xf32>
        %add3A_440 = arith.addf %add3A_437, %exp3A_439 : vector<16xf32>
        %add3A_441 = arith.addf %get3A_264, %get3A_428 : vector<16xf32>
        %exp3A_442 = math.exp %get3A_428 : vector<16xf32>
        %add3A_443 = arith.addf %add3A_440, %exp3A_442 : vector<16xf32>
        %get3A_444 = arith.constant 1 : i32
        %get3A_445 = arith.constant 29 : i32
        %get3A_446 = arith.index_cast %get3A_444 : i32 to index
        %get3A_447 = arith.index_cast %get3A_445 : i32 to index
        %get3A_448 = arith.index_cast %mul3A_163 : i32 to index
        %get3A_449 = tpu.vector_load %arg5[%get3A_446, %get3A_447, %get3A_448] {strides = array<i32>} : memref<2x66x512xf32, #tpu.memory_space<vmem>>, vector<1x1x16xf32>,
        %get3A_450 = vector.shape_cast %get3A_449 : vector<1x1x16xf32> to vector<16xf32>
        %get3A_451 = arith.constant 1 : i32
        %get3A_452 = arith.constant 30 : i32
        %get3A_453 = arith.index_cast %get3A_451 : i32 to index
        %get3A_454 = arith.index_cast %get3A_452 : i32 to index
        %get3A_455 = arith.index_cast %mul3A_163 : i32 to index
        %get3A_456 = tpu.vector_load %arg5[%get3A_453, %get3A_454, %get3A_455] {strides = array<i32>} : memref<2x66x512xf32, #tpu.memory_space<vmem>>, vector<1x1x16xf32>,
        %get3A_457 = vector.shape_cast %get3A_456 : vector<1x1x16xf32> to vector<16xf32>
        %get3A_458 = arith.constant 1 : i32
        %get3A_459 = arith.constant 31 : i32
        %get3A_460 = arith.index_cast %get3A_458 : i32 to index
        %get3A_461 = arith.index_cast %get3A_459 : i32 to index
        %get3A_462 = arith.index_cast %mul3A_163 : i32 to index
        %get3A_463 = tpu.vector_load %arg5[%get3A_460, %get3A_461, %get3A_462] {strides = array<i32>} : memref<2x66x512xf32, #tpu.memory_space<vmem>>, vector<1x1x16xf32>,
        %get3A_464 = vector.shape_cast %get3A_463 : vector<1x1x16xf32> to vector<16xf32>
        %get3A_465 = arith.constant 1 : i32
        %get3A_466 = arith.constant 32 : i32
        %get3A_467 = arith.index_cast %get3A_465 : i32 to index
        %get3A_468 = arith.index_cast %get3A_466 : i32 to index
        %get3A_469 = arith.index_cast %mul3A_163 : i32 to index
        %get3A_470 = tpu.vector_load %arg5[%get3A_467, %get3A_468, %get3A_469] {strides = array<i32>} : memref<2x66x512xf32, #tpu.memory_space<vmem>>, vector<1x1x16xf32>,
        %get3A_471 = vector.shape_cast %get3A_470 : vector<1x1x16xf32> to vector<16xf32>
        %add3A_472 = arith.addf %get3A_450, %get3A_457 : vector<16xf32>
        %add3A_473 = arith.addf %get3A_464, %get3A_471 : vector<16xf32>
        %add3A_474 = arith.addf %add3A_472, %add3A_473 : vector<16xf32>
        %add3A_475 = arith.addf %get3A_282, %get3A_450 : vector<16xf32>
        %exp3A_476 = math.exp %get3A_450 : vector<16xf32>
        %add3A_477 = arith.addf %add3A_443, %exp3A_476 : vector<16xf32>
        %add3A_478 = arith.addf %get3A_289, %get3A_457 : vector<16xf32>
        %exp3A_479 = math.exp %get3A_457 : vector<16xf32>
        %add3A_480 = arith.addf %add3A_477, %exp3A_479 : vector<16xf32>
        %add3A_481 = arith.addf %get3A_296, %get3A_464 : vector<16xf32>
        %exp3A_482 = math.exp %get3A_464 : vector<16xf32>
        %add3A_483 = arith.addf %add3A_480, %exp3A_482 : vector<16xf32>
        %add3A_484 = arith.addf %get3A_303, %get3A_471 : vector<16xf32>
        %exp3A_485 = math.exp %get3A_471 : vector<16xf32>
        %add3A_486 = arith.addf %add3A_483, %exp3A_485 : vector<16xf32>
        %get3A_487 = arith.constant 1 : i32
        %get3A_488 = arith.constant 33 : i32
        %get3A_489 = arith.index_cast %get3A_487 : i32 to index
        %get3A_490 = arith.index_cast %get3A_488 : i32 to index
        %get3A_491 = arith.index_cast %mul3A_163 : i32 to index
        %get3A_492 = tpu.vector_load %arg5[%get3A_489, %get3A_490, %get3A_491] {strides = array<i32>} : memref<2x66x512xf32, #tpu.memory_space<vmem>>, vector<1x1x16xf32>,
        %get3A_493 = vector.shape_cast %get3A_492 : vector<1x1x16xf32> to vector<16xf32>
        %get3A_494 = arith.constant 1 : i32
        %get3A_495 = arith.constant 34 : i32
        %get3A_496 = arith.index_cast %get3A_494 : i32 to index
        %get3A_497 = arith.index_cast %get3A_495 : i32 to index
        %get3A_498 = arith.index_cast %mul3A_163 : i32 to index
        %get3A_499 = tpu.vector_load %arg5[%get3A_496, %get3A_497, %get3A_498] {strides = array<i32>} : memref<2x66x512xf32, #tpu.memory_space<vmem>>, vector<1x1x16xf32>,
        %get3A_500 = vector.shape_cast %get3A_499 : vector<1x1x16xf32> to vector<16xf32>
        %get3A_501 = arith.constant 1 : i32
        %get3A_502 = arith.constant 35 : i32
        %get3A_503 = arith.index_cast %get3A_501 : i32 to index
        %get3A_504 = arith.index_cast %get3A_502 : i32 to index
        %get3A_505 = arith.index_cast %mul3A_163 : i32 to index
        %get3A_506 = tpu.vector_load %arg5[%get3A_503, %get3A_504, %get3A_505] {strides = array<i32>} : memref<2x66x512xf32, #tpu.memory_space<vmem>>, vector<1x1x16xf32>,
        %get3A_507 = vector.shape_cast %get3A_506 : vector<1x1x16xf32> to vector<16xf32>
        %get3A_508 = arith.constant 1 : i32
        %get3A_509 = arith.constant 36 : i32
        %get3A_510 = arith.index_cast %get3A_508 : i32 to index
        %get3A_511 = arith.index_cast %get3A_509 : i32 to index
        %get3A_512 = arith.index_cast %mul3A_163 : i32 to index
        %get3A_513 = tpu.vector_load %arg5[%get3A_510, %get3A_511, %get3A_512] {strides = array<i32>} : memref<2x66x512xf32, #tpu.memory_space<vmem>>, vector<1x1x16xf32>,
        %get3A_514 = vector.shape_cast %get3A_513 : vector<1x1x16xf32> to vector<16xf32>
        %add3A_515 = arith.addf %get3A_493, %get3A_500 : vector<16xf32>
        %add3A_516 = arith.addf %get3A_507, %get3A_514 : vector<16xf32>
        %add3A_517 = arith.addf %add3A_515, %add3A_516 : vector<16xf32>
        %add3A_518 = arith.addf %add3A_346, %get3A_493 : vector<16xf32>
        %exp3A_519 = math.exp %get3A_493 : vector<16xf32>
        %add3A_520 = arith.addf %add3A_486, %exp3A_519 : vector<16xf32>
        %add3A_521 = arith.addf %add3A_349, %get3A_500 : vector<16xf32>
        %exp3A_522 = math.exp %get3A_500 : vector<16xf32>
        %add3A_523 = arith.addf %add3A_520, %exp3A_522 : vector<16xf32>
        %add3A_524 = arith.addf %add3A_352, %get3A_507 : vector<16xf32>
        %exp3A_525 = math.exp %get3A_507 : vector<16xf32>
        %add3A_526 = arith.addf %add3A_523, %exp3A_525 : vector<16xf32>
        %add3A_527 = arith.addf %add3A_355, %get3A_514 : vector<16xf32>
        %exp3A_528 = math.exp %get3A_514 : vector<16xf32>
        %add3A_529 = arith.addf %add3A_526, %exp3A_528 : vector<16xf32>
        %get3A_530 = arith.constant 1 : i32
        %get3A_531 = arith.constant 37 : i32
        %get3A_532 = arith.index_cast %get3A_530 : i32 to index
        %get3A_533 = arith.index_cast %get3A_531 : i32 to index
        %get3A_534 = arith.index_cast %mul3A_163 : i32 to index
        %get3A_535 = tpu.vector_load %arg5[%get3A_532, %get3A_533, %get3A_534] {strides = array<i32>} : memref<2x66x512xf32, #tpu.memory_space<vmem>>, vector<1x1x16xf32>,
        %get3A_536 = vector.shape_cast %get3A_535 : vector<1x1x16xf32> to vector<16xf32>
        %get3A_537 = arith.constant 1 : i32
        %get3A_538 = arith.constant 38 : i32
        %get3A_539 = arith.index_cast %get3A_537 : i32 to index
        %get3A_540 = arith.index_cast %get3A_538 : i32 to index
        %get3A_541 = arith.index_cast %mul3A_163 : i32 to index
        %get3A_542 = tpu.vector_load %arg5[%get3A_539, %get3A_540, %get3A_541] {strides = array<i32>} : memref<2x66x512xf32, #tpu.memory_space<vmem>>, vector<1x1x16xf32>,
        %get3A_543 = vector.shape_cast %get3A_542 : vector<1x1x16xf32> to vector<16xf32>
        %get3A_544 = arith.constant 1 : i32
        %get3A_545 = arith.constant 39 : i32
        %get3A_546 = arith.index_cast %get3A_544 : i32 to index
        %get3A_547 = arith.index_cast %get3A_545 : i32 to index
        %get3A_548 = arith.index_cast %mul3A_163 : i32 to index
        %get3A_549 = tpu.vector_load %arg5[%get3A_546, %get3A_547, %get3A_548] {strides = array<i32>} : memref<2x66x512xf32, #tpu.memory_space<vmem>>, vector<1x1x16xf32>,
        %get3A_550 = vector.shape_cast %get3A_549 : vector<1x1x16xf32> to vector<16xf32>
        %get3A_551 = arith.constant 1 : i32
        %get3A_552 = arith.constant 40 : i32
        %get3A_553 = arith.index_cast %get3A_551 : i32 to index
        %get3A_554 = arith.index_cast %get3A_552 : i32 to index
        %get3A_555 = arith.index_cast %mul3A_163 : i32 to index
        %get3A_556 = tpu.vector_load %arg5[%get3A_553, %get3A_554, %get3A_555] {strides = array<i32>} : memref<2x66x512xf32, #tpu.memory_space<vmem>>, vector<1x1x16xf32>,
        %get3A_557 = vector.shape_cast %get3A_556 : vector<1x1x16xf32> to vector<16xf32>
        %add3A_558 = arith.addf %get3A_536, %get3A_543 : vector<16xf32>
        %add3A_559 = arith.addf %get3A_550, %get3A_557 : vector<16xf32>
        %add3A_560 = arith.addf %add3A_558, %add3A_559 : vector<16xf32>
        %add3A_561 = arith.addf %add3A_389, %get3A_536 : vector<16xf32>
        %exp3A_562 = math.exp %get3A_536 : vector<16xf32>
        %add3A_563 = arith.addf %add3A_529, %exp3A_562 : vector<16xf32>
        %add3A_564 = arith.addf %add3A_392, %get3A_543 : vector<16xf32>
        %exp3A_565 = math.exp %get3A_543 : vector<16xf32>
        %add3A_566 = arith.addf %add3A_563, %exp3A_565 : vector<16xf32>
        %add3A_567 = arith.addf %add3A_395, %get3A_550 : vector<16xf32>
        %exp3A_568 = math.exp %get3A_550 : vector<16xf32>
        %add3A_569 = arith.addf %add3A_566, %exp3A_568 : vector<16xf32>
        %add3A_570 = arith.addf %add3A_398, %get3A_557 : vector<16xf32>
        %exp3A_571 = math.exp %get3A_557 : vector<16xf32>
        %add3A_572 = arith.addf %add3A_569, %exp3A_571 : vector<16xf32>
        %get3A_573 = arith.constant 1 : i32
        %get3A_574 = arith.constant 41 : i32
        %get3A_575 = arith.index_cast %get3A_573 : i32 to index
        %get3A_576 = arith.index_cast %get3A_574 : i32 to index
        %get3A_577 = arith.index_cast %mul3A_163 : i32 to index
        %get3A_578 = tpu.vector_load %arg5[%get3A_575, %get3A_576, %get3A_577] {strides = array<i32>} : memref<2x66x512xf32, #tpu.memory_space<vmem>>, vector<1x1x16xf32>,
        %get3A_579 = vector.shape_cast %get3A_578 : vector<1x1x16xf32> to vector<16xf32>
        %get3A_580 = arith.constant 1 : i32
        %get3A_581 = arith.constant 42 : i32
        %get3A_582 = arith.index_cast %get3A_580 : i32 to index
        %get3A_583 = arith.index_cast %get3A_581 : i32 to index
        %get3A_584 = arith.index_cast %mul3A_163 : i32 to index
        %get3A_585 = tpu.vector_load %arg5[%get3A_582, %get3A_583, %get3A_584] {strides = array<i32>} : memref<2x66x512xf32, #tpu.memory_space<vmem>>, vector<1x1x16xf32>,
        %get3A_586 = vector.shape_cast %get3A_585 : vector<1x1x16xf32> to vector<16xf32>
        %get3A_587 = arith.constant 1 : i32
        %get3A_588 = arith.constant 43 : i32
        %get3A_589 = arith.index_cast %get3A_587 : i32 to index
        %get3A_590 = arith.index_cast %get3A_588 : i32 to index
        %get3A_591 = arith.index_cast %mul3A_163 : i32 to index
        %get3A_592 = tpu.vector_load %arg5[%get3A_589, %get3A_590, %get3A_591] {strides = array<i32>} : memref<2x66x512xf32, #tpu.memory_space<vmem>>, vector<1x1x16xf32>,
        %get3A_593 = vector.shape_cast %get3A_592 : vector<1x1x16xf32> to vector<16xf32>
        %get3A_594 = arith.constant 1 : i32
        %get3A_595 = arith.constant 44 : i32
        %get3A_596 = arith.index_cast %get3A_594 : i32 to index
        %get3A_597 = arith.index_cast %get3A_595 : i32 to index
        %get3A_598 = arith.index_cast %mul3A_163 : i32 to index
        %get3A_599 = tpu.vector_load %arg5[%get3A_596, %get3A_597, %get3A_598] {strides = array<i32>} : memref<2x66x512xf32, #tpu.memory_space<vmem>>, vector<1x1x16xf32>,
        %get3A_600 = vector.shape_cast %get3A_599 : vector<1x1x16xf32> to vector<16xf32>
        %add3A_601 = arith.addf %get3A_579, %get3A_586 : vector<16xf32>
        %add3A_602 = arith.addf %get3A_593, %get3A_600 : vector<16xf32>
        %add3A_603 = arith.addf %add3A_601, %add3A_602 : vector<16xf32>
        %add3A_604 = arith.addf %add3A_432, %get3A_579 : vector<16xf32>
        %exp3A_605 = math.exp %get3A_579 : vector<16xf32>
        %add3A_606 = arith.addf %add3A_572, %exp3A_605 : vector<16xf32>
        %add3A_607 = arith.addf %add3A_435, %get3A_586 : vector<16xf32>
        %exp3A_608 = math.exp %get3A_586 : vector<16xf32>
        %add3A_609 = arith.addf %add3A_606, %exp3A_608 : vector<16xf32>
        %add3A_610 = arith.addf %add3A_438, %get3A_593 : vector<16xf32>
        %exp3A_611 = math.exp %get3A_593 : vector<16xf32>
        %add3A_612 = arith.addf %add3A_609, %exp3A_611 : vector<16xf32>
        %add3A_613 = arith.addf %add3A_441, %get3A_600 : vector<16xf32>
        %exp3A_614 = math.exp %get3A_600 : vector<16xf32>
        %add3A_615 = arith.addf %add3A_612, %exp3A_614 : vector<16xf32>
        %get3A_616 = arith.constant 1 : i32
        %get3A_617 = arith.constant 45 : i32
        %get3A_618 = arith.index_cast %get3A_616 : i32 to index
        %get3A_619 = arith.index_cast %get3A_617 : i32 to index
        %get3A_620 = arith.index_cast %mul3A_163 : i32 to index
        %get3A_621 = tpu.vector_load %arg5[%get3A_618, %get3A_619, %get3A_620] {strides = array<i32>} : memref<2x66x512xf32, #tpu.memory_space<vmem>>, vector<1x1x16xf32>,
        %get3A_622 = vector.shape_cast %get3A_621 : vector<1x1x16xf32> to vector<16xf32>
        %get3A_623 = arith.constant 1 : i32
        %get3A_624 = arith.constant 46 : i32
        %get3A_625 = arith.index_cast %get3A_623 : i32 to index
        %get3A_626 = arith.index_cast %get3A_624 : i32 to index
        %get3A_627 = arith.index_cast %mul3A_163 : i32 to index
        %get3A_628 = tpu.vector_load %arg5[%get3A_625, %get3A_626, %get3A_627] {strides = array<i32>} : memref<2x66x512xf32, #tpu.memory_space<vmem>>, vector<1x1x16xf32>,
        %get3A_629 = vector.shape_cast %get3A_628 : vector<1x1x16xf32> to vector<16xf32>
        %get3A_630 = arith.constant 1 : i32
        %get3A_631 = arith.constant 47 : i32
        %get3A_632 = arith.index_cast %get3A_630 : i32 to index
        %get3A_633 = arith.index_cast %get3A_631 : i32 to index
        %get3A_634 = arith.index_cast %mul3A_163 : i32 to index
        %get3A_635 = tpu.vector_load %arg5[%get3A_632, %get3A_633, %get3A_634] {strides = array<i32>} : memref<2x66x512xf32, #tpu.memory_space<vmem>>, vector<1x1x16xf32>,
        %get3A_636 = vector.shape_cast %get3A_635 : vector<1x1x16xf32> to vector<16xf32>
        %get3A_637 = arith.constant 1 : i32
        %get3A_638 = arith.constant 48 : i32
        %get3A_639 = arith.index_cast %get3A_637 : i32 to index
        %get3A_640 = arith.index_cast %get3A_638 : i32 to index
        %get3A_641 = arith.index_cast %mul3A_163 : i32 to index
        %get3A_642 = tpu.vector_load %arg5[%get3A_639, %get3A_640, %get3A_641] {strides = array<i32>} : memref<2x66x512xf32, #tpu.memory_space<vmem>>, vector<1x1x16xf32>,
        %get3A_643 = vector.shape_cast %get3A_642 : vector<1x1x16xf32> to vector<16xf32>
        %add3A_644 = arith.addf %get3A_622, %get3A_629 : vector<16xf32>
        %add3A_645 = arith.addf %get3A_636, %get3A_643 : vector<16xf32>
        %add3A_646 = arith.addf %add3A_644, %add3A_645 : vector<16xf32>
        %add3A_647 = arith.addf %add3A_475, %get3A_622 : vector<16xf32>
        %exp3A_648 = math.exp %get3A_622 : vector<16xf32>
        %add3A_649 = arith.addf %add3A_615, %exp3A_648 : vector<16xf32>
        %add3A_650 = arith.addf %add3A_478, %get3A_629 : vector<16xf32>
        %exp3A_651 = math.exp %get3A_629 : vector<16xf32>
        %add3A_652 = arith.addf %add3A_649, %exp3A_651 : vector<16xf32>
        %add3A_653 = arith.addf %add3A_481, %get3A_636 : vector<16xf32>
        %exp3A_654 = math.exp %get3A_636 : vector<16xf32>
        %add3A_655 = arith.addf %add3A_652, %exp3A_654 : vector<16xf32>
        %add3A_656 = arith.addf %add3A_484, %get3A_643 : vector<16xf32>
        %exp3A_657 = math.exp %get3A_643 : vector<16xf32>
        %add3A_658 = arith.addf %add3A_655, %exp3A_657 : vector<16xf32>
        %get3A_659 = arith.constant 1 : i32
        %get3A_660 = arith.constant 49 : i32
        %get3A_661 = arith.index_cast %get3A_659 : i32 to index
        %get3A_662 = arith.index_cast %get3A_660 : i32 to index
        %get3A_663 = arith.index_cast %mul3A_163 : i32 to index
        %get3A_664 = tpu.vector_load %arg5[%get3A_661, %get3A_662, %get3A_663] {strides = array<i32>} : memref<2x66x512xf32, #tpu.memory_space<vmem>>, vector<1x1x16xf32>,
        %get3A_665 = vector.shape_cast %get3A_664 : vector<1x1x16xf32> to vector<16xf32>
        %get3A_666 = arith.constant 1 : i32
        %get3A_667 = arith.constant 50 : i32
        %get3A_668 = arith.index_cast %get3A_666 : i32 to index
        %get3A_669 = arith.index_cast %get3A_667 : i32 to index
        %get3A_670 = arith.index_cast %mul3A_163 : i32 to index
        %get3A_671 = tpu.vector_load %arg5[%get3A_668, %get3A_669, %get3A_670] {strides = array<i32>} : memref<2x66x512xf32, #tpu.memory_space<vmem>>, vector<1x1x16xf32>,
        %get3A_672 = vector.shape_cast %get3A_671 : vector<1x1x16xf32> to vector<16xf32>
        %get3A_673 = arith.constant 1 : i32
        %get3A_674 = arith.constant 51 : i32
        %get3A_675 = arith.index_cast %get3A_673 : i32 to index
        %get3A_676 = arith.index_cast %get3A_674 : i32 to index
        %get3A_677 = arith.index_cast %mul3A_163 : i32 to index
        %get3A_678 = tpu.vector_load %arg5[%get3A_675, %get3A_676, %get3A_677] {strides = array<i32>} : memref<2x66x512xf32, #tpu.memory_space<vmem>>, vector<1x1x16xf32>,
        %get3A_679 = vector.shape_cast %get3A_678 : vector<1x1x16xf32> to vector<16xf32>
        %get3A_680 = arith.constant 1 : i32
        %get3A_681 = arith.constant 52 : i32
        %get3A_682 = arith.index_cast %get3A_680 : i32 to index
        %get3A_683 = arith.index_cast %get3A_681 : i32 to index
        %get3A_684 = arith.index_cast %mul3A_163 : i32 to index
        %get3A_685 = tpu.vector_load %arg5[%get3A_682, %get3A_683, %get3A_684] {strides = array<i32>} : memref<2x66x512xf32, #tpu.memory_space<vmem>>, vector<1x1x16xf32>,
        %get3A_686 = vector.shape_cast %get3A_685 : vector<1x1x16xf32> to vector<16xf32>
        %add3A_687 = arith.addf %get3A_665, %get3A_672 : vector<16xf32>
        %add3A_688 = arith.addf %get3A_679, %get3A_686 : vector<16xf32>
        %add3A_689 = arith.addf %add3A_687, %add3A_688 : vector<16xf32>
        %add3A_690 = arith.addf %add3A_518, %get3A_665 : vector<16xf32>
        %exp3A_691 = math.exp %get3A_665 : vector<16xf32>
        %add3A_692 = arith.addf %add3A_658, %exp3A_691 : vector<16xf32>
        %add3A_693 = arith.addf %add3A_521, %get3A_672 : vector<16xf32>
        %exp3A_694 = math.exp %get3A_672 : vector<16xf32>
        %add3A_695 = arith.addf %add3A_692, %exp3A_694 : vector<16xf32>
        %add3A_696 = arith.addf %add3A_524, %get3A_679 : vector<16xf32>
        %exp3A_697 = math.exp %get3A_679 : vector<16xf32>
        %add3A_698 = arith.addf %add3A_695, %exp3A_697 : vector<16xf32>
        %add3A_699 = arith.addf %add3A_527, %get3A_686 : vector<16xf32>
        %exp3A_700 = math.exp %get3A_686 : vector<16xf32>
        %add3A_701 = arith.addf %add3A_698, %exp3A_700 : vector<16xf32>
        %get3A_702 = arith.constant 1 : i32
        %get3A_703 = arith.constant 53 : i32
        %get3A_704 = arith.index_cast %get3A_702 : i32 to index
        %get3A_705 = arith.index_cast %get3A_703 : i32 to index
        %get3A_706 = arith.index_cast %mul3A_163 : i32 to index
        %get3A_707 = tpu.vector_load %arg5[%get3A_704, %get3A_705, %get3A_706] {strides = array<i32>} : memref<2x66x512xf32, #tpu.memory_space<vmem>>, vector<1x1x16xf32>,
        %get3A_708 = vector.shape_cast %get3A_707 : vector<1x1x16xf32> to vector<16xf32>
        %get3A_709 = arith.constant 1 : i32
        %get3A_710 = arith.constant 54 : i32
        %get3A_711 = arith.index_cast %get3A_709 : i32 to index
        %get3A_712 = arith.index_cast %get3A_710 : i32 to index
        %get3A_713 = arith.index_cast %mul3A_163 : i32 to index
        %get3A_714 = tpu.vector_load %arg5[%get3A_711, %get3A_712, %get3A_713] {strides = array<i32>} : memref<2x66x512xf32, #tpu.memory_space<vmem>>, vector<1x1x16xf32>,
        %get3A_715 = vector.shape_cast %get3A_714 : vector<1x1x16xf32> to vector<16xf32>
        %get3A_716 = arith.constant 1 : i32
        %get3A_717 = arith.constant 55 : i32
        %get3A_718 = arith.index_cast %get3A_716 : i32 to index
        %get3A_719 = arith.index_cast %get3A_717 : i32 to index
        %get3A_720 = arith.index_cast %mul3A_163 : i32 to index
        %get3A_721 = tpu.vector_load %arg5[%get3A_718, %get3A_719, %get3A_720] {strides = array<i32>} : memref<2x66x512xf32, #tpu.memory_space<vmem>>, vector<1x1x16xf32>,
        %get3A_722 = vector.shape_cast %get3A_721 : vector<1x1x16xf32> to vector<16xf32>
        %get3A_723 = arith.constant 1 : i32
        %get3A_724 = arith.constant 56 : i32
        %get3A_725 = arith.index_cast %get3A_723 : i32 to index
        %get3A_726 = arith.index_cast %get3A_724 : i32 to index
        %get3A_727 = arith.index_cast %mul3A_163 : i32 to index
        %get3A_728 = tpu.vector_load %arg5[%get3A_725, %get3A_726, %get3A_727] {strides = array<i32>} : memref<2x66x512xf32, #tpu.memory_space<vmem>>, vector<1x1x16xf32>,
        %get3A_729 = vector.shape_cast %get3A_728 : vector<1x1x16xf32> to vector<16xf32>
        %add3A_730 = arith.addf %get3A_708, %get3A_715 : vector<16xf32>
        %add3A_731 = arith.addf %get3A_722, %get3A_729 : vector<16xf32>
        %add3A_732 = arith.addf %add3A_730, %add3A_731 : vector<16xf32>
        %add3A_733 = arith.addf %add3A_561, %get3A_708 : vector<16xf32>
        %exp3A_734 = math.exp %get3A_708 : vector<16xf32>
        %add3A_735 = arith.addf %add3A_701, %exp3A_734 : vector<16xf32>
        %add3A_736 = arith.addf %add3A_564, %get3A_715 : vector<16xf32>
        %exp3A_737 = math.exp %get3A_715 : vector<16xf32>
        %add3A_738 = arith.addf %add3A_735, %exp3A_737 : vector<16xf32>
        %add3A_739 = arith.addf %add3A_567, %get3A_722 : vector<16xf32>
        %exp3A_740 = math.exp %get3A_722 : vector<16xf32>
        %add3A_741 = arith.addf %add3A_738, %exp3A_740 : vector<16xf32>
        %add3A_742 = arith.addf %add3A_570, %get3A_729 : vector<16xf32>
        %exp3A_743 = math.exp %get3A_729 : vector<16xf32>
        %add3A_744 = arith.addf %add3A_741, %exp3A_743 : vector<16xf32>
        %get3A_745 = arith.constant 1 : i32
        %get3A_746 = arith.constant 57 : i32
        %get3A_747 = arith.index_cast %get3A_745 : i32 to index
        %get3A_748 = arith.index_cast %get3A_746 : i32 to index
        %get3A_749 = arith.index_cast %mul3A_163 : i32 to index
        %get3A_750 = tpu.vector_load %arg5[%get3A_747, %get3A_748, %get3A_749] {strides = array<i32>} : memref<2x66x512xf32, #tpu.memory_space<vmem>>, vector<1x1x16xf32>,
        %get3A_751 = vector.shape_cast %get3A_750 : vector<1x1x16xf32> to vector<16xf32>
        %get3A_752 = arith.constant 1 : i32
        %get3A_753 = arith.constant 58 : i32
        %get3A_754 = arith.index_cast %get3A_752 : i32 to index
        %get3A_755 = arith.index_cast %get3A_753 : i32 to index
        %get3A_756 = arith.index_cast %mul3A_163 : i32 to index
        %get3A_757 = tpu.vector_load %arg5[%get3A_754, %get3A_755, %get3A_756] {strides = array<i32>} : memref<2x66x512xf32, #tpu.memory_space<vmem>>, vector<1x1x16xf32>,
        %get3A_758 = vector.shape_cast %get3A_757 : vector<1x1x16xf32> to vector<16xf32>
        %get3A_759 = arith.constant 1 : i32
        %get3A_760 = arith.constant 59 : i32
        %get3A_761 = arith.index_cast %get3A_759 : i32 to index
        %get3A_762 = arith.index_cast %get3A_760 : i32 to index
        %get3A_763 = arith.index_cast %mul3A_163 : i32 to index
        %get3A_764 = tpu.vector_load %arg5[%get3A_761, %get3A_762, %get3A_763] {strides = array<i32>} : memref<2x66x512xf32, #tpu.memory_space<vmem>>, vector<1x1x16xf32>,
        %get3A_765 = vector.shape_cast %get3A_764 : vector<1x1x16xf32> to vector<16xf32>
        %get3A_766 = arith.constant 1 : i32
        %get3A_767 = arith.constant 60 : i32
        %get3A_768 = arith.index_cast %get3A_766 : i32 to index
        %get3A_769 = arith.index_cast %get3A_767 : i32 to index
        %get3A_770 = arith.index_cast %mul3A_163 : i32 to index
        %get3A_771 = tpu.vector_load %arg5[%get3A_768, %get3A_769, %get3A_770] {strides = array<i32>} : memref<2x66x512xf32, #tpu.memory_space<vmem>>, vector<1x1x16xf32>,
        %get3A_772 = vector.shape_cast %get3A_771 : vector<1x1x16xf32> to vector<16xf32>
        %add3A_773 = arith.addf %get3A_751, %get3A_758 : vector<16xf32>
        %add3A_774 = arith.addf %get3A_765, %get3A_772 : vector<16xf32>
        %add3A_775 = arith.addf %add3A_773, %add3A_774 : vector<16xf32>
        %add3A_776 = arith.addf %add3A_604, %get3A_751 : vector<16xf32>
        %exp3A_777 = math.exp %get3A_751 : vector<16xf32>
        %add3A_778 = arith.addf %add3A_744, %exp3A_777 : vector<16xf32>
        %add3A_779 = arith.addf %add3A_607, %get3A_758 : vector<16xf32>
        %exp3A_780 = math.exp %get3A_758 : vector<16xf32>
        %add3A_781 = arith.addf %add3A_778, %exp3A_780 : vector<16xf32>
        %add3A_782 = arith.addf %add3A_610, %get3A_765 : vector<16xf32>
        %exp3A_783 = math.exp %get3A_765 : vector<16xf32>
        %add3A_784 = arith.addf %add3A_781, %exp3A_783 : vector<16xf32>
        %add3A_785 = arith.addf %add3A_613, %get3A_772 : vector<16xf32>
        %exp3A_786 = math.exp %get3A_772 : vector<16xf32>
        %add3A_787 = arith.addf %add3A_784, %exp3A_786 : vector<16xf32>
        %get3A_788 = arith.constant 1 : i32
        %get3A_789 = arith.constant 61 : i32
        %get3A_790 = arith.index_cast %get3A_788 : i32 to index
        %get3A_791 = arith.index_cast %get3A_789 : i32 to index
        %get3A_792 = arith.index_cast %mul3A_163 : i32 to index
        %get3A_793 = tpu.vector_load %arg5[%get3A_790, %get3A_791, %get3A_792] {strides = array<i32>} : memref<2x66x512xf32, #tpu.memory_space<vmem>>, vector<1x1x16xf32>,
        %get3A_794 = vector.shape_cast %get3A_793 : vector<1x1x16xf32> to vector<16xf32>
        %get3A_795 = arith.constant 1 : i32
        %get3A_796 = arith.constant 62 : i32
        %get3A_797 = arith.index_cast %get3A_795 : i32 to index
        %get3A_798 = arith.index_cast %get3A_796 : i32 to index
        %get3A_799 = arith.index_cast %mul3A_163 : i32 to index
        %get3A_800 = tpu.vector_load %arg5[%get3A_797, %get3A_798, %get3A_799] {strides = array<i32>} : memref<2x66x512xf32, #tpu.memory_space<vmem>>, vector<1x1x16xf32>,
        %get3A_801 = vector.shape_cast %get3A_800 : vector<1x1x16xf32> to vector<16xf32>
        %get3A_802 = arith.constant 1 : i32
        %get3A_803 = arith.constant 63 : i32
        %get3A_804 = arith.index_cast %get3A_802 : i32 to index
        %get3A_805 = arith.index_cast %get3A_803 : i32 to index
        %get3A_806 = arith.index_cast %mul3A_163 : i32 to index
        %get3A_807 = tpu.vector_load %arg5[%get3A_804, %get3A_805, %get3A_806] {strides = array<i32>} : memref<2x66x512xf32, #tpu.memory_space<vmem>>, vector<1x1x16xf32>,
        %get3A_808 = vector.shape_cast %get3A_807 : vector<1x1x16xf32> to vector<16xf32>
        %get3A_809 = arith.constant 1 : i32
        %get3A_810 = arith.constant 64 : i32
        %get3A_811 = arith.index_cast %get3A_809 : i32 to index
        %get3A_812 = arith.index_cast %get3A_810 : i32 to index
        %get3A_813 = arith.index_cast %mul3A_163 : i32 to index
        %get3A_814 = tpu.vector_load %arg5[%get3A_811, %get3A_812, %get3A_813] {strides = array<i32>} : memref<2x66x512xf32, #tpu.memory_space<vmem>>, vector<1x1x16xf32>,
        %get3A_815 = vector.shape_cast %get3A_814 : vector<1x1x16xf32> to vector<16xf32>
        %add3A_816 = arith.addf %get3A_794, %get3A_801 : vector<16xf32>
        %add3A_817 = arith.addf %get3A_808, %get3A_815 : vector<16xf32>
        %add3A_818 = arith.addf %add3A_816, %add3A_817 : vector<16xf32>
        %add3A_819 = arith.addf %add3A_647, %get3A_794 : vector<16xf32>
        %exp3A_820 = math.exp %get3A_794 : vector<16xf32>
        %add3A_821 = arith.addf %add3A_787, %exp3A_820 : vector<16xf32>
        %add3A_822 = arith.addf %add3A_650, %get3A_801 : vector<16xf32>
        %exp3A_823 = math.exp %get3A_801 : vector<16xf32>
        %add3A_824 = arith.addf %add3A_821, %exp3A_823 : vector<16xf32>
        %add3A_825 = arith.addf %add3A_653, %get3A_808 : vector<16xf32>
        %exp3A_826 = math.exp %get3A_808 : vector<16xf32>
        %add3A_827 = arith.addf %add3A_824, %exp3A_826 : vector<16xf32>
        %add3A_828 = arith.addf %add3A_656, %get3A_815 : vector<16xf32>
        %exp3A_829 = math.exp %get3A_815 : vector<16xf32>
        %add3A_830 = arith.addf %add3A_827, %exp3A_829 : vector<16xf32>
        %get3A_831 = arith.constant 1 : i32
        %get3A_832 = arith.constant 65 : i32
        %get3A_833 = arith.index_cast %get3A_831 : i32 to index
        %get3A_834 = arith.index_cast %get3A_832 : i32 to index
        %get3A_835 = arith.index_cast %mul3A_163 : i32 to index
        %get3A_836 = tpu.vector_load %arg5[%get3A_833, %get3A_834, %get3A_835] {strides = array<i32>} : memref<2x66x512xf32, #tpu.memory_space<vmem>>, vector<1x1x16xf32>,
        %get3A_837 = vector.shape_cast %get3A_836 : vector<1x1x16xf32> to vector<16xf32>
        %exp3A_838 = math.exp %get3A_837 : vector<16xf32>
        %add3A_839 = arith.addf %add3A_830, %exp3A_838 : vector<16xf32>
        %add3A_840 = arith.addf %add3A_201, %add3A_232 : vector<16xf32>
        %add3A_841 = arith.addf %add3A_267, %add3A_306 : vector<16xf32>
        %add3A_842 = arith.addf %add3A_840, %add3A_841 : vector<16xf32>
        %add3A_843 = arith.addf %add3A_345, %add3A_388 : vector<16xf32>
        %add3A_844 = arith.addf %add3A_431, %add3A_474 : vector<16xf32>
        %add3A_845 = arith.addf %add3A_843, %add3A_844 : vector<16xf32>
        %add3A_846 = arith.addf %add3A_517, %add3A_560 : vector<16xf32>
        %add3A_847 = arith.addf %add3A_603, %add3A_646 : vector<16xf32>
        %add3A_848 = arith.addf %add3A_846, %add3A_847 : vector<16xf32>
        %add3A_849 = arith.addf %add3A_689, %add3A_732 : vector<16xf32>
        %add3A_850 = arith.addf %add3A_775, %add3A_818 : vector<16xf32>
        %add3A_851 = arith.addf %add3A_849, %add3A_850 : vector<16xf32>
        %add3A_852 = arith.addf %add3A_201, %add3A_345 : vector<16xf32>
        %add3A_853 = arith.addf %add3A_517, %add3A_689 : vector<16xf32>
        %add3A_854 = arith.addf %add3A_852, %add3A_853 : vector<16xf32>
        %add3A_855 = arith.addf %add3A_232, %add3A_388 : vector<16xf32>
        %add3A_856 = arith.addf %add3A_560, %add3A_732 : vector<16xf32>
        %add3A_857 = arith.addf %add3A_855, %add3A_856 : vector<16xf32>
        %add3A_858 = arith.addf %add3A_267, %add3A_431 : vector<16xf32>
        %add3A_859 = arith.addf %add3A_603, %add3A_775 : vector<16xf32>
        %add3A_860 = arith.addf %add3A_858, %add3A_859 : vector<16xf32>
        %add3A_861 = arith.addf %add3A_306, %add3A_474 : vector<16xf32>
        %add3A_862 = arith.addf %add3A_646, %add3A_818 : vector<16xf32>
        %add3A_863 = arith.addf %add3A_861, %add3A_862 : vector<16xf32>
        %add3A_864 = arith.addf %add3A_690, %add3A_733 : vector<16xf32>
        %add3A_865 = arith.addf %add3A_776, %add3A_819 : vector<16xf32>
        %add3A_866 = arith.addf %add3A_864, %add3A_865 : vector<16xf32>
        %add3A_867 = arith.addf %add3A_693, %add3A_736 : vector<16xf32>
        %add3A_868 = arith.addf %add3A_779, %add3A_822 : vector<16xf32>
        %add3A_869 = arith.addf %add3A_867, %add3A_868 : vector<16xf32>
        %add3A_870 = arith.addf %add3A_696, %add3A_739 : vector<16xf32>
        %add3A_871 = arith.addf %add3A_782, %add3A_825 : vector<16xf32>
        %add3A_872 = arith.addf %add3A_870, %add3A_871 : vector<16xf32>
        %add3A_873 = arith.addf %add3A_699, %add3A_742 : vector<16xf32>
        %add3A_874 = arith.addf %add3A_785, %add3A_828 : vector<16xf32>
        %add3A_875 = arith.addf %add3A_873, %add3A_874 : vector<16xf32>
        %get3A_876 = arith.constant 1 : i32
        %get3A_877 = arith.constant 0 : i32
        %get3A_878 = arith.index_cast %get3A_876 : i32 to index
        %get3A_879 = arith.index_cast %get3A_877 : i32 to index
        %get3A_880 = arith.index_cast %mul3A_163 : i32 to index
        %get3A_881 = tpu.vector_load %arg5[%get3A_878, %get3A_879, %get3A_880] {strides = array<i32>} : memref<2x66x512xf32, #tpu.memory_space<vmem>>, vector<1x1x16xf32>,
        %get3A_882 = vector.shape_cast %get3A_881 : vector<1x1x16xf32> to vector<16xf32>
        %add3A_883 = arith.addf %get3A_882, %get3A_882 : vector<16xf32>
        %add3A_884 = arith.addf %get3A_208, %get3A_837 : vector<16xf32>
        %sub3A = arith.constant 1 : i32
        %sub3A_885 = vector.broadcast %sub3A : i32 to vector<16xi32>
        %sub3A_886 = arith.subi %get3A_167, %sub3A_885 : vector<16xi32>
        %shift_right_arithmetic3A_887 = arith.constant 4 : i32
        %shift_right_arithmetic3A_888 = vector.broadcast %shift_right_arithmetic3A_887 : i32 to vector<16xi32>
        %shift_right_arithmetic3A_889 = arith.shrsi %sub3A_886, %shift_right_arithmetic3A_888 : vector<16xi32>
        %shift_right_arithmetic3A_890 = arith.constant 2 : i32
        %shift_right_arithmetic3A_891 = vector.broadcast %shift_right_arithmetic3A_890 : i32 to vector<16xi32>
        %shift_right_arithmetic3A_892 = arith.shrsi %sub3A_886, %shift_right_arithmetic3A_891 : vector<16xi32>
        %and3A_893 = arith.constant 3 : i32
        %and3A_894 = vector.broadcast %and3A_893 : i32 to vector<16xi32>
        %and3A_895 = arith.andi %shift_right_arithmetic3A_892, %and3A_894 : vector<16xi32>
        %and3A_896 = arith.constant 3 : i32
        %and3A_897 = vector.broadcast %and3A_896 : i32 to vector<16xi32>
        %and3A_898 = arith.andi %sub3A_886, %and3A_897 : vector<16xi32>
        %eq3A = arith.constant 0 : i32
        %eq3A_899 = vector.broadcast %eq3A : i32 to vector<16xi32>
        %eq3A_900 = arith.cmpi eq, %get3A_167, %eq3A_899 : vector<16xi32>
        %eq3A_901 = arith.constant 65 : i32
        %eq3A_902 = vector.broadcast %eq3A_901 : i32 to vector<16xi32>
        %eq3A_903 = arith.cmpi eq, %get3A_167, %eq3A_902 : vector<16xi32>
        %add3A_904 = arith.addf %get3A_177, %add3A_842 : vector<16xf32>
        %add3A_905 = arith.addf %get3A_184, %add3A_845 : vector<16xf32>
        %add3A_906 = arith.addf %get3A_191, %add3A_848 : vector<16xf32>
        %add3A_907 = arith.addf %get3A_198, %add3A_851 : vector<16xf32>
        %exp3A_908 = math.exp %add3A_883 : vector<16xf32>
        %exp3A_909 = math.exp %add3A_904 : vector<16xf32>
        %exp3A_910 = math.exp %add3A_905 : vector<16xf32>
        %exp3A_911 = math.exp %add3A_906 : vector<16xf32>
        %exp3A_912 = math.exp %add3A_907 : vector<16xf32>
        %exp3A_913 = math.exp %add3A_884 : vector<16xf32>
        %add3A_914 = arith.addf %exp3A_908, %exp3A_909 : vector<16xf32>
        %add3A_915 = arith.addf %exp3A_910, %exp3A_911 : vector<16xf32>
        %add3A_916 = arith.addf %exp3A_912, %exp3A_913 : vector<16xf32>
        %add3A_917 = arith.addf %add3A_914, %add3A_915 : vector<16xf32>
        %add3A_918 = arith.addf %add3A_917, %add3A_916 : vector<16xf32>
        %add3A_919 = arith.addf %add3A_839, %add3A_918 : vector<16xf32>
        %add3A_920 = arith.constant 1 : i32
        %add3A_921 = vector.broadcast %add3A_920 : i32 to vector<16xi32>
        %add3A_922 = arith.addi %shift_right_arithmetic3A_889, %add3A_921 : vector<16xi32>
        %jit3A = arith.constant 5 : i32
        %broadcast_in_dim3A_923 = vector.broadcast %jit3A : i32 to vector<16xi32>
        %select_n3A = arith.select %eq3A_903, %broadcast_in_dim3A_923, %add3A_922 : vector<16xi1>, vector<16xi32>
        %jit3A_924 = arith.constant 0 : i32
        %broadcast_in_dim3A_925 = vector.broadcast %jit3A_924 : i32 to vector<16xi32>
        %select_n3A_926 = arith.select %eq3A_900, %broadcast_in_dim3A_925, %select_n3A : vector<16xi1>, vector<16xi32>
        %eq3A_927 = arith.constant 0 : i32
        %eq3A_928 = vector.broadcast %eq3A_927 : i32 to vector<16xi32>
        %eq3A_929 = arith.cmpi eq, %select_n3A_926, %eq3A_928 : vector<16xi32>
        %jit3A_930 = arith.constant 0.000000e+00 : f32
        %broadcast_in_dim3A_931 = vector.broadcast %jit3A_930 : f32 to vector<16xf32>
        %select_n3A_932 = arith.select %eq3A_929, %add3A_883, %broadcast_in_dim3A_931 : vector<16xi1>, vector<16xf32>
        %eq3A_933 = arith.constant 1 : i32
        %eq3A_934 = vector.broadcast %eq3A_933 : i32 to vector<16xi32>
        %eq3A_935 = arith.cmpi eq, %select_n3A_926, %eq3A_934 : vector<16xi32>
        %jit3A_936 = arith.constant 0.000000e+00 : f32
        %broadcast_in_dim3A_937 = vector.broadcast %jit3A_936 : f32 to vector<16xf32>
        %select_n3A_938 = arith.select %eq3A_935, %add3A_904, %broadcast_in_dim3A_937 : vector<16xi1>, vector<16xf32>
        %eq3A_939 = arith.constant 2 : i32
        %eq3A_940 = vector.broadcast %eq3A_939 : i32 to vector<16xi32>
        %eq3A_941 = arith.cmpi eq, %select_n3A_926, %eq3A_940 : vector<16xi32>
        %jit3A_942 = arith.constant 0.000000e+00 : f32
        %broadcast_in_dim3A_943 = vector.broadcast %jit3A_942 : f32 to vector<16xf32>
        %select_n3A_944 = arith.select %eq3A_941, %add3A_905, %broadcast_in_dim3A_943 : vector<16xi1>, vector<16xf32>
        %eq3A_945 = arith.constant 3 : i32
        %eq3A_946 = vector.broadcast %eq3A_945 : i32 to vector<16xi32>
        %eq3A_947 = arith.cmpi eq, %select_n3A_926, %eq3A_946 : vector<16xi32>
        %jit3A_948 = arith.constant 0.000000e+00 : f32
        %broadcast_in_dim3A_949 = vector.broadcast %jit3A_948 : f32 to vector<16xf32>
        %select_n3A_950 = arith.select %eq3A_947, %add3A_906, %broadcast_in_dim3A_949 : vector<16xi1>, vector<16xf32>
        %eq3A_951 = arith.constant 4 : i32
        %eq3A_952 = vector.broadcast %eq3A_951 : i32 to vector<16xi32>
        %eq3A_953 = arith.cmpi eq, %select_n3A_926, %eq3A_952 : vector<16xi32>
        %jit3A_954 = arith.constant 0.000000e+00 : f32
        %broadcast_in_dim3A_955 = vector.broadcast %jit3A_954 : f32 to vector<16xf32>
        %select_n3A_956 = arith.select %eq3A_953, %add3A_907, %broadcast_in_dim3A_955 : vector<16xi1>, vector<16xf32>
        %eq3A_957 = arith.constant 5 : i32
        %eq3A_958 = vector.broadcast %eq3A_957 : i32 to vector<16xi32>
        %eq3A_959 = arith.cmpi eq, %select_n3A_926, %eq3A_958 : vector<16xi32>
        %jit3A_960 = arith.constant 0.000000e+00 : f32
        %broadcast_in_dim3A_961 = vector.broadcast %jit3A_960 : f32 to vector<16xf32>
        %select_n3A_962 = arith.select %eq3A_959, %add3A_884, %broadcast_in_dim3A_961 : vector<16xi1>, vector<16xf32>
        %add3A_963 = arith.addf %select_n3A_932, %select_n3A_938 : vector<16xf32>
        %add3A_964 = arith.addf %select_n3A_944, %select_n3A_950 : vector<16xf32>
        %add3A_965 = arith.addf %select_n3A_956, %select_n3A_962 : vector<16xf32>
        %add3A_966 = arith.addf %add3A_963, %add3A_964 : vector<16xf32>
        %add3A_967 = arith.addf %add3A_966, %add3A_965 : vector<16xf32>
        %bitcast_convert_type3A = tpu.bitcast %add3A_919 : vector<16xf32> -> vector<16xi32>
        %shift_right_arithmetic3A_968 = arith.constant 23 : i32
        %shift_right_arithmetic3A_969 = vector.broadcast %shift_right_arithmetic3A_968 : i32 to vector<16xi32>
        %shift_right_arithmetic3A_970 = arith.shrsi %bitcast_convert_type3A, %shift_right_arithmetic3A_969 : vector<16xi32>
        %sub3A_971 = arith.constant 127 : i32
        %sub3A_972 = vector.broadcast %sub3A_971 : i32 to vector<16xi32>
        %sub3A_973 = arith.subi %shift_right_arithmetic3A_970, %sub3A_972 : vector<16xi32>
        %and3A_974 = arith.constant 8388607 : i32
        %and3A_975 = vector.broadcast %and3A_974 : i32 to vector<16xi32>
        %and3A_976 = arith.andi %bitcast_convert_type3A, %and3A_975 : vector<16xi32>
        %or3A = arith.constant 1065353216 : i32
        %or3A_977 = vector.broadcast %or3A : i32 to vector<16xi32>
        %or3A_978 = arith.ori %and3A_976, %or3A_977 : vector<16xi32>
        %bitcast_convert_type3A_979 = tpu.bitcast %or3A_978 : vector<16xi32> -> vector<16xf32>
        %gt3A = arith.constant 1.41421354 : f32
        %gt3A_980 = vector.broadcast %gt3A : f32 to vector<16xf32>
        %gt3A_981 = arith.cmpf ogt, %bitcast_convert_type3A_979, %gt3A_980 : vector<16xf32>
        %mul3A_982 = arith.constant 5.000000e-01 : f32
        %mul3A_983 = vector.broadcast %mul3A_982 : f32 to vector<16xf32>
        %mul3A_984 = arith.mulf %bitcast_convert_type3A_979, %mul3A_983 : vector<16xf32>
        %select_n3A_985 = arith.select %gt3A_981, %mul3A_984, %bitcast_convert_type3A_979 : vector<16xi1>, vector<16xf32>
        %convert_element_type3A_986 = arith.sitofp %sub3A_973 : vector<16xi32> to vector<16xf32>
        %jit3A_987 = arith.constant 1.000000e+00 : f32
        %jit3A_988 = arith.constant 0.000000e+00 : f32
        %broadcast_in_dim3A_989 = vector.broadcast %jit3A_987 : f32 to vector<16xf32>
        %broadcast_in_dim3A_990 = vector.broadcast %jit3A_988 : f32 to vector<16xf32>
        %select_n3A_991 = arith.select %gt3A_981, %broadcast_in_dim3A_989, %broadcast_in_dim3A_990 : vector<16xi1>, vector<16xf32>
        %add3A_992 = arith.addf %convert_element_type3A_986, %select_n3A_991 : vector<16xf32>
        %sub3A_993 = arith.constant 1.000000e+00 : f32
        %sub3A_994 = vector.broadcast %sub3A_993 : f32 to vector<16xf32>
        %sub3A_995 = arith.subf %select_n3A_985, %sub3A_994 : vector<16xf32>
        %add3A_996 = arith.constant 1.000000e+00 : f32
        %add3A_997 = vector.broadcast %add3A_996 : f32 to vector<16xf32>
        %add3A_998 = arith.addf %select_n3A_985, %add3A_997 : vector<16xf32>
        %div3A = arith.divf %sub3A_995, %add3A_998 : vector<16xf32>
        %mul3A_999 = arith.mulf %div3A, %div3A : vector<16xf32>
        %mul3A_1000 = arith.constant 0.285714298 : f32
        %mul3A_1001 = vector.broadcast %mul3A_1000 : f32 to vector<16xf32>
        %mul3A_1002 = arith.mulf %mul3A_999, %mul3A_1001 : vector<16xf32>
        %add3A_1003 = arith.constant 4.000000e-01 : f32
        %add3A_1004 = vector.broadcast %add3A_1003 : f32 to vector<16xf32>
        %add3A_1005 = arith.addf %add3A_1004, %mul3A_1002 : vector<16xf32>
        %mul3A_1006 = arith.mulf %mul3A_999, %add3A_1005 : vector<16xf32>
        %add3A_1007 = arith.constant 0.666666627 : f32
        %add3A_1008 = vector.broadcast %add3A_1007 : f32 to vector<16xf32>
        %add3A_1009 = arith.addf %add3A_1008, %mul3A_1006 : vector<16xf32>
        %mul3A_1010 = arith.mulf %mul3A_999, %add3A_1009 : vector<16xf32>
        %add3A_1011 = arith.constant 2.000000e+00 : f32
        %add3A_1012 = vector.broadcast %add3A_1011 : f32 to vector<16xf32>
        %add3A_1013 = arith.addf %add3A_1012, %mul3A_1010 : vector<16xf32>
        %mul3A_1014 = arith.constant 0.693147182 : f32
        %mul3A_1015 = vector.broadcast %mul3A_1014 : f32 to vector<16xf32>
        %mul3A_1016 = arith.mulf %add3A_992, %mul3A_1015 : vector<16xf32>
        %mul3A_1017 = arith.mulf %div3A, %add3A_1013 : vector<16xf32>
        %add3A_1018 = arith.addf %mul3A_1016, %mul3A_1017 : vector<16xf32>
        %sub3A_1019 = arith.subf %add3A_1018, %add3A_967 : vector<16xf32>
        %mul3A_1020 = arith.constant 1.000000e+00 : f32
        %mul3A_1021 = vector.broadcast %mul3A_1020 : f32 to vector<16xf32>
        %mul3A_1022 = arith.mulf %sub3A_1019, %mul3A_1021 : vector<16xf32>
        %add3A_1023 = arith.addf %get3A_177, %add3A_854 : vector<16xf32>
        %add3A_1024 = arith.addf %get3A_184, %add3A_857 : vector<16xf32>
        %add3A_1025 = arith.addf %get3A_191, %add3A_860 : vector<16xf32>
        %add3A_1026 = arith.addf %get3A_198, %add3A_863 : vector<16xf32>
        %exp3A_1027 = math.exp %add3A_883 : vector<16xf32>
        %exp3A_1028 = math.exp %add3A_1023 : vector<16xf32>
        %exp3A_1029 = math.exp %add3A_1024 : vector<16xf32>
        %exp3A_1030 = math.exp %add3A_1025 : vector<16xf32>
        %exp3A_1031 = math.exp %add3A_1026 : vector<16xf32>
        %exp3A_1032 = math.exp %add3A_884 : vector<16xf32>
        %add3A_1033 = arith.addf %exp3A_1027, %exp3A_1028 : vector<16xf32>
        %add3A_1034 = arith.addf %exp3A_1029, %exp3A_1030 : vector<16xf32>
        %add3A_1035 = arith.addf %exp3A_1031, %exp3A_1032 : vector<16xf32>
        %add3A_1036 = arith.addf %add3A_1033, %add3A_1034 : vector<16xf32>
        %add3A_1037 = arith.addf %add3A_1036, %add3A_1035 : vector<16xf32>
        %add3A_1038 = arith.addf %add3A_839, %add3A_1037 : vector<16xf32>
        %add3A_1039 = arith.constant 1 : i32
        %add3A_1040 = vector.broadcast %add3A_1039 : i32 to vector<16xi32>
        %add3A_1041 = arith.addi %and3A_895, %add3A_1040 : vector<16xi32>
        %jit3A_1042 = arith.constant 5 : i32
        %broadcast_in_dim3A_1043 = vector.broadcast %jit3A_1042 : i32 to vector<16xi32>
        %select_n3A_1044 = arith.select %eq3A_903, %broadcast_in_dim3A_1043, %add3A_1041 : vector<16xi1>, vector<16xi32>
        %jit3A_1045 = arith.constant 0 : i32
        %broadcast_in_dim3A_1046 = vector.broadcast %jit3A_1045 : i32 to vector<16xi32>
        %select_n3A_1047 = arith.select %eq3A_900, %broadcast_in_dim3A_1046, %select_n3A_1044 : vector<16xi1>, vector<16xi32>
        %eq3A_1048 = arith.constant 0 : i32
        %eq3A_1049 = vector.broadcast %eq3A_1048 : i32 to vector<16xi32>
        %eq3A_1050 = arith.cmpi eq, %select_n3A_1047, %eq3A_1049 : vector<16xi32>
        %jit3A_1051 = arith.constant 0.000000e+00 : f32
        %broadcast_in_dim3A_1052 = vector.broadcast %jit3A_1051 : f32 to vector<16xf32>
        %select_n3A_1053 = arith.select %eq3A_1050, %add3A_883, %broadcast_in_dim3A_1052 : vector<16xi1>, vector<16xf32>
        %eq3A_1054 = arith.constant 1 : i32
        %eq3A_1055 = vector.broadcast %eq3A_1054 : i32 to vector<16xi32>
        %eq3A_1056 = arith.cmpi eq, %select_n3A_1047, %eq3A_1055 : vector<16xi32>
        %jit3A_1057 = arith.constant 0.000000e+00 : f32
        %broadcast_in_dim3A_1058 = vector.broadcast %jit3A_1057 : f32 to vector<16xf32>
        %select_n3A_1059 = arith.select %eq3A_1056, %add3A_1023, %broadcast_in_dim3A_1058 : vector<16xi1>, vector<16xf32>
        %eq3A_1060 = arith.constant 2 : i32
        %eq3A_1061 = vector.broadcast %eq3A_1060 : i32 to vector<16xi32>
        %eq3A_1062 = arith.cmpi eq, %select_n3A_1047, %eq3A_1061 : vector<16xi32>
        %jit3A_1063 = arith.constant 0.000000e+00 : f32
        %broadcast_in_dim3A_1064 = vector.broadcast %jit3A_1063 : f32 to vector<16xf32>
        %select_n3A_1065 = arith.select %eq3A_1062, %add3A_1024, %broadcast_in_dim3A_1064 : vector<16xi1>, vector<16xf32>
        %eq3A_1066 = arith.constant 3 : i32
        %eq3A_1067 = vector.broadcast %eq3A_1066 : i32 to vector<16xi32>
        %eq3A_1068 = arith.cmpi eq, %select_n3A_1047, %eq3A_1067 : vector<16xi32>
        %jit3A_1069 = arith.constant 0.000000e+00 : f32
        %broadcast_in_dim3A_1070 = vector.broadcast %jit3A_1069 : f32 to vector<16xf32>
        %select_n3A_1071 = arith.select %eq3A_1068, %add3A_1025, %broadcast_in_dim3A_1070 : vector<16xi1>, vector<16xf32>
        %eq3A_1072 = arith.constant 4 : i32
        %eq3A_1073 = vector.broadcast %eq3A_1072 : i32 to vector<16xi32>
        %eq3A_1074 = arith.cmpi eq, %select_n3A_1047, %eq3A_1073 : vector<16xi32>
        %jit3A_1075 = arith.constant 0.000000e+00 : f32
        %broadcast_in_dim3A_1076 = vector.broadcast %jit3A_1075 : f32 to vector<16xf32>
        %select_n3A_1077 = arith.select %eq3A_1074, %add3A_1026, %broadcast_in_dim3A_1076 : vector<16xi1>, vector<16xf32>
        %eq3A_1078 = arith.constant 5 : i32
        %eq3A_1079 = vector.broadcast %eq3A_1078 : i32 to vector<16xi32>
        %eq3A_1080 = arith.cmpi eq, %select_n3A_1047, %eq3A_1079 : vector<16xi32>
        %jit3A_1081 = arith.constant 0.000000e+00 : f32
        %broadcast_in_dim3A_1082 = vector.broadcast %jit3A_1081 : f32 to vector<16xf32>
        %select_n3A_1083 = arith.select %eq3A_1080, %add3A_884, %broadcast_in_dim3A_1082 : vector<16xi1>, vector<16xf32>
        %add3A_1084 = arith.addf %select_n3A_1053, %select_n3A_1059 : vector<16xf32>
        %add3A_1085 = arith.addf %select_n3A_1065, %select_n3A_1071 : vector<16xf32>
        %add3A_1086 = arith.addf %select_n3A_1077, %select_n3A_1083 : vector<16xf32>
        %add3A_1087 = arith.addf %add3A_1084, %add3A_1085 : vector<16xf32>
        %add3A_1088 = arith.addf %add3A_1087, %add3A_1086 : vector<16xf32>
        %bitcast_convert_type3A_1089 = tpu.bitcast %add3A_1038 : vector<16xf32> -> vector<16xi32>
        %shift_right_arithmetic3A_1090 = arith.constant 23 : i32
        %shift_right_arithmetic3A_1091 = vector.broadcast %shift_right_arithmetic3A_1090 : i32 to vector<16xi32>
        %shift_right_arithmetic3A_1092 = arith.shrsi %bitcast_convert_type3A_1089, %shift_right_arithmetic3A_1091 : vector<16xi32>
        %sub3A_1093 = arith.constant 127 : i32
        %sub3A_1094 = vector.broadcast %sub3A_1093 : i32 to vector<16xi32>
        %sub3A_1095 = arith.subi %shift_right_arithmetic3A_1092, %sub3A_1094 : vector<16xi32>
        %and3A_1096 = arith.constant 8388607 : i32
        %and3A_1097 = vector.broadcast %and3A_1096 : i32 to vector<16xi32>
        %and3A_1098 = arith.andi %bitcast_convert_type3A_1089, %and3A_1097 : vector<16xi32>
        %or3A_1099 = arith.constant 1065353216 : i32
        %or3A_1100 = vector.broadcast %or3A_1099 : i32 to vector<16xi32>
        %or3A_1101 = arith.ori %and3A_1098, %or3A_1100 : vector<16xi32>
        %bitcast_convert_type3A_1102 = tpu.bitcast %or3A_1101 : vector<16xi32> -> vector<16xf32>
        %gt3A_1103 = arith.constant 1.41421354 : f32
        %gt3A_1104 = vector.broadcast %gt3A_1103 : f32 to vector<16xf32>
        %gt3A_1105 = arith.cmpf ogt, %bitcast_convert_type3A_1102, %gt3A_1104 : vector<16xf32>
        %mul3A_1106 = arith.constant 5.000000e-01 : f32
        %mul3A_1107 = vector.broadcast %mul3A_1106 : f32 to vector<16xf32>
        %mul3A_1108 = arith.mulf %bitcast_convert_type3A_1102, %mul3A_1107 : vector<16xf32>
        %select_n3A_1109 = arith.select %gt3A_1105, %mul3A_1108, %bitcast_convert_type3A_1102 : vector<16xi1>, vector<16xf32>
        %convert_element_type3A_1110 = arith.sitofp %sub3A_1095 : vector<16xi32> to vector<16xf32>
        %jit3A_1111 = arith.constant 1.000000e+00 : f32
        %jit3A_1112 = arith.constant 0.000000e+00 : f32
        %broadcast_in_dim3A_1113 = vector.broadcast %jit3A_1111 : f32 to vector<16xf32>
        %broadcast_in_dim3A_1114 = vector.broadcast %jit3A_1112 : f32 to vector<16xf32>
        %select_n3A_1115 = arith.select %gt3A_1105, %broadcast_in_dim3A_1113, %broadcast_in_dim3A_1114 : vector<16xi1>, vector<16xf32>
        %add3A_1116 = arith.addf %convert_element_type3A_1110, %select_n3A_1115 : vector<16xf32>
        %sub3A_1117 = arith.constant 1.000000e+00 : f32
        %sub3A_1118 = vector.broadcast %sub3A_1117 : f32 to vector<16xf32>
        %sub3A_1119 = arith.subf %select_n3A_1109, %sub3A_1118 : vector<16xf32>
        %add3A_1120 = arith.constant 1.000000e+00 : f32
        %add3A_1121 = vector.broadcast %add3A_1120 : f32 to vector<16xf32>
        %add3A_1122 = arith.addf %select_n3A_1109, %add3A_1121 : vector<16xf32>
        %div3A_1123 = arith.divf %sub3A_1119, %add3A_1122 : vector<16xf32>
        %mul3A_1124 = arith.mulf %div3A_1123, %div3A_1123 : vector<16xf32>
        %mul3A_1125 = arith.constant 0.285714298 : f32
        %mul3A_1126 = vector.broadcast %mul3A_1125 : f32 to vector<16xf32>
        %mul3A_1127 = arith.mulf %mul3A_1124, %mul3A_1126 : vector<16xf32>
        %add3A_1128 = arith.constant 4.000000e-01 : f32
        %add3A_1129 = vector.broadcast %add3A_1128 : f32 to vector<16xf32>
        %add3A_1130 = arith.addf %add3A_1129, %mul3A_1127 : vector<16xf32>
        %mul3A_1131 = arith.mulf %mul3A_1124, %add3A_1130 : vector<16xf32>
        %add3A_1132 = arith.constant 0.666666627 : f32
        %add3A_1133 = vector.broadcast %add3A_1132 : f32 to vector<16xf32>
        %add3A_1134 = arith.addf %add3A_1133, %mul3A_1131 : vector<16xf32>
        %mul3A_1135 = arith.mulf %mul3A_1124, %add3A_1134 : vector<16xf32>
        %add3A_1136 = arith.constant 2.000000e+00 : f32
        %add3A_1137 = vector.broadcast %add3A_1136 : f32 to vector<16xf32>
        %add3A_1138 = arith.addf %add3A_1137, %mul3A_1135 : vector<16xf32>
        %mul3A_1139 = arith.constant 0.693147182 : f32
        %mul3A_1140 = vector.broadcast %mul3A_1139 : f32 to vector<16xf32>
        %mul3A_1141 = arith.mulf %add3A_1116, %mul3A_1140 : vector<16xf32>
        %mul3A_1142 = arith.mulf %div3A_1123, %add3A_1138 : vector<16xf32>
        %add3A_1143 = arith.addf %mul3A_1141, %mul3A_1142 : vector<16xf32>
        %sub3A_1144 = arith.subf %add3A_1143, %add3A_1088 : vector<16xf32>
        %mul3A_1145 = arith.constant 1.000000e+00 : f32
        %mul3A_1146 = vector.broadcast %mul3A_1145 : f32 to vector<16xf32>
        %mul3A_1147 = arith.mulf %sub3A_1144, %mul3A_1146 : vector<16xf32>
        %add3A_1148 = arith.addf %mul3A_1022, %mul3A_1147 : vector<16xf32>
        %add3A_1149 = arith.addf %get3A_177, %add3A_866 : vector<16xf32>
        %add3A_1150 = arith.addf %get3A_184, %add3A_869 : vector<16xf32>
        %add3A_1151 = arith.addf %get3A_191, %add3A_872 : vector<16xf32>
        %add3A_1152 = arith.addf %get3A_198, %add3A_875 : vector<16xf32>
        %exp3A_1153 = math.exp %add3A_883 : vector<16xf32>
        %exp3A_1154 = math.exp %add3A_1149 : vector<16xf32>
        %exp3A_1155 = math.exp %add3A_1150 : vector<16xf32>
        %exp3A_1156 = math.exp %add3A_1151 : vector<16xf32>
        %exp3A_1157 = math.exp %add3A_1152 : vector<16xf32>
        %exp3A_1158 = math.exp %add3A_884 : vector<16xf32>
        %add3A_1159 = arith.addf %exp3A_1153, %exp3A_1154 : vector<16xf32>
        %add3A_1160 = arith.addf %exp3A_1155, %exp3A_1156 : vector<16xf32>
        %add3A_1161 = arith.addf %exp3A_1157, %exp3A_1158 : vector<16xf32>
        %add3A_1162 = arith.addf %add3A_1159, %add3A_1160 : vector<16xf32>
        %add3A_1163 = arith.addf %add3A_1162, %add3A_1161 : vector<16xf32>
        %add3A_1164 = arith.addf %add3A_839, %add3A_1163 : vector<16xf32>
        %add3A_1165 = arith.constant 1 : i32
        %add3A_1166 = vector.broadcast %add3A_1165 : i32 to vector<16xi32>
        %add3A_1167 = arith.addi %and3A_898, %add3A_1166 : vector<16xi32>
        %jit3A_1168 = arith.constant 5 : i32
        %broadcast_in_dim3A_1169 = vector.broadcast %jit3A_1168 : i32 to vector<16xi32>
        %select_n3A_1170 = arith.select %eq3A_903, %broadcast_in_dim3A_1169, %add3A_1167 : vector<16xi1>, vector<16xi32>
        %jit3A_1171 = arith.constant 0 : i32
        %broadcast_in_dim3A_1172 = vector.broadcast %jit3A_1171 : i32 to vector<16xi32>
        %select_n3A_1173 = arith.select %eq3A_900, %broadcast_in_dim3A_1172, %select_n3A_1170 : vector<16xi1>, vector<16xi32>
        %eq3A_1174 = arith.constant 0 : i32
        %eq3A_1175 = vector.broadcast %eq3A_1174 : i32 to vector<16xi32>
        %eq3A_1176 = arith.cmpi eq, %select_n3A_1173, %eq3A_1175 : vector<16xi32>
        %jit3A_1177 = arith.constant 0.000000e+00 : f32
        %broadcast_in_dim3A_1178 = vector.broadcast %jit3A_1177 : f32 to vector<16xf32>
        %select_n3A_1179 = arith.select %eq3A_1176, %add3A_883, %broadcast_in_dim3A_1178 : vector<16xi1>, vector<16xf32>
        %eq3A_1180 = arith.constant 1 : i32
        %eq3A_1181 = vector.broadcast %eq3A_1180 : i32 to vector<16xi32>
        %eq3A_1182 = arith.cmpi eq, %select_n3A_1173, %eq3A_1181 : vector<16xi32>
        %jit3A_1183 = arith.constant 0.000000e+00 : f32
        %broadcast_in_dim3A_1184 = vector.broadcast %jit3A_1183 : f32 to vector<16xf32>
        %select_n3A_1185 = arith.select %eq3A_1182, %add3A_1149, %broadcast_in_dim3A_1184 : vector<16xi1>, vector<16xf32>
        %eq3A_1186 = arith.constant 2 : i32
        %eq3A_1187 = vector.broadcast %eq3A_1186 : i32 to vector<16xi32>
        %eq3A_1188 = arith.cmpi eq, %select_n3A_1173, %eq3A_1187 : vector<16xi32>
        %jit3A_1189 = arith.constant 0.000000e+00 : f32
        %broadcast_in_dim3A_1190 = vector.broadcast %jit3A_1189 : f32 to vector<16xf32>
        %select_n3A_1191 = arith.select %eq3A_1188, %add3A_1150, %broadcast_in_dim3A_1190 : vector<16xi1>, vector<16xf32>
        %eq3A_1192 = arith.constant 3 : i32
        %eq3A_1193 = vector.broadcast %eq3A_1192 : i32 to vector<16xi32>
        %eq3A_1194 = arith.cmpi eq, %select_n3A_1173, %eq3A_1193 : vector<16xi32>
        %jit3A_1195 = arith.constant 0.000000e+00 : f32
        %broadcast_in_dim3A_1196 = vector.broadcast %jit3A_1195 : f32 to vector<16xf32>
        %select_n3A_1197 = arith.select %eq3A_1194, %add3A_1151, %broadcast_in_dim3A_1196 : vector<16xi1>, vector<16xf32>
        %eq3A_1198 = arith.constant 4 : i32
        %eq3A_1199 = vector.broadcast %eq3A_1198 : i32 to vector<16xi32>
        %eq3A_1200 = arith.cmpi eq, %select_n3A_1173, %eq3A_1199 : vector<16xi32>
        %jit3A_1201 = arith.constant 0.000000e+00 : f32
        %broadcast_in_dim3A_1202 = vector.broadcast %jit3A_1201 : f32 to vector<16xf32>
        %select_n3A_1203 = arith.select %eq3A_1200, %add3A_1152, %broadcast_in_dim3A_1202 : vector<16xi1>, vector<16xf32>
        %eq3A_1204 = arith.constant 5 : i32
        %eq3A_1205 = vector.broadcast %eq3A_1204 : i32 to vector<16xi32>
        %eq3A_1206 = arith.cmpi eq, %select_n3A_1173, %eq3A_1205 : vector<16xi32>
        %jit3A_1207 = arith.constant 0.000000e+00 : f32
        %broadcast_in_dim3A_1208 = vector.broadcast %jit3A_1207 : f32 to vector<16xf32>
        %select_n3A_1209 = arith.select %eq3A_1206, %add3A_884, %broadcast_in_dim3A_1208 : vector<16xi1>, vector<16xf32>
        %add3A_1210 = arith.addf %select_n3A_1179, %select_n3A_1185 : vector<16xf32>
        %add3A_1211 = arith.addf %select_n3A_1191, %select_n3A_1197 : vector<16xf32>
        %add3A_1212 = arith.addf %select_n3A_1203, %select_n3A_1209 : vector<16xf32>
        %add3A_1213 = arith.addf %add3A_1210, %add3A_1211 : vector<16xf32>
        %add3A_1214 = arith.addf %add3A_1213, %add3A_1212 : vector<16xf32>
        %bitcast_convert_type3A_1215 = tpu.bitcast %add3A_1164 : vector<16xf32> -> vector<16xi32>
        %shift_right_arithmetic3A_1216 = arith.constant 23 : i32
        %shift_right_arithmetic3A_1217 = vector.broadcast %shift_right_arithmetic3A_1216 : i32 to vector<16xi32>
        %shift_right_arithmetic3A_1218 = arith.shrsi %bitcast_convert_type3A_1215, %shift_right_arithmetic3A_1217 : vector<16xi32>
        %sub3A_1219 = arith.constant 127 : i32
        %sub3A_1220 = vector.broadcast %sub3A_1219 : i32 to vector<16xi32>
        %sub3A_1221 = arith.subi %shift_right_arithmetic3A_1218, %sub3A_1220 : vector<16xi32>
        %and3A_1222 = arith.constant 8388607 : i32
        %and3A_1223 = vector.broadcast %and3A_1222 : i32 to vector<16xi32>
        %and3A_1224 = arith.andi %bitcast_convert_type3A_1215, %and3A_1223 : vector<16xi32>
        %or3A_1225 = arith.constant 1065353216 : i32
        %or3A_1226 = vector.broadcast %or3A_1225 : i32 to vector<16xi32>
        %or3A_1227 = arith.ori %and3A_1224, %or3A_1226 : vector<16xi32>
        %bitcast_convert_type3A_1228 = tpu.bitcast %or3A_1227 : vector<16xi32> -> vector<16xf32>
        %gt3A_1229 = arith.constant 1.41421354 : f32
        %gt3A_1230 = vector.broadcast %gt3A_1229 : f32 to vector<16xf32>
        %gt3A_1231 = arith.cmpf ogt, %bitcast_convert_type3A_1228, %gt3A_1230 : vector<16xf32>
        %mul3A_1232 = arith.constant 5.000000e-01 : f32
        %mul3A_1233 = vector.broadcast %mul3A_1232 : f32 to vector<16xf32>
        %mul3A_1234 = arith.mulf %bitcast_convert_type3A_1228, %mul3A_1233 : vector<16xf32>
        %select_n3A_1235 = arith.select %gt3A_1231, %mul3A_1234, %bitcast_convert_type3A_1228 : vector<16xi1>, vector<16xf32>
        %convert_element_type3A_1236 = arith.sitofp %sub3A_1221 : vector<16xi32> to vector<16xf32>
        %jit3A_1237 = arith.constant 1.000000e+00 : f32
        %jit3A_1238 = arith.constant 0.000000e+00 : f32
        %broadcast_in_dim3A_1239 = vector.broadcast %jit3A_1237 : f32 to vector<16xf32>
        %broadcast_in_dim3A_1240 = vector.broadcast %jit3A_1238 : f32 to vector<16xf32>
        %select_n3A_1241 = arith.select %gt3A_1231, %broadcast_in_dim3A_1239, %broadcast_in_dim3A_1240 : vector<16xi1>, vector<16xf32>
        %add3A_1242 = arith.addf %convert_element_type3A_1236, %select_n3A_1241 : vector<16xf32>
        %sub3A_1243 = arith.constant 1.000000e+00 : f32
        %sub3A_1244 = vector.broadcast %sub3A_1243 : f32 to vector<16xf32>
        %sub3A_1245 = arith.subf %select_n3A_1235, %sub3A_1244 : vector<16xf32>
        %add3A_1246 = arith.constant 1.000000e+00 : f32
        %add3A_1247 = vector.broadcast %add3A_1246 : f32 to vector<16xf32>
        %add3A_1248 = arith.addf %select_n3A_1235, %add3A_1247 : vector<16xf32>
        %div3A_1249 = arith.divf %sub3A_1245, %add3A_1248 : vector<16xf32>
        %mul3A_1250 = arith.mulf %div3A_1249, %div3A_1249 : vector<16xf32>
        %mul3A_1251 = arith.constant 0.285714298 : f32
        %mul3A_1252 = vector.broadcast %mul3A_1251 : f32 to vector<16xf32>
        %mul3A_1253 = arith.mulf %mul3A_1250, %mul3A_1252 : vector<16xf32>
        %add3A_1254 = arith.constant 4.000000e-01 : f32
        %add3A_1255 = vector.broadcast %add3A_1254 : f32 to vector<16xf32>
        %add3A_1256 = arith.addf %add3A_1255, %mul3A_1253 : vector<16xf32>
        %mul3A_1257 = arith.mulf %mul3A_1250, %add3A_1256 : vector<16xf32>
        %add3A_1258 = arith.constant 0.666666627 : f32
        %add3A_1259 = vector.broadcast %add3A_1258 : f32 to vector<16xf32>
        %add3A_1260 = arith.addf %add3A_1259, %mul3A_1257 : vector<16xf32>
        %mul3A_1261 = arith.mulf %mul3A_1250, %add3A_1260 : vector<16xf32>
        %add3A_1262 = arith.constant 2.000000e+00 : f32
        %add3A_1263 = vector.broadcast %add3A_1262 : f32 to vector<16xf32>
        %add3A_1264 = arith.addf %add3A_1263, %mul3A_1261 : vector<16xf32>
        %mul3A_1265 = arith.constant 0.693147182 : f32
        %mul3A_1266 = vector.broadcast %mul3A_1265 : f32 to vector<16xf32>
        %mul3A_1267 = arith.mulf %add3A_1242, %mul3A_1266 : vector<16xf32>
        %mul3A_1268 = arith.mulf %div3A_1249, %add3A_1264 : vector<16xf32>
        %add3A_1269 = arith.addf %mul3A_1267, %mul3A_1268 : vector<16xf32>
        %sub3A_1270 = arith.subf %add3A_1269, %add3A_1214 : vector<16xf32>
        %mul3A_1271 = arith.constant 1.000000e+00 : f32
        %mul3A_1272 = vector.broadcast %mul3A_1271 : f32 to vector<16xf32>
        %mul3A_1273 = arith.mulf %sub3A_1270, %mul3A_1272 : vector<16xf32>
        %add3A_1274 = arith.addf %add3A_1148, %mul3A_1273 : vector<16xf32>
        %add3A_1275 = arith.addf %get3A_170, %add3A_1274 : vector<16xf32>
        %swap3A_1276 = arith.constant 0 : index
        %swap3A_1277 = tpu.vector_load %arg7[%swap3A_1276] {strides = array<i32>} : memref<16xf32, #tpu.memory_space<vmem>>, vector<16xf32>,
        %swap3A_1278 = vector.shape_cast %swap3A_1277 : vector<16xf32> to vector<16xf32>
        %swap3A_1279 = vector.shape_cast %add3A_1275 : vector<16xf32> to vector<16xf32>
        tpu.vector_store %arg7[%swap3A_1276], %swap3A_1279 {strides = array<i32>} : memref<16xf32, #tpu.memory_space<vmem>>, vector<16xf32>,
      }
      %scan3A_160 = arith.constant 32 : i32
    }
    %scan3A_43 = arith.constant 8 : i32
    "tpu.region"() ({
      %run_scoped3A = tpu.sem_alloc : memref<!tpu.dma_semaphore, #tpu.memory_space<semaphore_mem>>
      %dma_start3A_44 = arith.constant 0 : i32
      %dma_start3A_45 = tpu.memref_slice %arg4[%add3A, %dma_start3A_44] : memref<32x16xf32, #tpu.memory_space<hbm>> -> memref<1x16xf32, #tpu.memory_space<hbm>>
      %dma_start3A_46 = tpu.memref_squeeze %dma_start3A_45 : memref<1x16xf32, #tpu.memory_space<hbm>> -> memref<16xf32, #tpu.memory_space<hbm>>
      %dma_start3A_47 = arith.constant 0 : i32
      %dma_start3A_48 = tpu.memref_slice %arg4[%add3A, %dma_start3A_47] : memref<32x16xf32, #tpu.memory_space<hbm>> -> memref<1x16xf32, #tpu.memory_space<hbm>>
      %dma_start3A_49 = tpu.memref_squeeze %dma_start3A_48 : memref<1x16xf32, #tpu.memory_space<hbm>> -> memref<16xf32, #tpu.memory_space<hbm>>
      tpu.enqueue_dma source(%arg7 : memref<16xf32, #tpu.memory_space<vmem>>) target(%dma_start3A_49 : memref<16xf32, #tpu.memory_space<hbm>>) target_semaphore(%run_scoped3A : memref<!tpu.dma_semaphore, #tpu.memory_space<semaphore_mem>>)
      %dma_wait3A = arith.constant 0 : i32
      %dma_wait3A_50 = tpu.memref_slice %arg4[%add3A, %dma_wait3A] : memref<32x16xf32, #tpu.memory_space<hbm>> -> memref<1x16xf32, #tpu.memory_space<hbm>>
      %dma_wait3A_51 = tpu.memref_squeeze %dma_wait3A_50 : memref<1x16xf32, #tpu.memory_space<hbm>> -> memref<16xf32, #tpu.memory_space<hbm>>
      %dma_wait3A_52 = arith.constant 0 : i32
      %dma_wait3A_53 = tpu.memref_slice %arg4[%add3A, %dma_wait3A_52] : memref<32x16xf32, #tpu.memory_space<hbm>> -> memref<1x16xf32, #tpu.memory_space<hbm>>
      %dma_wait3A_54 = tpu.memref_squeeze %dma_wait3A_53 : memref<1x16xf32, #tpu.memory_space<hbm>> -> memref<16xf32, #tpu.memory_space<hbm>>
      tpu.wait_dma2 semaphore(%run_scoped3A : memref<!tpu.dma_semaphore, #tpu.memory_space<semaphore_mem>>) src(%arg7 : memref<16xf32, #tpu.memory_space<vmem>>) dst(%dma_wait3A_54 : memref<16xf32, #tpu.memory_space<hbm>>)
      tpu.yield
    }) : () -> ()
    return
  }
}

module attributes {stable_mosaic.version = 14 : i64} {
  func.func @_tc_body(%arg0: i32, %arg1: memref<1x66x2048xf32, #tpu.memory_space<vmem>>, %arg2: memref<1x1x2048xi32, #tpu.memory_space<vmem>>, %arg3: memref<24x66xf32, #tpu.memory_space<vmem>>, %arg4: memref<1x1xf32, #tpu.memory_space<smem>>) attributes {dimension_semantics = [#tpu.dimension_semantics<arbitrary>], iteration_bounds = array<i64: 128>, scalar_prefetch = 0 : i64, scratch_operands = 0 : i64, tpu.core_type = #tpu.core_type<tc>, window_params = [{transform_indices = @transform_0, window_bounds = array<i64: 1, 66, 2048>}, {transform_indices = @transform_1, window_bounds = array<i64: 1, 1, 2048>}, {pipeline_mode = #tpu.pipeline_mode<synchronous>, transform_indices = @transform_2, window_bounds = array<i64: 24, 66>}, {transform_indices = @transform_3, window_bounds = array<i64: 1, 1>}]} {
    %get3A = arith.constant 0 : index
    %get3A_0 = arith.constant 0 : index
    %get3A_1 = arith.constant 0 : index
    %get3A_2 = vector.load %arg1[%get3A, %get3A_0, %get3A_1] : memref<1x66x2048xf32, #tpu.memory_space<vmem>>, vector<1x66x2048xf32>
    %get3A_3 = vector.shape_cast %get3A_2 : vector<1x66x2048xf32> to vector<66x2048xf32>
    %get3A_4 = arith.constant 0 : index
    %get3A_5 = arith.constant 0 : index
    %get3A_6 = arith.constant 0 : index
    %get3A_7 = vector.load %arg2[%get3A_4, %get3A_5, %get3A_6] : memref<1x1x2048xi32, #tpu.memory_space<vmem>>, vector<1x1x2048xi32>
    %get3A_8 = vector.shape_cast %get3A_7 : vector<1x1x2048xi32> to vector<1x2048xi32>
    %get3A_9 = arith.constant 0 : index
    %get3A_10 = arith.constant 0 : index
    %get3A_11 = vector.load %arg3[%get3A_9, %get3A_10] : memref<24x66xf32, #tpu.memory_space<vmem>>, vector<24x66xf32>
    %dot_general3A = arith.constant dense<0.000000e+00> : vector<24x2048xf32>
    %dot_general3A_12 = tpu.matmul %get3A_11, %get3A_3, %dot_general3A {dimension_numbers = #tpu.dot_dimension_numbers<[1], [0], [0], [1], [0, 0, 1, 1], [], []>, transpose_lhs_hint = false} : vector<24x66xf32>, vector<66x2048xf32>, vector<24x2048xf32> -> vector<24x2048xf32>
    %slice3A = vector.extract_strided_slice %get3A_3 {offsets = [6, 0], sizes = [60, 2048], strides = [1, 1]} : vector<66x2048xf32> to vector<60x2048xf32>
    %exp3A = math.exp %slice3A : vector<60x2048xf32>
    %reduce_sum3A = arith.constant dense<0.000000e+00> : vector<2048xf32>
    %reduce_sum3A_13 = vector.multi_reduction <add>, %exp3A, %reduce_sum3A [0] : vector<60x2048xf32> to vector<2048xf32>
    %broadcast_in_dim3A = vector.shape_cast %reduce_sum3A_13 : vector<2048xf32> to vector<1x2048xf32>
    %sub3A = arith.constant 1 : i32
    %sub3A_14 = vector.broadcast %sub3A : i32 to vector<1x2048xi32>
    %sub3A_15 = arith.subi %get3A_8, %sub3A_14 : vector<1x2048xi32>
    %broadcast_in_dim3A_16 = arith.constant 0.000000e+00 : f32
    %broadcast_in_dim3A_17 = vector.broadcast %broadcast_in_dim3A_16 : f32 to vector<1x2048xf32>
    %slice3A_18 = vector.extract_strided_slice %dot_general3A_12 {offsets = [0, 0], sizes = [6, 2048], strides = [1, 1]} : vector<24x2048xf32> to vector<6x2048xf32>
    %exp3A_19 = math.exp %slice3A_18 : vector<6x2048xf32>
    %reduce_sum3A_20 = arith.constant dense<0.000000e+00> : vector<2048xf32>
    %reduce_sum3A_21 = vector.multi_reduction <add>, %exp3A_19, %reduce_sum3A_20 [0] : vector<6x2048xf32> to vector<2048xf32>
    %broadcast_in_dim3A_22 = vector.shape_cast %reduce_sum3A_21 : vector<2048xf32> to vector<1x2048xf32>
    %add3A = arith.addf %broadcast_in_dim3A, %broadcast_in_dim3A_22 : vector<1x2048xf32>
    %jit3A = arith.constant 16 : i32
    %div3A = vector.broadcast %jit3A : i32 to vector<1x2048xi32>
    %div3A_23 = arith.divsi %sub3A_15, %div3A : vector<1x2048xi32>
    %sign3A = arith.constant 0 : i32
    %sign3A_24 = vector.broadcast %sign3A : i32 to vector<1x2048xi32>
    %sign3A_25 = arith.cmpi sgt, %sub3A_15, %sign3A_24 : vector<1x2048xi32>
    %sign3A_26 = arith.extui %sign3A_25 : vector<1x2048xi1> to vector<1x2048xi32>
    %sign3A_27 = arith.constant 0 : i32
    %sign3A_28 = vector.broadcast %sign3A_27 : i32 to vector<1x2048xi32>
    %sign3A_29 = arith.cmpi slt, %sub3A_15, %sign3A_28 : vector<1x2048xi32>
    %sign3A_30 = arith.extui %sign3A_29 : vector<1x2048xi1> to vector<1x2048xi32>
    %sign3A_31 = arith.subi %sign3A_26, %sign3A_30 : vector<1x2048xi32>
    %sign3A_32 = arith.constant 0 : i32
    %sign3A_33 = arith.cmpi sgt, %jit3A, %sign3A_32 : i32
    %sign3A_34 = arith.extui %sign3A_33 : i1 to i32
    %sign3A_35 = arith.constant 0 : i32
    %sign3A_36 = arith.cmpi slt, %jit3A, %sign3A_35 : i32
    %sign3A_37 = arith.extui %sign3A_36 : i1 to i32
    %sign3A_38 = arith.subi %sign3A_34, %sign3A_37 : i32
    %ne3A = vector.broadcast %sign3A_38 : i32 to vector<1x2048xi32>
    %ne3A_39 = arith.cmpi ne, %sign3A_31, %ne3A : vector<1x2048xi32>
    %rem3A = vector.broadcast %jit3A : i32 to vector<1x2048xi32>
    %rem3A_40 = arith.remsi %sub3A_15, %rem3A : vector<1x2048xi32>
    %ne3A_41 = arith.constant 0 : i32
    %ne3A_42 = vector.broadcast %ne3A_41 : i32 to vector<1x2048xi32>
    %ne3A_43 = arith.cmpi ne, %rem3A_40, %ne3A_42 : vector<1x2048xi32>
    %and3A = arith.andi %ne3A_39, %ne3A_43 : vector<1x2048xi1>
    %sub3A_44 = arith.constant 1 : i32
    %sub3A_45 = vector.broadcast %sub3A_44 : i32 to vector<1x2048xi32>
    %sub3A_46 = arith.subi %div3A_23, %sub3A_45 : vector<1x2048xi32>
    %select_n3A = arith.select %and3A, %sub3A_46, %div3A_23 : vector<1x2048xi1>, vector<1x2048xi32>
    %eq3A = arith.constant 0 : i32
    %eq3A_47 = vector.broadcast %eq3A : i32 to vector<1x2048xi32>
    %eq3A_48 = arith.cmpi eq, %get3A_8, %eq3A_47 : vector<1x2048xi32>
    %eq3A_49 = arith.constant 65 : i32
    %eq3A_50 = vector.broadcast %eq3A_49 : i32 to vector<1x2048xi32>
    %eq3A_51 = arith.cmpi eq, %get3A_8, %eq3A_50 : vector<1x2048xi32>
    %add3A_52 = arith.constant 1 : i32
    %add3A_53 = vector.broadcast %add3A_52 : i32 to vector<1x2048xi32>
    %add3A_54 = arith.addi %select_n3A, %add3A_53 : vector<1x2048xi32>
    %jit3A_55 = arith.constant 5 : i32
    %broadcast_in_dim3A_56 = vector.broadcast %jit3A_55 : i32 to vector<1x2048xi32>
    %select_n3A_57 = arith.select %eq3A_51, %broadcast_in_dim3A_56, %add3A_54 : vector<1x2048xi1>, vector<1x2048xi32>
    %jit3A_58 = arith.constant 0 : i32
    %broadcast_in_dim3A_59 = vector.broadcast %jit3A_58 : i32 to vector<1x2048xi32>
    %select_n3A_60 = arith.select %eq3A_48, %broadcast_in_dim3A_59, %select_n3A_57 : vector<1x2048xi1>, vector<1x2048xi32>
    %broadcast_in_dim3A_61 = arith.constant 0.000000e+00 : f32
    %broadcast_in_dim3A_62 = vector.broadcast %broadcast_in_dim3A_61 : f32 to vector<1x2048xf32>
    %eq3A_63 = arith.constant 0 : i32
    %eq3A_64 = vector.broadcast %eq3A_63 : i32 to vector<1x2048xi32>
    %eq3A_65 = arith.cmpi eq, %select_n3A_60, %eq3A_64 : vector<1x2048xi32>
    %slice3A_66 = vector.extract_strided_slice %slice3A_18 {offsets = [0, 0], sizes = [1, 2048], strides = [1, 1]} : vector<6x2048xf32> to vector<1x2048xf32>
    %jit3A_67 = arith.constant 0.000000e+00 : f32
    %broadcast_in_dim3A_68 = vector.broadcast %jit3A_67 : f32 to vector<1x2048xf32>
    %select_n3A_69 = arith.select %eq3A_65, %slice3A_66, %broadcast_in_dim3A_68 : vector<1x2048xi1>, vector<1x2048xf32>
    %add3A_70 = arith.addf %broadcast_in_dim3A_62, %select_n3A_69 : vector<1x2048xf32>
    %eq3A_71 = arith.constant 1 : i32
    %eq3A_72 = vector.broadcast %eq3A_71 : i32 to vector<1x2048xi32>
    %eq3A_73 = arith.cmpi eq, %select_n3A_60, %eq3A_72 : vector<1x2048xi32>
    %slice3A_74 = vector.extract_strided_slice %slice3A_18 {offsets = [1, 0], sizes = [1, 2048], strides = [1, 1]} : vector<6x2048xf32> to vector<1x2048xf32>
    %jit3A_75 = arith.constant 0.000000e+00 : f32
    %broadcast_in_dim3A_76 = vector.broadcast %jit3A_75 : f32 to vector<1x2048xf32>
    %select_n3A_77 = arith.select %eq3A_73, %slice3A_74, %broadcast_in_dim3A_76 : vector<1x2048xi1>, vector<1x2048xf32>
    %add3A_78 = arith.addf %add3A_70, %select_n3A_77 : vector<1x2048xf32>
    %eq3A_79 = arith.constant 2 : i32
    %eq3A_80 = vector.broadcast %eq3A_79 : i32 to vector<1x2048xi32>
    %eq3A_81 = arith.cmpi eq, %select_n3A_60, %eq3A_80 : vector<1x2048xi32>
    %slice3A_82 = vector.extract_strided_slice %slice3A_18 {offsets = [2, 0], sizes = [1, 2048], strides = [1, 1]} : vector<6x2048xf32> to vector<1x2048xf32>
    %jit3A_83 = arith.constant 0.000000e+00 : f32
    %broadcast_in_dim3A_84 = vector.broadcast %jit3A_83 : f32 to vector<1x2048xf32>
    %select_n3A_85 = arith.select %eq3A_81, %slice3A_82, %broadcast_in_dim3A_84 : vector<1x2048xi1>, vector<1x2048xf32>
    %add3A_86 = arith.addf %add3A_78, %select_n3A_85 : vector<1x2048xf32>
    %eq3A_87 = arith.constant 3 : i32
    %eq3A_88 = vector.broadcast %eq3A_87 : i32 to vector<1x2048xi32>
    %eq3A_89 = arith.cmpi eq, %select_n3A_60, %eq3A_88 : vector<1x2048xi32>
    %slice3A_90 = vector.extract_strided_slice %slice3A_18 {offsets = [3, 0], sizes = [1, 2048], strides = [1, 1]} : vector<6x2048xf32> to vector<1x2048xf32>
    %jit3A_91 = arith.constant 0.000000e+00 : f32
    %broadcast_in_dim3A_92 = vector.broadcast %jit3A_91 : f32 to vector<1x2048xf32>
    %select_n3A_93 = arith.select %eq3A_89, %slice3A_90, %broadcast_in_dim3A_92 : vector<1x2048xi1>, vector<1x2048xf32>
    %add3A_94 = arith.addf %add3A_86, %select_n3A_93 : vector<1x2048xf32>
    %eq3A_95 = arith.constant 4 : i32
    %eq3A_96 = vector.broadcast %eq3A_95 : i32 to vector<1x2048xi32>
    %eq3A_97 = arith.cmpi eq, %select_n3A_60, %eq3A_96 : vector<1x2048xi32>
    %slice3A_98 = vector.extract_strided_slice %slice3A_18 {offsets = [4, 0], sizes = [1, 2048], strides = [1, 1]} : vector<6x2048xf32> to vector<1x2048xf32>
    %jit3A_99 = arith.constant 0.000000e+00 : f32
    %broadcast_in_dim3A_100 = vector.broadcast %jit3A_99 : f32 to vector<1x2048xf32>
    %select_n3A_101 = arith.select %eq3A_97, %slice3A_98, %broadcast_in_dim3A_100 : vector<1x2048xi1>, vector<1x2048xf32>
    %add3A_102 = arith.addf %add3A_94, %select_n3A_101 : vector<1x2048xf32>
    %eq3A_103 = arith.constant 5 : i32
    %eq3A_104 = vector.broadcast %eq3A_103 : i32 to vector<1x2048xi32>
    %eq3A_105 = arith.cmpi eq, %select_n3A_60, %eq3A_104 : vector<1x2048xi32>
    %slice3A_106 = vector.extract_strided_slice %slice3A_18 {offsets = [5, 0], sizes = [1, 2048], strides = [1, 1]} : vector<6x2048xf32> to vector<1x2048xf32>
    %jit3A_107 = arith.constant 0.000000e+00 : f32
    %broadcast_in_dim3A_108 = vector.broadcast %jit3A_107 : f32 to vector<1x2048xf32>
    %select_n3A_109 = arith.select %eq3A_105, %slice3A_106, %broadcast_in_dim3A_108 : vector<1x2048xi1>, vector<1x2048xf32>
    %add3A_110 = arith.addf %add3A_102, %select_n3A_109 : vector<1x2048xf32>
    %log3A = math.log %add3A : vector<1x2048xf32>
    %sub3A_111 = arith.subf %log3A, %add3A_110 : vector<1x2048xf32>
    %mul3A = arith.constant 1.000000e+00 : f32
    %mul3A_112 = vector.broadcast %mul3A : f32 to vector<1x2048xf32>
    %mul3A_113 = arith.mulf %sub3A_111, %mul3A_112 : vector<1x2048xf32>
    %add3A_114 = arith.addf %broadcast_in_dim3A_17, %mul3A_113 : vector<1x2048xf32>
    %slice3A_115 = vector.extract_strided_slice %dot_general3A_12 {offsets = [8, 0], sizes = [6, 2048], strides = [1, 1]} : vector<24x2048xf32> to vector<6x2048xf32>
    %exp3A_116 = math.exp %slice3A_115 : vector<6x2048xf32>
    %reduce_sum3A_117 = arith.constant dense<0.000000e+00> : vector<2048xf32>
    %reduce_sum3A_118 = vector.multi_reduction <add>, %exp3A_116, %reduce_sum3A_117 [0] : vector<6x2048xf32> to vector<2048xf32>
    %broadcast_in_dim3A_119 = vector.shape_cast %reduce_sum3A_118 : vector<2048xf32> to vector<1x2048xf32>
    %add3A_120 = arith.addf %broadcast_in_dim3A, %broadcast_in_dim3A_119 : vector<1x2048xf32>
    %jit3A_121 = arith.constant 4 : i32
    %div3A_122 = vector.broadcast %jit3A_121 : i32 to vector<1x2048xi32>
    %div3A_123 = arith.divsi %sub3A_15, %div3A_122 : vector<1x2048xi32>
    %sign3A_124 = arith.constant 0 : i32
    %sign3A_125 = vector.broadcast %sign3A_124 : i32 to vector<1x2048xi32>
    %sign3A_126 = arith.cmpi sgt, %sub3A_15, %sign3A_125 : vector<1x2048xi32>
    %sign3A_127 = arith.extui %sign3A_126 : vector<1x2048xi1> to vector<1x2048xi32>
    %sign3A_128 = arith.constant 0 : i32
    %sign3A_129 = vector.broadcast %sign3A_128 : i32 to vector<1x2048xi32>
    %sign3A_130 = arith.cmpi slt, %sub3A_15, %sign3A_129 : vector<1x2048xi32>
    %sign3A_131 = arith.extui %sign3A_130 : vector<1x2048xi1> to vector<1x2048xi32>
    %sign3A_132 = arith.subi %sign3A_127, %sign3A_131 : vector<1x2048xi32>
    %sign3A_133 = arith.constant 0 : i32
    %sign3A_134 = arith.cmpi sgt, %jit3A_121, %sign3A_133 : i32
    %sign3A_135 = arith.extui %sign3A_134 : i1 to i32
    %sign3A_136 = arith.constant 0 : i32
    %sign3A_137 = arith.cmpi slt, %jit3A_121, %sign3A_136 : i32
    %sign3A_138 = arith.extui %sign3A_137 : i1 to i32
    %sign3A_139 = arith.subi %sign3A_135, %sign3A_138 : i32
    %ne3A_140 = vector.broadcast %sign3A_139 : i32 to vector<1x2048xi32>
    %ne3A_141 = arith.cmpi ne, %sign3A_132, %ne3A_140 : vector<1x2048xi32>
    %rem3A_142 = vector.broadcast %jit3A_121 : i32 to vector<1x2048xi32>
    %rem3A_143 = arith.remsi %sub3A_15, %rem3A_142 : vector<1x2048xi32>
    %ne3A_144 = arith.constant 0 : i32
    %ne3A_145 = vector.broadcast %ne3A_144 : i32 to vector<1x2048xi32>
    %ne3A_146 = arith.cmpi ne, %rem3A_143, %ne3A_145 : vector<1x2048xi32>
    %and3A_147 = arith.andi %ne3A_141, %ne3A_146 : vector<1x2048xi1>
    %sub3A_148 = arith.constant 1 : i32
    %sub3A_149 = vector.broadcast %sub3A_148 : i32 to vector<1x2048xi32>
    %sub3A_150 = arith.subi %div3A_123, %sub3A_149 : vector<1x2048xi32>
    %select_n3A_151 = arith.select %and3A_147, %sub3A_150, %div3A_123 : vector<1x2048xi1>, vector<1x2048xi32>
    %jit3A_152 = arith.constant 4 : i32
    %eq3A_153 = arith.constant 0 : i32
    %eq3A_154 = arith.cmpi eq, %jit3A_152, %eq3A_153 : i32
    %jit3A_155 = arith.constant 1 : i32
    %select_n3A_156 = arith.select %eq3A_154, %jit3A_155, %jit3A_152 : i32
    %rem3A_157 = vector.broadcast %select_n3A_156 : i32 to vector<1x2048xi32>
    %rem3A_158 = arith.remsi %select_n3A_151, %rem3A_157 : vector<1x2048xi32>
    %ne3A_159 = arith.constant 0 : i32
    %ne3A_160 = vector.broadcast %ne3A_159 : i32 to vector<1x2048xi32>
    %ne3A_161 = arith.cmpi ne, %rem3A_158, %ne3A_160 : vector<1x2048xi32>
    %lt3A = arith.constant 0 : i32
    %lt3A_162 = vector.broadcast %lt3A : i32 to vector<1x2048xi32>
    %lt3A_163 = arith.cmpi slt, %rem3A_158, %lt3A_162 : vector<1x2048xi32>
    %lt3A_164 = arith.constant 0 : i32
    %lt3A_165 = arith.cmpi slt, %select_n3A_156, %lt3A_164 : i32
    %ne3A_166 = vector.broadcast %lt3A_165 : i1 to vector<1x2048xi1>
    %ne3A_167 = vector.broadcast %ne3A_166 : vector<1x2048xi1> to vector<1x2048xi1>
    %ne3A_168 = arith.xori %lt3A_163, %ne3A_167 : vector<1x2048xi1>
    %and3A_169 = arith.andi %ne3A_168, %ne3A_161 : vector<1x2048xi1>
    %add3A_170 = vector.broadcast %select_n3A_156 : i32 to vector<1x2048xi32>
    %add3A_171 = arith.addi %rem3A_158, %add3A_170 : vector<1x2048xi32>
    %select_n3A_172 = arith.select %and3A_169, %add3A_171, %rem3A_158 : vector<1x2048xi1>, vector<1x2048xi32>
    %eq3A_173 = arith.constant 0 : i32
    %eq3A_174 = vector.broadcast %eq3A_173 : i32 to vector<1x2048xi32>
    %eq3A_175 = arith.cmpi eq, %get3A_8, %eq3A_174 : vector<1x2048xi32>
    %eq3A_176 = arith.constant 65 : i32
    %eq3A_177 = vector.broadcast %eq3A_176 : i32 to vector<1x2048xi32>
    %eq3A_178 = arith.cmpi eq, %get3A_8, %eq3A_177 : vector<1x2048xi32>
    %add3A_179 = arith.constant 1 : i32
    %add3A_180 = vector.broadcast %add3A_179 : i32 to vector<1x2048xi32>
    %add3A_181 = arith.addi %select_n3A_172, %add3A_180 : vector<1x2048xi32>
    %jit3A_182 = arith.constant 5 : i32
    %broadcast_in_dim3A_183 = vector.broadcast %jit3A_182 : i32 to vector<1x2048xi32>
    %select_n3A_184 = arith.select %eq3A_178, %broadcast_in_dim3A_183, %add3A_181 : vector<1x2048xi1>, vector<1x2048xi32>
    %jit3A_185 = arith.constant 0 : i32
    %broadcast_in_dim3A_186 = vector.broadcast %jit3A_185 : i32 to vector<1x2048xi32>
    %select_n3A_187 = arith.select %eq3A_175, %broadcast_in_dim3A_186, %select_n3A_184 : vector<1x2048xi1>, vector<1x2048xi32>
    %broadcast_in_dim3A_188 = arith.constant 0.000000e+00 : f32
    %broadcast_in_dim3A_189 = vector.broadcast %broadcast_in_dim3A_188 : f32 to vector<1x2048xf32>
    %eq3A_190 = arith.constant 0 : i32
    %eq3A_191 = vector.broadcast %eq3A_190 : i32 to vector<1x2048xi32>
    %eq3A_192 = arith.cmpi eq, %select_n3A_187, %eq3A_191 : vector<1x2048xi32>
    %slice3A_193 = vector.extract_strided_slice %slice3A_115 {offsets = [0, 0], sizes = [1, 2048], strides = [1, 1]} : vector<6x2048xf32> to vector<1x2048xf32>
    %jit3A_194 = arith.constant 0.000000e+00 : f32
    %broadcast_in_dim3A_195 = vector.broadcast %jit3A_194 : f32 to vector<1x2048xf32>
    %select_n3A_196 = arith.select %eq3A_192, %slice3A_193, %broadcast_in_dim3A_195 : vector<1x2048xi1>, vector<1x2048xf32>
    %add3A_197 = arith.addf %broadcast_in_dim3A_189, %select_n3A_196 : vector<1x2048xf32>
    %eq3A_198 = arith.constant 1 : i32
    %eq3A_199 = vector.broadcast %eq3A_198 : i32 to vector<1x2048xi32>
    %eq3A_200 = arith.cmpi eq, %select_n3A_187, %eq3A_199 : vector<1x2048xi32>
    %slice3A_201 = vector.extract_strided_slice %slice3A_115 {offsets = [1, 0], sizes = [1, 2048], strides = [1, 1]} : vector<6x2048xf32> to vector<1x2048xf32>
    %jit3A_202 = arith.constant 0.000000e+00 : f32
    %broadcast_in_dim3A_203 = vector.broadcast %jit3A_202 : f32 to vector<1x2048xf32>
    %select_n3A_204 = arith.select %eq3A_200, %slice3A_201, %broadcast_in_dim3A_203 : vector<1x2048xi1>, vector<1x2048xf32>
    %add3A_205 = arith.addf %add3A_197, %select_n3A_204 : vector<1x2048xf32>
    %eq3A_206 = arith.constant 2 : i32
    %eq3A_207 = vector.broadcast %eq3A_206 : i32 to vector<1x2048xi32>
    %eq3A_208 = arith.cmpi eq, %select_n3A_187, %eq3A_207 : vector<1x2048xi32>
    %slice3A_209 = vector.extract_strided_slice %slice3A_115 {offsets = [2, 0], sizes = [1, 2048], strides = [1, 1]} : vector<6x2048xf32> to vector<1x2048xf32>
    %jit3A_210 = arith.constant 0.000000e+00 : f32
    %broadcast_in_dim3A_211 = vector.broadcast %jit3A_210 : f32 to vector<1x2048xf32>
    %select_n3A_212 = arith.select %eq3A_208, %slice3A_209, %broadcast_in_dim3A_211 : vector<1x2048xi1>, vector<1x2048xf32>
    %add3A_213 = arith.addf %add3A_205, %select_n3A_212 : vector<1x2048xf32>
    %eq3A_214 = arith.constant 3 : i32
    %eq3A_215 = vector.broadcast %eq3A_214 : i32 to vector<1x2048xi32>
    %eq3A_216 = arith.cmpi eq, %select_n3A_187, %eq3A_215 : vector<1x2048xi32>
    %slice3A_217 = vector.extract_strided_slice %slice3A_115 {offsets = [3, 0], sizes = [1, 2048], strides = [1, 1]} : vector<6x2048xf32> to vector<1x2048xf32>
    %jit3A_218 = arith.constant 0.000000e+00 : f32
    %broadcast_in_dim3A_219 = vector.broadcast %jit3A_218 : f32 to vector<1x2048xf32>
    %select_n3A_220 = arith.select %eq3A_216, %slice3A_217, %broadcast_in_dim3A_219 : vector<1x2048xi1>, vector<1x2048xf32>
    %add3A_221 = arith.addf %add3A_213, %select_n3A_220 : vector<1x2048xf32>
    %eq3A_222 = arith.constant 4 : i32
    %eq3A_223 = vector.broadcast %eq3A_222 : i32 to vector<1x2048xi32>
    %eq3A_224 = arith.cmpi eq, %select_n3A_187, %eq3A_223 : vector<1x2048xi32>
    %slice3A_225 = vector.extract_strided_slice %slice3A_115 {offsets = [4, 0], sizes = [1, 2048], strides = [1, 1]} : vector<6x2048xf32> to vector<1x2048xf32>
    %jit3A_226 = arith.constant 0.000000e+00 : f32
    %broadcast_in_dim3A_227 = vector.broadcast %jit3A_226 : f32 to vector<1x2048xf32>
    %select_n3A_228 = arith.select %eq3A_224, %slice3A_225, %broadcast_in_dim3A_227 : vector<1x2048xi1>, vector<1x2048xf32>
    %add3A_229 = arith.addf %add3A_221, %select_n3A_228 : vector<1x2048xf32>
    %eq3A_230 = arith.constant 5 : i32
    %eq3A_231 = vector.broadcast %eq3A_230 : i32 to vector<1x2048xi32>
    %eq3A_232 = arith.cmpi eq, %select_n3A_187, %eq3A_231 : vector<1x2048xi32>
    %slice3A_233 = vector.extract_strided_slice %slice3A_115 {offsets = [5, 0], sizes = [1, 2048], strides = [1, 1]} : vector<6x2048xf32> to vector<1x2048xf32>
    %jit3A_234 = arith.constant 0.000000e+00 : f32
    %broadcast_in_dim3A_235 = vector.broadcast %jit3A_234 : f32 to vector<1x2048xf32>
    %select_n3A_236 = arith.select %eq3A_232, %slice3A_233, %broadcast_in_dim3A_235 : vector<1x2048xi1>, vector<1x2048xf32>
    %add3A_237 = arith.addf %add3A_229, %select_n3A_236 : vector<1x2048xf32>
    %log3A_238 = math.log %add3A_120 : vector<1x2048xf32>
    %sub3A_239 = arith.subf %log3A_238, %add3A_237 : vector<1x2048xf32>
    %mul3A_240 = arith.constant 1.000000e+00 : f32
    %mul3A_241 = vector.broadcast %mul3A_240 : f32 to vector<1x2048xf32>
    %mul3A_242 = arith.mulf %sub3A_239, %mul3A_241 : vector<1x2048xf32>
    %add3A_243 = arith.addf %add3A_114, %mul3A_242 : vector<1x2048xf32>
    %slice3A_244 = vector.extract_strided_slice %dot_general3A_12 {offsets = [16, 0], sizes = [6, 2048], strides = [1, 1]} : vector<24x2048xf32> to vector<6x2048xf32>
    %exp3A_245 = math.exp %slice3A_244 : vector<6x2048xf32>
    %reduce_sum3A_246 = arith.constant dense<0.000000e+00> : vector<2048xf32>
    %reduce_sum3A_247 = vector.multi_reduction <add>, %exp3A_245, %reduce_sum3A_246 [0] : vector<6x2048xf32> to vector<2048xf32>
    %broadcast_in_dim3A_248 = vector.shape_cast %reduce_sum3A_247 : vector<2048xf32> to vector<1x2048xf32>
    %add3A_249 = arith.addf %broadcast_in_dim3A, %broadcast_in_dim3A_248 : vector<1x2048xf32>
    %jit3A_250 = arith.constant 4 : i32
    %eq3A_251 = arith.constant 0 : i32
    %eq3A_252 = arith.cmpi eq, %jit3A_250, %eq3A_251 : i32
    %jit3A_253 = arith.constant 1 : i32
    %select_n3A_254 = arith.select %eq3A_252, %jit3A_253, %jit3A_250 : i32
    %rem3A_255 = vector.broadcast %select_n3A_254 : i32 to vector<1x2048xi32>
    %rem3A_256 = arith.remsi %sub3A_15, %rem3A_255 : vector<1x2048xi32>
    %ne3A_257 = arith.constant 0 : i32
    %ne3A_258 = vector.broadcast %ne3A_257 : i32 to vector<1x2048xi32>
    %ne3A_259 = arith.cmpi ne, %rem3A_256, %ne3A_258 : vector<1x2048xi32>
    %lt3A_260 = arith.constant 0 : i32
    %lt3A_261 = vector.broadcast %lt3A_260 : i32 to vector<1x2048xi32>
    %lt3A_262 = arith.cmpi slt, %rem3A_256, %lt3A_261 : vector<1x2048xi32>
    %lt3A_263 = arith.constant 0 : i32
    %lt3A_264 = arith.cmpi slt, %select_n3A_254, %lt3A_263 : i32
    %ne3A_265 = vector.broadcast %lt3A_264 : i1 to vector<1x2048xi1>
    %ne3A_266 = vector.broadcast %ne3A_265 : vector<1x2048xi1> to vector<1x2048xi1>
    %ne3A_267 = arith.xori %lt3A_262, %ne3A_266 : vector<1x2048xi1>
    %and3A_268 = arith.andi %ne3A_267, %ne3A_259 : vector<1x2048xi1>
    %add3A_269 = vector.broadcast %select_n3A_254 : i32 to vector<1x2048xi32>
    %add3A_270 = arith.addi %rem3A_256, %add3A_269 : vector<1x2048xi32>
    %select_n3A_271 = arith.select %and3A_268, %add3A_270, %rem3A_256 : vector<1x2048xi1>, vector<1x2048xi32>
    %eq3A_272 = arith.constant 0 : i32
    %eq3A_273 = vector.broadcast %eq3A_272 : i32 to vector<1x2048xi32>
    %eq3A_274 = arith.cmpi eq, %get3A_8, %eq3A_273 : vector<1x2048xi32>
    %eq3A_275 = arith.constant 65 : i32
    %eq3A_276 = vector.broadcast %eq3A_275 : i32 to vector<1x2048xi32>
    %eq3A_277 = arith.cmpi eq, %get3A_8, %eq3A_276 : vector<1x2048xi32>
    %add3A_278 = arith.constant 1 : i32
    %add3A_279 = vector.broadcast %add3A_278 : i32 to vector<1x2048xi32>
    %add3A_280 = arith.addi %select_n3A_271, %add3A_279 : vector<1x2048xi32>
    %jit3A_281 = arith.constant 5 : i32
    %broadcast_in_dim3A_282 = vector.broadcast %jit3A_281 : i32 to vector<1x2048xi32>
    %select_n3A_283 = arith.select %eq3A_277, %broadcast_in_dim3A_282, %add3A_280 : vector<1x2048xi1>, vector<1x2048xi32>
    %jit3A_284 = arith.constant 0 : i32
    %broadcast_in_dim3A_285 = vector.broadcast %jit3A_284 : i32 to vector<1x2048xi32>
    %select_n3A_286 = arith.select %eq3A_274, %broadcast_in_dim3A_285, %select_n3A_283 : vector<1x2048xi1>, vector<1x2048xi32>
    %broadcast_in_dim3A_287 = arith.constant 0.000000e+00 : f32
    %broadcast_in_dim3A_288 = vector.broadcast %broadcast_in_dim3A_287 : f32 to vector<1x2048xf32>
    %eq3A_289 = arith.constant 0 : i32
    %eq3A_290 = vector.broadcast %eq3A_289 : i32 to vector<1x2048xi32>
    %eq3A_291 = arith.cmpi eq, %select_n3A_286, %eq3A_290 : vector<1x2048xi32>
    %slice3A_292 = vector.extract_strided_slice %slice3A_244 {offsets = [0, 0], sizes = [1, 2048], strides = [1, 1]} : vector<6x2048xf32> to vector<1x2048xf32>
    %jit3A_293 = arith.constant 0.000000e+00 : f32
    %broadcast_in_dim3A_294 = vector.broadcast %jit3A_293 : f32 to vector<1x2048xf32>
    %select_n3A_295 = arith.select %eq3A_291, %slice3A_292, %broadcast_in_dim3A_294 : vector<1x2048xi1>, vector<1x2048xf32>
    %add3A_296 = arith.addf %broadcast_in_dim3A_288, %select_n3A_295 : vector<1x2048xf32>
    %eq3A_297 = arith.constant 1 : i32
    %eq3A_298 = vector.broadcast %eq3A_297 : i32 to vector<1x2048xi32>
    %eq3A_299 = arith.cmpi eq, %select_n3A_286, %eq3A_298 : vector<1x2048xi32>
    %slice3A_300 = vector.extract_strided_slice %slice3A_244 {offsets = [1, 0], sizes = [1, 2048], strides = [1, 1]} : vector<6x2048xf32> to vector<1x2048xf32>
    %jit3A_301 = arith.constant 0.000000e+00 : f32
    %broadcast_in_dim3A_302 = vector.broadcast %jit3A_301 : f32 to vector<1x2048xf32>
    %select_n3A_303 = arith.select %eq3A_299, %slice3A_300, %broadcast_in_dim3A_302 : vector<1x2048xi1>, vector<1x2048xf32>
    %add3A_304 = arith.addf %add3A_296, %select_n3A_303 : vector<1x2048xf32>
    %eq3A_305 = arith.constant 2 : i32
    %eq3A_306 = vector.broadcast %eq3A_305 : i32 to vector<1x2048xi32>
    %eq3A_307 = arith.cmpi eq, %select_n3A_286, %eq3A_306 : vector<1x2048xi32>
    %slice3A_308 = vector.extract_strided_slice %slice3A_244 {offsets = [2, 0], sizes = [1, 2048], strides = [1, 1]} : vector<6x2048xf32> to vector<1x2048xf32>
    %jit3A_309 = arith.constant 0.000000e+00 : f32
    %broadcast_in_dim3A_310 = vector.broadcast %jit3A_309 : f32 to vector<1x2048xf32>
    %select_n3A_311 = arith.select %eq3A_307, %slice3A_308, %broadcast_in_dim3A_310 : vector<1x2048xi1>, vector<1x2048xf32>
    %add3A_312 = arith.addf %add3A_304, %select_n3A_311 : vector<1x2048xf32>
    %eq3A_313 = arith.constant 3 : i32
    %eq3A_314 = vector.broadcast %eq3A_313 : i32 to vector<1x2048xi32>
    %eq3A_315 = arith.cmpi eq, %select_n3A_286, %eq3A_314 : vector<1x2048xi32>
    %slice3A_316 = vector.extract_strided_slice %slice3A_244 {offsets = [3, 0], sizes = [1, 2048], strides = [1, 1]} : vector<6x2048xf32> to vector<1x2048xf32>
    %jit3A_317 = arith.constant 0.000000e+00 : f32
    %broadcast_in_dim3A_318 = vector.broadcast %jit3A_317 : f32 to vector<1x2048xf32>
    %select_n3A_319 = arith.select %eq3A_315, %slice3A_316, %broadcast_in_dim3A_318 : vector<1x2048xi1>, vector<1x2048xf32>
    %add3A_320 = arith.addf %add3A_312, %select_n3A_319 : vector<1x2048xf32>
    %eq3A_321 = arith.constant 4 : i32
    %eq3A_322 = vector.broadcast %eq3A_321 : i32 to vector<1x2048xi32>
    %eq3A_323 = arith.cmpi eq, %select_n3A_286, %eq3A_322 : vector<1x2048xi32>
    %slice3A_324 = vector.extract_strided_slice %slice3A_244 {offsets = [4, 0], sizes = [1, 2048], strides = [1, 1]} : vector<6x2048xf32> to vector<1x2048xf32>
    %jit3A_325 = arith.constant 0.000000e+00 : f32
    %broadcast_in_dim3A_326 = vector.broadcast %jit3A_325 : f32 to vector<1x2048xf32>
    %select_n3A_327 = arith.select %eq3A_323, %slice3A_324, %broadcast_in_dim3A_326 : vector<1x2048xi1>, vector<1x2048xf32>
    %add3A_328 = arith.addf %add3A_320, %select_n3A_327 : vector<1x2048xf32>
    %eq3A_329 = arith.constant 5 : i32
    %eq3A_330 = vector.broadcast %eq3A_329 : i32 to vector<1x2048xi32>
    %eq3A_331 = arith.cmpi eq, %select_n3A_286, %eq3A_330 : vector<1x2048xi32>
    %slice3A_332 = vector.extract_strided_slice %slice3A_244 {offsets = [5, 0], sizes = [1, 2048], strides = [1, 1]} : vector<6x2048xf32> to vector<1x2048xf32>
    %jit3A_333 = arith.constant 0.000000e+00 : f32
    %broadcast_in_dim3A_334 = vector.broadcast %jit3A_333 : f32 to vector<1x2048xf32>
    %select_n3A_335 = arith.select %eq3A_331, %slice3A_332, %broadcast_in_dim3A_334 : vector<1x2048xi1>, vector<1x2048xf32>
    %add3A_336 = arith.addf %add3A_328, %select_n3A_335 : vector<1x2048xf32>
    %log3A_337 = math.log %add3A_249 : vector<1x2048xf32>
    %sub3A_338 = arith.subf %log3A_337, %add3A_336 : vector<1x2048xf32>
    %mul3A_339 = arith.constant 1.000000e+00 : f32
    %mul3A_340 = vector.broadcast %mul3A_339 : f32 to vector<1x2048xf32>
    %mul3A_341 = arith.mulf %sub3A_338, %mul3A_340 : vector<1x2048xf32>
    %add3A_342 = arith.addf %add3A_243, %mul3A_341 : vector<1x2048xf32>
    %eq3A_343 = arith.constant 0 : i32
    %eq3A_344 = arith.cmpi eq, %arg0, %eq3A_343 : i32
    %convert_element_type3A = arith.extui %eq3A_344 : i1 to i32
    %cond3A = arith.constant 0 : i32
    %cond3A_345 = arith.cmpi ne, %convert_element_type3A, %cond3A : i32
    scf.if %cond3A_345 {
      %swap3A_357 = arith.constant 0.000000e+00 : f32
      %swap3A_358 = arith.constant 0 : index
      %swap3A_359 = arith.constant 0 : index
      %swap3A_360 = memref.load %arg4[%swap3A_358, %swap3A_359] : memref<1x1xf32, #tpu.memory_space<smem>>
      memref.store %swap3A_357, %arg4[%swap3A_358, %swap3A_359] : memref<1x1xf32, #tpu.memory_space<smem>>
    } else {
    }
    %get3A_346 = arith.constant 0 : index
    %get3A_347 = arith.constant 0 : index
    %get3A_348 = memref.load %arg4[%get3A_346, %get3A_347] : memref<1x1xf32, #tpu.memory_space<smem>>
    %reduce_sum3A_349 = vector.shape_cast %add3A_342 : vector<1x2048xf32> to vector<1x1x2048xf32>
    %reduce_sum3A_350 = arith.constant dense<0.000000e+00> : vector<1xf32>
    %reduce_sum3A_351 = vector.multi_reduction <add>, %reduce_sum3A_349, %reduce_sum3A_350 [1, 2] : vector<1x1x2048xf32> to vector<1xf32>
    %reduce_sum3A_352 = vector.shape_cast %reduce_sum3A_351 : vector<1xf32> to vector<1x1x1xf32>
    %reduce_sum3A_353 = vector.extract %reduce_sum3A_352[0, 0, 0] : f32 from vector<1x1x1xf32>
    %add3A_354 = arith.addf %get3A_348, %reduce_sum3A_353 : f32
    %swap3A = arith.constant 0 : index
    %swap3A_355 = arith.constant 0 : index
    %swap3A_356 = memref.load %arg4[%swap3A, %swap3A_355] : memref<1x1xf32, #tpu.memory_space<smem>>
    memref.store %add3A_354, %arg4[%swap3A, %swap3A_355] : memref<1x1xf32, #tpu.memory_space<smem>>
    return
  }
  func.func @transform_0(%arg0: i32) -> (i32, i32, i32) {
    %add3A = arith.constant 128 : i32
    %add3A_0 = arith.addi %add3A, %arg0 : i32
    %c0_i32 = arith.constant 0 : i32
    %c0_i32_1 = arith.constant 0 : i32
    %c0_i32_2 = arith.constant 0 : i32
    return %add3A_0, %c0_i32, %c0_i32_1 : i32, i32, i32
  }
  func.func @transform_1(%arg0: i32) -> (i32, i32, i32) {
    %add3A = arith.constant 128 : i32
    %add3A_0 = arith.addi %add3A, %arg0 : i32
    %c0_i32 = arith.constant 0 : i32
    %c0_i32_1 = arith.constant 0 : i32
    %c0_i32_2 = arith.constant 0 : i32
    return %add3A_0, %c0_i32, %c0_i32_1 : i32, i32, i32
  }
  func.func @transform_2(%arg0: i32) -> (i32, i32) {
    %c0_i32 = arith.constant 0 : i32
    %c0_i32_0 = arith.constant 0 : i32
    %c0_i32_1 = arith.constant 0 : i32
    return %c0_i32, %c0_i32_0 : i32, i32
  }
  func.func @transform_3(%arg0: i32) -> (i32, i32) {
    %c0_i32 = arith.constant 0 : i32
    %c0_i32_0 = arith.constant 0 : i32
    %c0_i32_1 = arith.constant 0 : i32
    return %c0_i32, %c0_i32_0 : i32, i32
  }
}

</mosaic_0001>

<sc_bundles>
// kernel: kernel.4.cloned.1.call-start
scs
__scs_entry_jumppad:
0x0: {  	(pc) =	sbr.rel $0x88, $3  }
0x1: {  	(tag) =	ssettag $0x0;
	lr =	simm.s32 $0x1  }
0x2: {  	[smem:$0x3F9F] =	sst lr;
	_ =	strace $0xD0000000  }
0x3: {  	_ = 	snop  }
0x4: {  	_ = 	snop  }
0x5: {  	_ = 	snop  }
0x6: {  	_ = 	snop  }
0x7: {  	_ = 	snop  }
__scs_overlays_trampoline_lowered:
0x8: {  	[smem:$0x3FAE] =	sst s0  }
0x9: {  	[smem:$0x3FAF] =	sst s1  }
0xa: {  	[smem:$0x3FB0] =	sst s2  }
0xb: {  	[smem:$0x3FB1] =	sst s3  }
0xc: {  	[smem:$0x3FB2] =	sst s4  }
0xd: {  	[smem:$0x3FB3] =	sst s5  }
0xe: {  	[smem:$0x3FB4] =	sst s6  }
0xf: {  	[smem:$0x3FB5] =	sst s7  }
0x10: {  	[smem:$0x3FB6] =	sst s8  }
0x11: {  	[smem:$0x3FB7] =	sst s9;
	s0 =	simm.s32 @!p0 $0x0  }
0x12: {  	s1 =	sld [smem:$0x3F9D];
	s0 =	simm.s32 @p0 $0x1  }
0x13: {  	[smem:$0x3FB8] =	sst s0;
	s0 =	simm.s32 @!p1 $0x0  }
0x14: {  	s2 =	sld [smem:$0x3F9C];
	s0 =	simm.s32 @p1 $0x1  }
0x15: {  	[smem:$0x3FB9] =	sst s0;
	s0 =	simm.s32 @!p2 $0x0  }
0x16: {  	s3 =	sld [smem:$0x3FDB];
	s0 =	simm.s32 @p2 $0x1  }
0x17: {  	s4 =	simm.s32 $0x1BF5;
	[smem:$0x3FBB] =	sst s0  }
0x18: {  	s0 =	sld [smem:$0x3F9E];
	_ =	swait.ge [sflag:s4], $0x0  }
0x19: {  	s7 =	sld [smem:$0x3F9F]  }
0x1a: {  	s8 =	sadd.s32 $0xFFFFE003, lr  }
0x1b: {  	s9 =	sadd.s32 $0xFFFFFEF7, lr;
	s5 =	simm.s32 $0xFFFFFFFF;
	p2 =	slt.u32 s8, $0xFFFFF086  }
0x1c: {  	p1 =	slt.u32 s9, $0xF7A;
	s5 =	simm.s32 @!p2 $0x0  }
0x1d: {  	s5 =	simm.s32 @p1 $0x1;
	p0 =	seq.s32 s7, s2  }
0x1e: {  	s7 =	smul.u32 @!p0 $0xF7A, s2;
	p2 =	seq.s32 @!p0 s5, $0x0  }
0x1f: {  	s9 =	smul.u32 $0xF7A, s1;
	s8 =	simm.s32 @!p0 $0x1BF5;
	p2 =	por !p2, p0  }
0x20: {  	[sflag:s8] =	ssyncset.s32 @!p0 $0xFFFFF086;
	s6 =	sadd.s32 @!p0 s3, s7;
	s7 =	simm.s32 @!p0 $0x108  }
0x21: {  	s3 =	sadd.s32 s3, s9;
	s6 =	sadd.s32 @!p0 $0x88, s6;
	s7 =	simm.s32 @p2 $0x1082  }
0x22: {  	[simem:s7], [sflag:s8] =	dma.local @!p0 [hbm:s6], $0xF7A  }
0x23: {  	s9 =	sor.u32 $0xD0000000, s2;
	s6 =	simm.s32 $0x108;
	_ =	swait.ge @!p0 [sflag:s8], $0x0  }
0x24: {  	s3 =	sadd.s32 $0x88, s3;
	s6 =	simm.s32 @!p1 $0x1082;
	[sflag:s4] =	ssyncset.s32 $0xFFFFF086  }
0x25: {  	[simem:s6], [sflag:s4] =	dma.local [hbm:s3], $0xF7A  }
0x26: {  	[smem:$0x3F9F] =	sst s1;
	(tag) =	ssettag s2;
	_ =	strace s9  }
0x27: {  	s1 =	sld [smem:$0x3FAF]  }
0x28: {  	s2 =	sld [smem:$0x3FB0]  }
0x29: {  	s4 =	sld [smem:$0x3FB2]  }
0x2a: {  	p0 =	seq.s32 s5, $0x0;
	s5 =	sld [smem:$0x3FB3]  }
0x2b: {  	s6 =	sld [smem:$0x3FB4]  }
0x2c: {  	s7 =	sld [smem:$0x3FB5]  }
0x2d: {  	s3 =	simm.s32 $0x108;
	s8 =	sld [smem:$0x3FB6]  }
0x2e: {  	s3 =	simm.s32 @!p0 $0x1082;
	s9 =	sld [smem:$0x3FB7]  }
0x2f: {  	lr =	sadd.s32 s0, s3;
	s0 =	sld [smem:$0x3FAE]  }
0x30: {  	s3 =	sld [smem:$0x3FB1]  }
0x31: {  	[smem:$0x3FBA] =	sst s10  }
0x32: {  	s10 =	sld [smem:$0x3FB8];
	_ =	sdelay $0x3  }
0x33: {  	p0 =	seq.s32 s10, $0x1;
	s10 =	sld [smem:$0x3FBA];
	_ =	sdelay $0x3  }
0x34: {  	[smem:$0x3FBA] =	sst s10  }
0x35: {  	s10 =	sld [smem:$0x3FB9];
	_ =	sdelay $0x3  }
0x36: {  	p1 =	seq.s32 s10, $0x1;
	s10 =	sld [smem:$0x3FBA];
	_ =	sdelay $0x3  }
0x37: {  	[smem:$0x3FBA] =	sst s10  }
0x38: {  	s10 =	sld [smem:$0x3FBB]  }
0x39: {  	_ = 	snop;
	(pc) =	sbr.ind lr, $3  }
0x3a: {  	_ = 	snop  }
0x3b: {  	_ = 	snop  }
0x3c: {  	p2 =	seq.s32 s10, $0x1;
	s10 =	sld [smem:$0x3FBA]  }
0x3d: {  	_ =	shalt  }
0x3e: {  	_ =	shalt  }
0x3f: {  	_ =	shalt  }
0x40: {  	_ =	shalt  }
0x41: {  	_ =	shalt  }
0x42: {  	_ =	shalt  }
0x43: {  	_ =	shalt  }
0x44: {  	_ =	shalt  }
0x45: {  	_ =	shalt  }
0x46: {  	_ =	shalt  }
0x47: {  	_ =	shalt  }
0x48: {  	_ =	shalt  }
0x49: {  	_ =	shalt  }
0x4a: {  	_ =	shalt  }
0x4b: {  	_ =	shalt  }
0x4c: {  	_ =	shalt  }
0x4d: {  	_ =	shalt  }
0x4e: {  	_ =	shalt  }
0x4f: {  	_ =	shalt  }
0x50: {  	_ =	shalt  }
0x51: {  	_ =	shalt  }
0x52: {  	_ =	shalt  }
0x53: {  	_ =	shalt  }
0x54: {  	_ =	shalt  }
0x55: {  	_ =	shalt  }
0x56: {  	_ =	shalt  }
0x57: {  	_ =	shalt  }
0x58: {  	_ =	shalt  }
0x59: {  	_ =	shalt  }
0x5a: {  	_ =	shalt  }
0x5b: {  	_ =	shalt  }
0x5c: {  	_ =	shalt  }
0x5d: {  	_ =	shalt  }
0x5e: {  	_ =	shalt  }
0x5f: {  	_ =	shalt  }
0x60: {  	_ =	shalt  }
0x61: {  	_ =	shalt  }
0x62: {  	_ =	shalt  }
0x63: {  	_ =	shalt  }
0x64: {  	_ =	shalt  }
0x65: {  	_ =	shalt  }
0x66: {  	_ =	shalt  }
0x67: {  	_ =	shalt  }
0x68: {  	_ =	shalt  }
0x69: {  	_ =	shalt  }
0x6a: {  	_ =	shalt  }
0x6b: {  	_ =	shalt  }
0x6c: {  	_ =	shalt  }
0x6d: {  	_ =	shalt  }
0x6e: {  	_ =	shalt  }
0x6f: {  	_ =	shalt  }
0x70: {  	_ =	shalt  }
0x71: {  	_ =	shalt  }
0x72: {  	_ =	shalt  }
0x73: {  	_ =	shalt  }
0x74: {  	_ =	shalt  }
0x75: {  	_ =	shalt  }
0x76: {  	_ =	shalt  }
0x77: {  	_ =	shalt  }
0x78: {  	_ =	shalt  }
0x79: {  	_ =	shalt  }
0x7a: {  	_ =	shalt  }
0x7b: {  	_ =	shalt  }
0x7c: {  	_ =	shalt  }
0x7d: {  	_ =	shalt  }
0x7e: {  	_ =	shalt  }
0x7f: {  	_ =	shalt  }
0x80: {  	_ =	shalt  }
0x81: {  	_ =	shalt  }
0x82: {  	_ =	shalt  }
0x83: {  	_ =	shalt  }
0x84: {  	_ =	shalt  }
0x85: {  	_ =	shalt  }
0x86: {  	_ =	shalt  }
0x87: {  	_ =	shalt  }
.Lfunc_end0:
.L_simem_size_0:
called_computation_lowered:
.L_overlay_start_0:
0x88: {  	s2 =	sld [smem:$0x3FD9]  }
0x89: {  	s3 =	sld [smem:$0x3FFE];
	_ =	sdelay $0x1  }
0x8a: {  	s1 =	srdreg.scid  }
0x8b: {  	s0 =	sand.u32 $0x1, s1  }
0x8c: {  	s17 =	sshll.u32 s0, $0xA;
	s2 =	sadd.s32 s3, s2  }
0x8d: {  	s2 =	sadd.s32 s2, s17  }
0x8e: {  	[smem:$0x3FC6] =	sst s2  }
0x8f: {  	_ = 	snop  }
0x90: {  	s2 =	sld [smem:$0x3FC8];
	(tm) =	ssettm $0x1  }
0x91: {  	s18 =	sld [smem:$0x3FFB];
	_ =	sdelay $0x3  }
0x92: {  	_ =	strace s18  }
0x93: {  	s3 =	sld [smem:$0x3FFC];
	_ =	sdelay $0x3  }
0x94: {  	_ =	strace s3  }
0x95: {  	s3 =	sld [smem:$0x3FFD];
	_ =	sdelay $0x3  }
0x96: {  	_ =	strace s3  }
0x97: {  	_ =	strace $0x8FFFFFFF  }
0x98: {  	s19 =	sld [smem:$0x3FDB];
	_ =	sdelay $0x1  }
0x99: {  	s4 =	simm.s32 $_scs_section_size  }
0x9a: {  	s5 =	simm.s32 $_size__tile_overlayer_lowered;
	s6 =	simm.s32 $_tile_overlayer_lowered  }
0x9b: {  	s22 =	simm.s32 $0x1BFF;
	s21 =	sshll.u32 s6, $0x1;
	s3 =	sadd.s32 s4, s19  }
0x9c: {  	s7 =	simm.s32 $0x0;
	s20 =	sshll.u32 s5, $0x1;
	s5 =	sadd.s32 s21, s3  }
0x9d: {  	[timem:s7], [sflag:s22] =	dma.local [hbm:s5], s20  }
0x9e: {  	_ =	swait.ge [sflag:s22], s20  }
0x9f: {  	s4 =	ssub.s32 $0x0, s20;
	[sflag:s22] =	ssyncset.done $0x0  }
0xa0: {  	[sflag:s22] =	ssyncadd.s32 s4;
	_ =	sdelay $0x1  }
0xa1: {  	s23 =	simm.s32 $0x1B8B  }
0xa2: {  	_ =	swait.ge [sflag:s23], $0x1  }
0xa3: {  	[sflag:s23] =	ssyncset.done $0x0  }
0xa4: {  	s25 =	simm.s32 $0x1B8E;
	s24 =	sld [smem:$0x3FFE];
	[sflag:s23] =	ssyncadd.s32 $0xFFFFFFFF  }
0xa5: {  	s26 =	simm.s32 $execute0_lowered;
	[smem:$0x3FD2] =	sst s25  }
0xa6: {  	s5 =	sshll.u32 s26, $0x1;
	_ =	strace $0x80000046;
	[dreg:$0x1] =	wrdreg $0xFFFFFFFF  }
0xa7: {  	s28 =	simm.s32 $_size_execute0_lowered;
	s3 =	sadd.s32 s3, s5;
	[dreg:$0x0] =	wrdreg $0x0  }
0xa8: {  	s5 =	sshll.u32 s28, $0x1;
	[dreg:$0x2] =	wrdreg s3  }
0xa9: {  	[dreg:$0x3] =	wrdreg s5  }
0xaa: {  	[dreg:$0x4] =	wrdreg $0xC0  }
0xab: {  	_ =	task [dreg:s7], $0x5FFFF  }
0xac: {  	[dreg:$0x1] =	wrdreg $0xFFFFFFFF  }
0xad: {  	[dreg:$0x0] =	wrdreg $0x60  }
0xae: {  	[dreg:$0x2] =	wrdreg s24  }
0xaf: {  	[dreg:$0x3] =	wrdreg s2  }
0xb0: {  	[dreg:$0x4] =	wrdreg $0x9  }
0xb1: {  	_ =	task.clear_ibuf [dreg:s7], $0x5FFFF;
	_ =	strace $0x90000046  }
0xb2: {  	s29 =	simm.s32 $0x9;
	_ =	strace $0x80000048  }
0xb3: {  	_ =	swait.ge [sflag:s29], $0x1  }
0xb4: {  	[sflag:s29] =	ssyncadd.s32 $0xFFFFFFFF  }
0xb5: {  	_ =	strace $0x90000048  }
0xb6: {  	_ =	sfence  }
0xb7: {  	s30 =	sld [smem:$0x0];
	_ =	sdelay $0x2  }
0xb8: {  	s31 =	sshll.u32 s1, $0xD;
	s1 =	sshrl.u32 s1, $0x2  }
0xb9: {  	s3 =	sand.u32 $0x4000, s31;
	s1 =	sadd.s32 s1, s30  }
0xba: {  	s0 =	sor.u32 s3, s0;
	s1 =	sshll.u32 s1, $0x11  }
0xbb: {  	s0 =	sor.u32 s1, s0  }
0xbc: {  	s0 =	sadd.s32 $0x8F2B, s0  }
0xbd: {  	[sflag:s0] =	ssyncadd.remote.s32 $0x1  }
0xbe: {  	_ =	sfence.sel $0xFFFF  }
0xbf: {  	[dreg:$0x0] =	wrdreg $0xFFFFFFFF;
	(pc) =	sbr.abs _section_cstart, $3  }
0xc0: {  	[dreg:$0x1] =	wrdreg $0xFFFFFFFF  }
0xc1: {  	_ =	task.clear_ibuf [dreg:s7], $0x2FFFF;
	_ =	strace $0x9FFFFFFF  }
0xc2: {  	(tm) =	ssettm $0x7FFFFFFF  }
0xc3: {  	_ =	shalt  }
tec
execute0_lowered:
.L_overlay_start_1:
0x0: {  	(tag) =	ssettag $0x1  }
0x1: {  	s0 =	rddreg [dreg:$0x0]  }
0x2: {  	s2 =	rddreg [dreg:$0x1]  }
0x3: {  	s1 =	srdreg.scid;
	s9 =	stileid.u32  }
0x4: {  	s3 =	simm.s32 $0x0;
	s14 =	simm.s32 $0x1000;
	s15 =	simm.s32 $0x4000  }
0x5: {  	s20 =	simm.s32 $0x9000;
	s21 =	simm.s32 $0x12080;
	s22 =	simm.s32 $0x12180  }
0x6: {  	s23 =	simm.s32 $0x12280;
	s24 =	simm.s32 $0x12380;
	s28 =	simm.s32 $0x2  }
0x7: {  	s29 =	simm.s32 $0x4;
	s31 =	simm.s32 $0x5;
	s1 =	sand.u32 $0x1, s1  }
0x8: {  	s4 =	sshll.u32 s9, $0x1;
	[smem:$0x7FF] =	sst s3;
	s26 =	sshll.u32 s9, $0xB  }
0x9: {  	s5 =	sor.u32 s1, s4;
	_ =	strace $0x80000047;
	s4 =	sadd.s32 $0x400, s0  }
0xa: {  	s25 =	ssub.s32 $0x2, s1;
	s1 =	sshll.u32 s1, $0x6;
	s6 =	sshll.u32 s5, $0x4  }
0xb: {  	s7 =	sshrl.u32 s25, $0x1;
	s8 =	smul.u32 $0x12000, s5;
	s1 =	sadd.s32 s2, s1  }
0xc: {  	s5 =	sshll.u32 s5, $0x2;
	s0 =	sadd.s32 s6, s0;
	s10 =	ssub.s32 s25, s7  }
0xd: {  	s7 =	sadd.s32 s26, s1;
	s25 =	simm.s32 $0x1;
	s26 =	simm.s32 $0x3  }
0xe: {  	s30 =	sadd.s32 s4, s8;
	s8 =	sshll.u32 s9, $0xE;
	s9 =	sadd.s32 $0x480400, s0  }
0xf: {  	s10 =	smax.u32 s10, $0x1;
	s11 =	sadd.s32 $0x80, s7;
	s12 =	sadd.s32 $0x100, s7  }
0x10: {  	v24 =	vimm.f32 $0.0e+00;
	s13 =	sadd.s32 $0x180, s7;
	s0 =	simm.s32 $0x0;
	[dreg:$0x3] =	wrdreg s30  }
.LBB2_1:
0x11: {  	[tilespmem:$0x12400] =	vst v24;
	s1 =	rddreg [dreg:$0x3]  }
0x12: {  	[tilespmem:s3], [sflag:$0x1] =	stream.strided.gather [hbm4b:s1+s14], $0x9000, s15, s14, $0x38;
	[tilespmem:$0x12480] =	vst v63  }
0x13: {  	s17 =	simm.s32 $0x12000  }
0x14: {  	[tilespmem:s17], [sflag:$0x3] =	stream.linear.gather [hbm4b:s7+s3], $0x80, $0x38;
	[tilespmem:$0x12480] =	vst v63  }
0x15: {  	s18 =	simm.s32 $0x12100  }
0x16: {  	[tilespmem:s18], [sflag:$0x3] =	stream.linear.gather [hbm4b:s11+s3], $0x80, $0x38;
	[tilespmem:$0x12480] =	vst v63  }
0x17: {  	s19 =	simm.s32 $0x12200  }
0x18: {  	[tilespmem:s19], [sflag:$0x3] =	stream.linear.gather [hbm4b:s12+s3], $0x80, $0x38;
	[tilespmem:$0x12480] =	vst v63  }
0x19: {  	s30 =	simm.s32 $0x12300;
	s1 =	simm.s32 $0x0  }
0x1a: {  	[tilespmem:s30], [sflag:$0x3] =	stream.linear.gather [hbm4b:s13+s3], $0x80, $0x38;
	[tilespmem:$0x12480] =	vst v63  }
.LBB2_2:
0x1b: {  	s16 =	sshrl.u32 s1, $0x1  }
0x1c: {  	s17 =	sshll.u32 s1, $0xD;
	s16 =	sor.u32 s5, s16  }
0x1d: {  	s17 =	sand.u32 $0x2000, s17;
	s18 =	smul.u32 $0x24000, s16;
	s16 =	sshll.u32 s16, $0x7  }
0x1e: {  	s17 =	sor.u32 $0x1000, s17;
	s16 =	sand.u32 $0x380, s16  }
0x1f: {  	s18 =	sor.u32 s17, s18;
	s16 =	sor.u32 s8, s16  }
0x20: {  	s18 =	sshrl.u32 s18, $0x3;
	s16 =	sor.u32 s17, s16  }
0x21: {  	s18 =	sadd.s32 s4, s18;
	s16 =	sshrl.u32 s16, $0x3  }
0x22: {  	[tilespmem:s20], [sflag:$0x2] =	stream.strided.gather [hbm4b:s18+s14], $0x9000, s15, s14, $0x38;
	[tilespmem:$0x12480] =	vst v63  }
0x23: {  	s6 =	sadd.s32 s2, s16;
	s16 =	simm.s32 $0x0  }
0x24: {  	[tilespmem:s21], [sflag:$0x4] =	stream.linear.gather [hbm4b:s6+s16], $0x80, $0x38;
	[tilespmem:$0x12480] =	vst v63  }
0x25: {  	s19 =	sadd.s32 $0x80, s6  }
0x26: {  	[tilespmem:s22], [sflag:$0x4] =	stream.linear.gather [hbm4b:s19+s16], $0x80, $0x38;
	[tilespmem:$0x12480] =	vst v63  }
0x27: {  	s30 =	sadd.s32 $0x100, s6  }
0x28: {  	[tilespmem:s23], [sflag:$0x4] =	stream.linear.gather [hbm4b:s30+s16], $0x80, $0x38;
	[tilespmem:$0x12480] =	vst v63  }
0x29: {  	s17 =	sadd.s32 $0x180, s6  }
0x2a: {  	[tilespmem:s24], [sflag:$0x4] =	stream.linear.gather [hbm4b:s17+s16], $0x80, $0x38;
	[tilespmem:$0x12480] =	vst v63  }
0x2b: {  	_ =	swait.ge [sflag:s25], $0x9000  }
0x2c: {  	[sflag:s25] =	ssyncset.done $0x0  }
0x2d: {  	[sflag:s25] =	ssyncadd.s32 $0xFFFF7000  }
0x2e: {  	_ =	swait.ge [sflag:s26], $0x200  }
0x2f: {  	[sflag:s26] =	ssyncset.done $0x0  }
0x30: {  	[sflag:s26] =	ssyncadd.s32 $0xFFFFFE00  }
0x31: {  	s17 =	simm.s32 $0x0;
	v0 =	vld [tilespmem:$0x12400]  }
.LBB2_3:
0x32: {  	s18 =	sand.u32 $0x70, s16;
	s19 =	sand.u32 $0xC00, s17  }
0x33: {  	s30 =	sor.u32 s18, s19  }
0x34: {  	v20 =	vld [tilespmem:s30+$0x300]  }
0x35: {  	v22 =	vld [tilespmem:s30+$0x380]  }
0x36: {  	v17 =	vld [tilespmem:s30+$0x1000];
	_ =	sdelay $0x1  }
0x37: {  	v19 =	vld [tilespmem:s30+$0x1080]  }
0x38: {  	[tilespmem:$0x1FFF0] =	vst v0;
	v0 =	vmul.f32 $1.442695020e+00, v20  }
0x39: {  	v13 =	vld [tilespmem:s30+$0x1100];
	v1 =	vmul.f32 $1.442695020e+00, v22  }
0x3a: {  	(erf) = vpow2.f32 v0;
	v0 =	vmul.f32 $1.442695020e+00, v17  }
0x3b: {  	v6 =	vld [tilespmem:s30+$0x1180];
	(erf) = vpow2.f32 v1  }
0x3c: {  	(erf) = vpow2.f32 v0;
	v0 =	vmul.f32 $1.442695020e+00, v19  }
0x3d: {  	v18 =	vld [tilespmem:s30+$0x1200]  }
0x3e: {  	(erf) = vpow2.f32 v0;
	v0 =	vmul.f32 $1.442695020e+00, v13  }
0x3f: {  	v37 =	vld [tilespmem:s30+$0x1280]  }
0x40: {  	(erf) = vpow2.f32 v0;
	v0 =	vmul.f32 $1.442695020e+00, v6  }
0x41: {  	v15 =	vld [tilespmem:s30+$0x1300]  }
0x42: {  	(erf) = vpow2.f32 v0;
	v0 =	vmul.f32 $1.442695020e+00, v18  }
0x43: {  	v38 =	vld [tilespmem:s30+$0x1380];
	v1 =	vpop (erf)  }
0x44: {  	v2 =	vpop (erf);
	(erf) = vpow2.f32 v0;
	v0 =	vmul.f32 $1.442695020e+00, v37  }
0x45: {  	v16 =	vld [tilespmem:s30+$0x2000];
	v1 =	vadd.f32 v2, v1  }
0x46: {  	v2 =	vpop (erf);
	(erf) = vpow2.f32 v0;
	v0 =	vmul.f32 $1.442695020e+00, v15  }
0x47: {  	v21 =	vld [tilespmem:s30+$0x2080];
	v1 =	vadd.f32 v2, v1  }
0x48: {  	v2 =	vpop (erf);
	(erf) = vpow2.f32 v0;
	v0 =	vmul.f32 $1.442695020e+00, v38  }
0x49: {  	v39 =	vld [tilespmem:s30+$0x2100];
	v1 =	vadd.f32 v2, v1  }
0x4a: {  	v2 =	vpop (erf);
	(erf) = vpow2.f32 v0;
	v0 =	vmul.f32 $1.442695020e+00, v16  }
0x4b: {  	v59 =	vld [tilespmem:s30+$0x2180];
	v1 =	vadd.f32 v2, v1  }
0x4c: {  	v2 =	vpop (erf);
	(erf) = vpow2.f32 v0;
	v0 =	vmul.f32 $1.442695020e+00, v21  }
0x4d: {  	v3 =	vld [tilespmem:s30+$0x2200];
	v1 =	vadd.f32 v2, v1  }
0x4e: {  	v2 =	vpop (erf);
	(erf) = vpow2.f32 v0;
	v0 =	vmul.f32 $1.442695020e+00, v39  }
0x4f: {  	v47 =	vld [tilespmem:s30+$0x2280];
	v1 =	vadd.f32 v2, v1  }
0x50: {  	v2 =	vpop (erf);
	(erf) = vpow2.f32 v0;
	v0 =	vmul.f32 $1.442695020e+00, v59  }
0x51: {  	v60 =	vld [tilespmem:s30+$0x2300];
	v1 =	vadd.f32 v2, v1  }
0x52: {  	v2 =	vpop (erf);
	(erf) = vpow2.f32 v0;
	v0 =	vmul.f32 $1.442695020e+00, v3  }
0x53: {  	v12 =	vld [tilespmem:s30+$0x2380];
	v1 =	vadd.f32 v2, v1  }
0x54: {  	v2 =	vpop (erf);
	(erf) = vpow2.f32 v0;
	v0 =	vmul.f32 $1.442695020e+00, v47  }
0x55: {  	v30 =	vld [tilespmem:s30+$0x3000];
	v1 =	vadd.f32 v2, v1  }
0x56: {  	v2 =	vpop (erf);
	(erf) = vpow2.f32 v0;
	v0 =	vmul.f32 $1.442695020e+00, v60  }
0x57: {  	v31 =	vld [tilespmem:s30+$0x3080];
	v1 =	vadd.f32 v2, v1  }
0x58: {  	v2 =	vpop (erf);
	(erf) = vpow2.f32 v0;
	v0 =	vmul.f32 $1.442695020e+00, v12  }
0x59: {  	v50 =	vld [tilespmem:s30+$0x3100];
	v1 =	vadd.f32 v2, v1  }
0x5a: {  	v2 =	vpop (erf);
	(erf) = vpow2.f32 v0;
	v0 =	vmul.f32 $1.442695020e+00, v30  }
0x5b: {  	v34 =	vld [tilespmem:s30+$0x3180];
	v1 =	vadd.f32 v2, v1  }
0x5c: {  	v2 =	vpop (erf);
	(erf) = vpow2.f32 v0;
	v0 =	vmul.f32 $1.442695020e+00, v31  }
0x5d: {  	v35 =	vld [tilespmem:s30+$0x3200];
	v1 =	vadd.f32 v2, v1  }
0x5e: {  	v2 =	vpop (erf);
	(erf) = vpow2.f32 v0;
	v0 =	vmul.f32 $1.442695020e+00, v50  }
0x5f: {  	v36 =	vld [tilespmem:s30+$0x3280];
	v1 =	vadd.f32 v2, v1  }
0x60: {  	v2 =	vpop (erf);
	(erf) = vpow2.f32 v0;
	v0 =	vmul.f32 $1.442695020e+00, v34  }
0x61: {  	v49 =	vld [tilespmem:s30+$0x3300];
	v1 =	vadd.f32 v2, v1  }
0x62: {  	v2 =	vpop (erf);
	(erf) = vpow2.f32 v0;
	v0 =	vmul.f32 $1.442695020e+00, v35  }
0x63: {  	v8 =	vld [tilespmem:s30+$0x3380];
	v1 =	vadd.f32 v2, v1  }
0x64: {  	v2 =	vpop (erf);
	(erf) = vpow2.f32 v0;
	v0 =	vmul.f32 $1.442695020e+00, v36  }
0x65: {  	v62 =	vld [tilespmem:s30+$0x4000];
	v1 =	vadd.f32 v2, v1  }
0x66: {  	v2 =	vpop (erf);
	(erf) = vpow2.f32 v0;
	v0 =	vmul.f32 $1.442695020e+00, v49  }
0x67: {  	v52 =	vld [tilespmem:s30+$0x4080];
	v1 =	vadd.f32 v2, v1  }
0x68: {  	v2 =	vpop (erf);
	(erf) = vpow2.f32 v0;
	v0 =	vmul.f32 $1.442695020e+00, v8  }
0x69: {  	v63 =	vld [tilespmem:s30+$0x4100];
	v1 =	vadd.f32 v2, v1  }
0x6a: {  	v2 =	vpop (erf);
	(erf) = vpow2.f32 v0;
	v0 =	vmul.f32 $1.442695020e+00, v62  }
0x6b: {  	v25 =	vld [tilespmem:s30+$0x4180];
	v1 =	vadd.f32 v2, v1  }
0x6c: {  	v2 =	vpop (erf);
	(erf) = vpow2.f32 v0;
	v0 =	vmul.f32 $1.442695020e+00, v52  }
0x6d: {  	v29 =	vld [tilespmem:s30+$0x4200];
	v1 =	vadd.f32 v2, v1  }
0x6e: {  	v2 =	vpop (erf);
	(erf) = vpow2.f32 v0;
	v0 =	vmul.f32 $1.442695020e+00, v63  }
0x6f: {  	v32 =	vld [tilespmem:s30+$0x4280];
	v1 =	vadd.f32 v2, v1  }
0x70: {  	v2 =	vpop (erf);
	(erf) = vpow2.f32 v0;
	v0 =	vmul.f32 $1.442695020e+00, v25  }
0x71: {  	v33 =	vld [tilespmem:s30+$0x4300];
	v1 =	vadd.f32 v2, v1  }
0x72: {  	v2 =	vpop (erf);
	(erf) = vpow2.f32 v0;
	v0 =	vmul.f32 $1.442695020e+00, v29  }
0x73: {  	v43 =	vld [tilespmem:s30+$0x4380];
	v1 =	vadd.f32 v2, v1  }
0x74: {  	v2 =	vpop (erf);
	(erf) = vpow2.f32 v0;
	v0 =	vmul.f32 $1.442695020e+00, v32  }
0x75: {  	v48 =	vld [tilespmem:s30+$0x5000];
	v1 =	vadd.f32 v2, v1  }
0x76: {  	v2 =	vpop (erf);
	(erf) = vpow2.f32 v0;
	v0 =	vmul.f32 $1.442695020e+00, v33  }
0x77: {  	v61 =	vld [tilespmem:s30+$0x5080];
	v1 =	vadd.f32 v2, v1  }
0x78: {  	v2 =	vpop (erf);
	(erf) = vpow2.f32 v0;
	v0 =	vmul.f32 $1.442695020e+00, v43  }
0x79: {  	v26 =	vld [tilespmem:s30+$0x5100];
	v1 =	vadd.f32 v2, v1  }
0x7a: {  	v2 =	vpop (erf);
	(erf) = vpow2.f32 v0;
	v0 =	vmul.f32 $1.442695020e+00, v48  }
0x7b: {  	v11 =	vld [tilespmem:s30+$0x5180];
	v1 =	vadd.f32 v2, v1  }
0x7c: {  	v2 =	vpop (erf);
	(erf) = vpow2.f32 v0;
	v0 =	vmul.f32 $1.442695020e+00, v61  }
0x7d: {  	v27 =	vld [tilespmem:s30+$0x5200];
	v1 =	vadd.f32 v2, v1  }
0x7e: {  	v2 =	vpop (erf);
	(erf) = vpow2.f32 v0;
	v0 =	vmul.f32 $1.442695020e+00, v26  }
0x7f: {  	v23 =	vld [tilespmem:s30+$0x5280];
	v1 =	vadd.f32 v2, v1  }
0x80: {  	v2 =	vpop (erf);
	(erf) = vpow2.f32 v0;
	v0 =	vmul.f32 $1.442695020e+00, v11  }
0x81: {  	v24 =	vld [tilespmem:s30+$0x5300];
	v1 =	vadd.f32 v2, v1  }
0x82: {  	v2 =	vpop (erf);
	(erf) = vpow2.f32 v0;
	v0 =	vmul.f32 $1.442695020e+00, v27  }
0x83: {  	v28 =	vld [tilespmem:s30+$0x5380];
	v1 =	vadd.f32 v2, v1  }
0x84: {  	v2 =	vpop (erf);
	(erf) = vpow2.f32 v0;
	v0 =	vmul.f32 $1.442695020e+00, v23  }
0x85: {  	v10 =	vld [tilespmem:s30+$0x6000];
	v1 =	vadd.f32 v2, v1  }
0x86: {  	v2 =	vpop (erf);
	(erf) = vpow2.f32 v0;
	v0 =	vmul.f32 $1.442695020e+00, v24  }
0x87: {  	v9 =	vld [tilespmem:s30+$0x6080];
	v1 =	vadd.f32 v2, v1  }
0x88: {  	v2 =	vpop (erf);
	(erf) = vpow2.f32 v0;
	v0 =	vmul.f32 $1.442695020e+00, v28  }
0x89: {  	[tilespmem:$0x1FDF0] =	vst v8;
	v8 =	vld [tilespmem:s30+$0x6100];
	v1 =	vadd.f32 v2, v1  }
0x8a: {  	v2 =	vpop (erf);
	(erf) = vpow2.f32 v0;
	v0 =	vmul.f32 $1.442695020e+00, v10  }
0x8b: {  	v53 =	vld [tilespmem:s30+$0x6180];
	v1 =	vadd.f32 v2, v1  }
0x8c: {  	v2 =	vpop (erf);
	(erf) = vpow2.f32 v0;
	v0 =	vmul.f32 $1.442695020e+00, v9  }
0x8d: {  	v54 =	vld [tilespmem:s30+$0x6200];
	v1 =	vadd.f32 v2, v1  }
0x8e: {  	v2 =	vpop (erf);
	(erf) = vpow2.f32 v0;
	v0 =	vmul.f32 $1.442695020e+00, v8  }
0x8f: {  	v55 =	vld [tilespmem:s30+$0x6280];
	v1 =	vadd.f32 v2, v1  }
0x90: {  	v2 =	vpop (erf);
	(erf) = vpow2.f32 v0;
	v0 =	vmul.f32 $1.442695020e+00, v53  }
0x91: {  	v1 =	vadd.f32 v2, v1  }
0x92: {  	v41 =	vld [tilespmem:s30+$0x80];
	v2 =	vpop (erf);
	(erf) = vpow2.f32 v0;
	v0 =	vmul.f32 $1.442695020e+00, v54  }
0x93: {  	v56 =	vld [tilespmem:s30+$0x6300];
	[tilespmem:$0x1FE00] =	vst v17;
	v1 =	vadd.f32 v2, v1  }
0x94: {  	v44 =	vld [tilespmem:s30+$0x100];
	[tilespmem:$0x1FE10] =	vst v13;
	v2 =	vpop (erf);
	(erf) = vpow2.f32 v0;
	v0 =	vmul.f32 $1.442695020e+00, v55  }
0x95: {  	v45 =	vld [tilespmem:s30+$0x180];
	[tilespmem:$0x1FE30] =	vst v18;
	v1 =	vadd.f32 v2, v1  }
0x96: {  	v46 =	vld [tilespmem:s30+$0x200];
	[tilespmem:$0x1FE70] =	vst v16;
	v4 =	vadd.f32 v17, v22;
	v2 =	vpop (erf)  }
0x97: {  	v14 =	vld [tilespmem:s30+$0x280];
	[tilespmem:$0x1FEF0] =	vst v3;
	v17 =	vadd.f32 v39, v21;
	v1 =	vadd.f32 v2, v1  }
0x98: {  	v57 =	vld [tilespmem:s30+$0x6380];
	[tilespmem:$0x1FEE0] =	vst v25;
	v16 =	vadd.f32 v16, v38;
	v25 =	vadd.f32 v29, v25;
	(erf) = vpow2.f32 v0;
	v0 =	vpop (erf)  }
0x99: {  	[tilespmem:$0x1FF00] =	vst v29;
	v29 =	vadd.f32 v33, v32;
	v2 =	vmul.f32 $1.442695020e+00, v56;
	v0 =	vadd.f32 v0, v1  }
0x9a: {  	v7 =	vmov v3;
	[tilespmem:$0x1FF40] =	vst v48;
	v48 =	vadd.f32 v48, v43;
	v1 =	vadd.f32 v44, v41;
	v3 =	vpop (erf)  }
0x9b: {  	[tilespmem:$0x1FE40] =	vst v37;
	(erf) = vpow2.f32 v2;
	v2 =	vadd.f32 v46, v45;
	v0 =	vadd.f32 v3, v0  }
0x9c: {  	v58 =	vld [tilespmem:s30+$0x7000];
	[tilespmem:$0x1FF50] =	vst v61;
	v61 =	vadd.f32 v26, v61;
	v3 =	vadd.f32 v20, v14;
	v5 =	vpop (erf)  }
0x9d: {  	[tilespmem:$0x1FE50] =	vst v15;
	v51 =	vmul.f32 $1.442695020e+00, v57;
	v40 =	vadd.f32 v2, v1;
	v0 =	vadd.f32 v5, v0  }
0x9e: {  	[tilespmem:$0x1FE90] =	vst v21;
	v2 =	vadd.f32 v13, v19;
	v42 =	vadd.f32 v4, v3;
	v1 =	vpop (erf)  }
0x9f: {  	[tilespmem:$0x1FEA0] =	vst v39;
	(erf) = vpow2.f32 v51;
	v3 =	vadd.f32 v15, v37;
	v0 =	vadd.f32 v1, v0  }
0xa0: {  	[tilespmem:$0x1FF10] =	vst v32;
	v32 =	vld [tilespmem:s30+$0x7200];
	v1 =	vadd.f32 v18, v6;
	v18 =	vadd.f32 v7, v59  }
0xa1: {  	[tilespmem:$0x1FF20] =	vst v33;
	v21 =	vmul.f32 $1.442695020e+00, v58;
	v33 =	vld [tilespmem:s30+$0x7180];
	v15 =	vpop (erf);
	v39 =	vadd.f32 v16, v3;
	v3 =	vadd.f32 v50, v31  }
0xa2: {  	[tilespmem:$0x1FEB0] =	vst v59;
	v13 =	vmov v31;
	v59 =	vld [tilespmem:s30+$0x7080];
	v31 =	vadd.f32 v49, v36;
	v0 =	vadd.f32 v15, v0  }
0xa3: {  	[tilespmem:$0x1FE60] =	vst v38;
	(erf) = vpow2.f32 v21;
	v38 =	vadd.f32 v1, v2;
	v37 =	vadd.f32 v18, v17;
	v17 =	vld [tilespmem:$0x1FDF0]  }
0xa4: {  	[tilespmem:$0x1FE20] =	vst v6;
	v2 =	vadd.f32 v30, v12;
	v15 =	vmov v30;
	v30 =	vadd.f32 v35, v34;
	v1 =	vpop (erf)  }
0xa5: {  	[tilespmem:$0x1FF90] =	vst v23;
	v21 =	vmov v60;
	v1 =	vadd.f32 v1, v0;
	v0 =	vadd.f32 v60, v47;
	v60 =	vld [tilespmem:s30+$0x7100]  }
0xa6: {  	[tilespmem:$0x1FFE0] =	vst v8;
	v51 =	vmovc v49;
	v7 =	vmov v47;
	v6 =	vadd.f32 v24, v23;
	v23 =	vadd.f32 v8, v9  }
0xa7: {  	v49 =	vmovc v36;
	v8 =	vadd.f32 v32, v33;
	v18 =	vmovc v34;
	v47 =	vmov v35;
	v35 =	vadd.f32 v30, v3  }
0xa8: {  	[tilespmem:$0x1FE80] =	vst v62;
	v36 =	vadd.f32 v62, v17;
	v62 =	vmul.f32 $1.442695020e+00, v59;
	v34 =	vadd.f32 v2, v0;
	v2 =	vpop (erf)  }
0xa9: {  	v3 =	vadd.f32 v63, v52;
	v30 =	vld [tilespmem:s30+$0x7300];
	v4 =	vadd.f32 v2, v1  }
0xaa: {  	[tilespmem:$0x1FF70] =	vst v11;
	v36 =	vadd.f32 v36, v31;
	(erf) = vpow2.f32 v62;
	v31 =	vld [tilespmem:s30+$0x7280];
	v2 =	vmul.f32 $1.442695020e+00, v60  }
0xab: {  	[tilespmem:$0x1FF80] =	vst v27;
	v62 =	vadd.f32 v27, v11;
	v27 =	vadd.f32 v48, v29;
	v29 =	vld [tilespmem:s30+$0x7380]  }
0xac: {  	[tilespmem:$0x1FFB0] =	vst v28;
	v25 =	vadd.f32 v25, v3;
	v11 =	vadd.f32 v10, v28;
	v28 =	vld [tilespmem:s30+$0x8000];
	(erf) = vpow2.f32 v2  }
0xad: {  	[tilespmem:$0x1FED0] =	vst v63;
	v0 =	vadd.f32 v58, v57;
	v63 =	vpop (erf);
	v48 =	vadd.f32 v54, v53  }
0xae: {  	[tilespmem:$0x1FFA0] =	vst v24;
	v16 =	vadd.f32 v63, v4;
	v4 =	vadd.f32 v56, v55  }
0xaf: {  	[tilespmem:$0x1FFD0] =	vst v9;
	v24 =	vadd.f32 v11, v6;
	v9 =	vadd.f32 v48, v23  }
0xb0: {  	[tilespmem:$0x1FFC0] =	vst v10;
	v6 =	vadd.f32 v60, v59;
	v10 =	vadd.f32 v0, v4  }
0xb1: {  	v48 =	vmul.f32 $1.442695020e+00, v33;
	v1 =	vadd.f32 v30, v31;
	v0 =	vadd.f32 v28, v29  }
0xb2: {  	[tilespmem:$0x1FF60] =	vst v26;
	v26 =	vadd.f32 v62, v61;
	v23 =	vmul.f32 $1.442695020e+00, v32;
	v6 =	vadd.f32 v8, v6  }
0xb3: {  	(erf) = vpow2.f32 v48;
	v8 =	vadd.f32 v0, v1;
	v1 =	vmul.f32 $1.442695020e+00, v31;
	v5 =	vpop (erf)  }
0xb4: {  	v4 =	vadd.f32 v42, v40;
	(erf) = vpow2.f32 v23;
	v16 =	vadd.f32 v5, v16  }
0xb5: {  	v48 =	vmul.f32 $1.442695020e+00, v30;
	v23 =	vadd.f32 v36, v35;
	(erf) = vpow2.f32 v1;
	v1 =	vld [tilespmem:s30+$0x8080];
	v11 =	vpop (erf)  }
0xb6: {  	v5 =	vadd.f32 v39, v38;
	v3 =	vadd.f32 v11, v16;
	v16 =	vld [tilespmem:s30+$0x0]  }
0xb7: {  	v0 =	vadd.f32 v8, v6;
	(erf) = vpow2.f32 v48;
	v11 =	vadd.f32 v34, v37  }
0xb8: {  	[tilespmem:$0x1FF30] =	vst v43;
	v48 =	vmul.f32 $1.442695020e+00, v29;
	v43 =	vadd.f32 v5, v4;
	v5 =	vadd.f32 v27, v25  }
0xb9: {  	v4 =	vmul.f32 $1.442695020e+00, v28;
	v62 =	vadd.f32 v23, v11;
	v11 =	vadd.f32 v24, v26  }
0xba: {  	(erf) = vpow2.f32 v48;
	v48 =	vmul.f32 $1.442695020e+00, v1;
	v23 =	vadd.f32 v10, v9  }
0xbb: {  	[tilespmem:$0x1FEC0] =	vst v52;
	(erf) = vpow2.f32 v4;
	v63 =	vadd.f32 v11, v5;
	v52 =	vadd.f32 v16, v16  }
0xbc: {  	v61 =	vadd.f32 v43, v41;
	(erf) = vpow2.f32 v48;
	v62 =	vadd.f32 v62, v44  }
0xbd: {  	v0 =	vadd.f32 v0, v23;
	v63 =	vadd.f32 v63, v45;
	v4 =	vmul.f32 $1.442695020e+00, v52  }
0xbe: {  	v5 =	vmul.f32 $1.442695020e+00, v61;
	v2 =	vmul.f32 $1.442695020e+00, v62  }
0xbf: {  	v48 =	vadd.f32 v0, v46;
	v0 =	vmul.f32 $1.442695020e+00, v63;
	(erf) = vpow2.f32 v4  }
0xc0: {  	(erf) = vpow2.f32 v5  }
0xc1: {  	(erf) = vpow2.f32 v2;
	v2 =	vmul.f32 $1.442695020e+00, v48  }
0xc2: {  	v43 =	vadd.f32 v1, v14;
	v1 =	vpop (erf);
	(erf) = vpow2.f32 v0  }
0xc3: {  	v0 =	vpop (erf);
	(erf) = vpow2.f32 v2;
	v2 =	vld [tilespmem:$0x1FE00];
	_ =	sdelay $0x1  }
0xc4: {  	v1 =	vadd.f32 v1, v3;
	_ =	sdelay $0x1  }
0xc5: {  	v21 =	vadd.f32 v21, v20;
	v3 =	vmul.f32 $1.442695020e+00, v43  }
0xc6: {  	v0 =	vadd.f32 v0, v1;
	v20 =	vadd.f32 v15, v2;
	v2 =	vld [tilespmem:$0x1FE10]  }
0xc7: {  	v1 =	vpop (erf)  }
0xc8: {  	v0 =	vadd.f32 v1, v0  }
0xc9: {  	(erf) = vpow2.f32 v3;
	v3 =	vpop (erf)  }
0xca: {  	v0 =	vadd.f32 v3, v0  }
0xcb: {  	v1 =	vpop (erf);
	v15 =	vadd.f32 v50, v2;
	v2 =	vld [tilespmem:$0x1FE20]  }
0xcc: {  	v1 =	vadd.f32 v1, v0;
	v0 =	vld [tilespmem:$0x1FE40];
	_ =	sdelay $0x3  }
0xcd: {  	v18 =	vadd.f32 v18, v2;
	v2 =	vld [tilespmem:$0x1FE30]  }
0xce: {  	v22 =	vadd.f32 v12, v22;
	v12 =	vadd.f32 v49, v0;
	v0 =	vld [tilespmem:$0x1FE50]  }
0xcf: {  	v11 =	vld [tilespmem:$0x1FE60];
	v4 =	vpop (erf)  }
0xd0: {  	v3 =	vpop (erf)  }
0xd1: {  	v23 =	vadd.f32 v7, v14;
	v14 =	vpop (erf)  }
0xd2: {  	v19 =	vadd.f32 v13, v19;
	v16 =	vadd.f32 v47, v2;
	v2 =	vpop (erf)  }
0xd3: {  	v1 =	vadd.f32 v4, v1;
	v13 =	vadd.f32 v51, v0;
	v0 =	vpop (erf)  }
0xd4: {  	v11 =	vadd.f32 v17, v11;
	v17 =	vpop (erf)  }
0xd5: {  	v0 =	vadd.f32 v17, v0;
	v17 =	vadd.f32 v3, v1;
	v1 =	vld [tilespmem:$0x1FE90];
	_ =	sdelay $0x4  }
0xd6: {  	v3 =	vadd.f32 v1, v41;
	v1 =	vld [tilespmem:$0x1FEA0];
	_ =	sdelay $0x4  }
0xd7: {  	v51 =	vadd.f32 v1, v44;
	v1 =	vld [tilespmem:$0x1FEB0]  }
0xd8: {  	v2 =	vadd.f32 v14, v2;
	v47 =	vpop (erf)  }
0xd9: {  	v5 =	vpop (erf)  }
0xda: {  	v0 =	vadd.f32 v2, v0;
	v2 =	vadd.f32 v47, v5;
	_ =	sdelay $0x1  }
0xdb: {  	v0 =	vadd.f32 v2, v0;
	v2 =	vadd.f32 v1, v45;
	v1 =	vld [tilespmem:$0x1FEC0];
	_ =	sdelay $0x4  }
0xdc: {  	v3 =	vadd.f32 v1, v3;
	v1 =	vld [tilespmem:$0x1FED0]  }
0xdd: {  	v50 =	vld [tilespmem:$0x1FE80]  }
0xde: {  	v49 =	vld [tilespmem:$0x1FE70];
	_ =	sdelay $0x2  }
0xdf: {  	v4 =	vadd.f32 v1, v51;
	v1 =	vld [tilespmem:$0x1FEE0]  }
0xe0: {  	v6 =	vadd.f32 v6, v26  }
0xe1: {  	v7 =	vadd.f32 v50, v49;
	v49 =	vadd.f32 v35, v38;
	_ =	sdelay $0x1  }
0xe2: {  	v6 =	vadd.f32 v6, v49  }
0xe3: {  	v49 =	vld [tilespmem:$0x1FF10];
	v1 =	vadd.f32 v1, v2;
	v2 =	vadd.f32 v0, v17;
	_ =	sdelay $0x1  }
0xe4: {  	v9 =	vadd.f32 v9, v25;
	v0 =	vadd.f32 v37, v40;
	v47 =	vand.u32 $0x7FFFFF, v2  }
0xe5: {  	v42 =	vadd.f32 v34, v42;
	v10 =	vadd.f32 v10, v27;
	v50 =	vor.u32 $0x3F800000, v47  }
0xe6: {  	v24 =	vadd.f32 v8, v24;
	v0 =	vadd.f32 v9, v0;
	v35 =	vmul.f32 $5.000000000e-01, v50  }
0xe7: {  	v34 =	vld [tilespmem:$0x1FF30];
	v23 =	vadd.f32 v49, v23;
	v51 =	vadd.f32 v10, v42;
	vm0 =	vgt.f32 v50, $1.414213540e+00  }
0xe8: {  	v49 =	vld [tilespmem:$0x1FFC0];
	v37 =	vadd.f32 v36, v39;
	v8 =	vadd.f32 v0, v41;
	v10 =	vsel vm0, v35, v50  }
0xe9: {  	v39 =	vld [tilespmem:$0x1FEF0];
	v0 =	vadd.f32 v51, v44;
	v26 =	vadd.f32 $1.000000000e+00, v10  }
0xea: {  	v24 =	vadd.f32 v24, v37;
	v9 =	vadd.f32 v6, v45;
	v38 =	vmul.f32 $1.442695020e+00, v8  }
0xeb: {  	v36 =	vld [tilespmem:$0x1FF50];
	v40 =	vmul.f32 $1.442695020e+00, v0;
	(erf) = vrcp.f32 v26  }
0xec: {  	v37 =	vld [tilespmem:$0x1FF60];
	v6 =	vadd.f32 v24, v46;
	v42 =	vmul.f32 $1.442695020e+00, v9;
	(erf) = vpow2.f32 v38  }
0xed: {  	v22 =	vadd.f32 v34, v22;
	v7 =	vadd.f32 v49, v7;
	v47 =	vld [tilespmem:$0x1FF00];
	(erf) = vpow2.f32 v40  }
0xee: {  	v25 =	vadd.f32 v39, v46;
	v39 =	vld [tilespmem:$0x1FF80];
	v51 =	vmul.f32 $1.442695020e+00, v6;
	(erf) = vpow2.f32 v42  }
0xef: {  	v22 =	vadd.f32 v57, v22;
	v23 =	vadd.f32 v55, v23;
	v50 =	vld [tilespmem:$0x1FF20]  }
0xf0: {  	v7 =	vadd.f32 v28, v7;
	v1 =	vadd.f32 v53, v1;
	v35 =	vld [tilespmem:$0x1FF40];
	(erf) = vpow2.f32 v51  }
0xf1: {  	v19 =	vadd.f32 v36, v19;
	v15 =	vadd.f32 v37, v15  }
0xf2: {  	v1 =	vadd.f32 v22, v1;
	v25 =	vadd.f32 v47, v25;
	v47 =	vld [tilespmem:$0x1FFB0]  }
0xf3: {  	v19 =	vadd.f32 v59, v19;
	v15 =	vadd.f32 v60, v15  }
0xf4: {  	v38 =	vld [tilespmem:$0x1FF70];
	v16 =	vadd.f32 v39, v16;
	v21 =	vadd.f32 v50, v21;
	v24 =	vpop (erf)  }
0xf5: {  	v25 =	vadd.f32 v54, v25;
	v20 =	vadd.f32 v35, v20;
	v54 =	vpop (erf)  }
0xf6: {  	v40 =	vld [tilespmem:$0x1FF90];
	v16 =	vadd.f32 v32, v16;
	v21 =	vadd.f32 v56, v21;
	v56 =	vpop (erf)  }
0xf7: {  	v50 =	vld [tilespmem:$0x1FFD0];
	v11 =	vadd.f32 v47, v11;
	v20 =	vadd.f32 v58, v20;
	v58 =	vpop (erf)  }
0xf8: {  	v42 =	vld [tilespmem:$0x1FFA0];
	v26 =	vadd.f32 v14, v54;
	v27 =	vadd.f32 v58, v56  }
0xf9: {  	v7 =	vadd.f32 v7, v16;
	v18 =	vadd.f32 v38, v18;
	v36 =	vpop (erf)  }
0xfa: {  	v51 =	vld [tilespmem:$0x1FFE0];
	v37 =	vadd.f32 v36, v5;
	v26 =	vadd.f32 v26, v27  }
0xfb: {  	v11 =	vadd.f32 v29, v11;
	v12 =	vadd.f32 v40, v12  }
0xfc: {  	v3 =	vadd.f32 v50, v3;
	v26 =	vadd.f32 v37, v26  }
0xfd: {  	v13 =	vadd.f32 v42, v13;
	v18 =	vadd.f32 v33, v18  }
0xfe: {  	v12 =	vadd.f32 v31, v12;
	v26 =	vadd.f32 v26, v17  }
0xff: {  	v4 =	vadd.f32 v51, v4;
	v13 =	vadd.f32 v30, v13  }
0x100: {  	v3 =	vadd.f32 v23, v3;
	v12 =	vadd.f32 v12, v19;
	v38 =	vand.u32 $0x7FFFFF, v26  }
0x101: {  	v4 =	vadd.f32 v21, v4;
	v13 =	vadd.f32 v13, v15;
	v15 =	vor.u32 $0x3F800000, v38  }
0x102: {  	v11 =	vadd.f32 v11, v18;
	v3 =	vadd.f32 v12, v3;
	v39 =	vmul.f32 $5.000000000e-01, v15  }
0x103: {  	v40 =	vadd.f32 v20, v25;
	v4 =	vadd.f32 v13, v4;
	vm1 =	vgt.f32 v15, $1.414213540e+00  }
0x104: {  	v1 =	vadd.f32 v11, v1;
	v3 =	vadd.f32 v3, v41;
	v12 =	vsel vm1, v39, v15  }
0x105: {  	v4 =	vadd.f32 v4, v44;
	v42 =	vadd.f32 $1.000000000e+00, v12  }
0x106: {  	v7 =	vadd.f32 v7, v40;
	v1 =	vadd.f32 v1, v45;
	v47 =	vmul.f32 $1.442695020e+00, v3  }
0x107: {  	v49 =	vmul.f32 $1.442695020e+00, v4;
	(erf) = vrcp.f32 v42  }
0x108: {  	v7 =	vadd.f32 v7, v46;
	v50 =	vmul.f32 $1.442695020e+00, v1;
	(erf) = vpow2.f32 v47  }
0x109: {  	(erf) = vpow2.f32 v49  }
0x10a: {  	v51 =	vmul.f32 $1.442695020e+00, v7;
	(erf) = vpow2.f32 v50;
	_ =	sdelay $0x1  }
0x10b: {  	(erf) = vpow2.f32 v51;
	_ =	sdelay $0x2  }
0x10c: {  	s19 =	sshrl.u32 s19, $0x2  }
0x10d: {  	s18 =	sor.u32 s18, s19;
	v54 =	vpop (erf)  }
0x10e: {  	v53 =	vld [tilespmem:s18+$0x12000];
	v55 =	vpop (erf)  }
0x10f: {  	v56 =	vpop (erf)  }
0x110: {  	v2 =	vshra.s32 v2, $0x17;
	v57 =	vpop (erf)  }
0x111: {  	v2 =	vadd.s32 $0xFFFFFF81, v2;
	v14 =	vadd.f32 v14, v55;
	v59 =	vadd.f32 v57, v56  }
0x112: {  	v2 =	vcvt.s32.f32 v2;
	v10 =	vadd.f32 $-1.000000000e+00, v10;
	v27 =	vpop (erf)  }
0x113: {  	vm2 =	veq.s32 v53, $0x0;
	v5 =	vadd.f32 v27, v5;
	v14 =	vadd.f32 v59, v14  }
0x114: {  	vm4 =	veq.s32 v53, $0x41;
	v10 =	vmul.f32 v24, v10;
	v58 =	vadd.s32 $0xFFFFFFFF, v53  }
0x115: {  	v60 =	vshra.s32 v58, $0x4;
	v25 =	vshrl.u32 v58, $0x2;
	v5 =	vadd.f32 v5, v14  }
0x116: {  	v36 =	vimm.f32 $0.0e+00;
	v19 =	vand.u32 $0x3, v58;
	v28 =	vadd.s32 $0x1, v60  }
0x117: {  	v29 =	vand.u32 $0x3, v25;
	vm11 =	veq.s32 v60, $0x0;
	v5 =	vadd.f32 v5, v17  }
0x118: {  	v41 =	vsel vm0, $0x3F800000, v36;
	vm3 =	veq.s32 v28, $0x0;
	v31 =	vnsel vm11, $0x0, v61  }
0x119: {  	vm12 =	veq.s32 v28, $0x2;
	vm13 =	veq.s32 v28, $0x3;
	v35 =	vand.u32 $0x7FFFFF, v5  }
0x11a: {  	vm14 =	veq.s32 v28, $0x4;
	vm15 =	veq.s32 v28, $0x5;
	v20 =	vor.u32 $0x3F800000, v35  }
0x11b: {  	v2 =	vadd.f32 v2, v41;
	v30 =	vnsel vm3, $0x0, v52;
	v37 =	vmul.f32 $5.000000000e-01, v20  }
0x11c: {  	v32 =	vnsel vm12, $0x0, v62;
	v33 =	vnsel vm13, $0x0, v63;
	vm3 =	vgt.f32 v20, $1.414213540e+00  }
0x11d: {  	v34 =	vnsel vm14, $0x0, v48;
	v21 =	vnsel vm15, $0x0, v43;
	v16 =	vsel vm3, v37, v20  }
0x11e: {  	v11 =	vadd.f32 v30, v31;
	v15 =	vadd.s32 $0x1, v29;
	v40 =	vadd.f32 $1.000000000e+00, v16  }
0x11f: {  	v2 =	vmul.f32 $6.931471820e-01, v2;
	v38 =	vmul.f32 v10, v10;
	v15 =	vsel vm4, $0x5, v15  }
0x120: {  	v46 =	vsel vm1, $0x3F800000, v36;
	v15 =	vsel vm2, $0x0, v15;
	(erf) = vrcp.f32 v40  }
0x121: {  	v12 =	vadd.f32 $-1.000000000e+00, v12;
	vm6 =	veq.s32 v15, $0x1;
	vm7 =	veq.s32 v15, $0x2  }
0x122: {  	vm8 =	veq.s32 v15, $0x3;
	vm9 =	veq.s32 v15, $0x4;
	vm10 =	veq.s32 v15, $0x5  }
0x123: {  	v8 =	vnsel vm6, $0x0, v8;
	v0 =	vnsel vm7, $0x0, v0;
	v9 =	vnsel vm8, $0x0, v9  }
0x124: {  	v0 =	vadd.f32 v9, v0;
	v50 =	vnsel vm2, $0x0, v52;
	v51 =	vshra.s32 v26, $0x17  }
0x125: {  	v8 =	vadd.f32 v50, v8;
	v52 =	vadd.s32 $0xFFFFFF81, v51;
	v12 =	vmul.f32 v54, v12  }
0x126: {  	v6 =	vnsel vm9, $0x0, v6;
	v15 =	vnsel vm10, $0x0, v43;
	v9 =	vcvt.s32.f32 v52  }
0x127: {  	v6 =	vadd.f32 v6, v15;
	v0 =	vadd.f32 v8, v0;
	v44 =	vmul.f32 v12, v12  }
0x128: {  	v39 =	vmul.f32 $2.857142980e-01, v38;
	v9 =	vadd.f32 v9, v46;
	v16 =	vadd.f32 $-1.000000000e+00, v16  }
0x129: {  	v0 =	vadd.f32 v6, v0;
	v56 =	vadd.s32 $0x1, v19;
	v45 =	vmul.f32 $2.857142980e-01, v44;
	v49 =	vpop (erf)  }
0x12a: {  	v57 =	vsel vm4, $0x5, v56;
	v20 =	vadd.f32 $4.000000060e-01, v39;
	v16 =	vmul.f32 v49, v16  }
0x12b: {  	v9 =	vmul.f32 $6.931471820e-01, v9;
	v6 =	vsel vm2, $0x0, v57;
	v47 =	vadd.f32 $4.000000060e-01, v45  }
0x12c: {  	vm11 =	veq.s32 v6, $0x1;
	v42 =	vmul.f32 v20, v38;
	v53 =	vmul.f32 v16, v16  }
0x12d: {  	vm12 =	veq.s32 v6, $0x2;
	vm13 =	veq.s32 v6, $0x3;
	v14 =	vadd.f32 v33, v32  }
0x12e: {  	vm14 =	veq.s32 v6, $0x4;
	v13 =	vadd.f32 $6.666666270e-01, v42;
	v55 =	vmul.f32 $2.857142980e-01, v53  }
0x12f: {  	v48 =	vmul.f32 v47, v44;
	v17 =	vadd.f32 v34, v21;
	v11 =	vadd.f32 v11, v14  }
0x130: {  	vm15 =	veq.s32 v6, $0x5;
	v13 =	vmul.f32 v13, v38;
	v8 =	vadd.f32 $4.000000060e-01, v55  }
0x131: {  	v3 =	vnsel vm11, $0x0, v3;
	v11 =	vadd.f32 v17, v11;
	v17 =	vadd.f32 $6.666666270e-01, v48  }
0x132: {  	v5 =	vshra.s32 v5, $0x17;
	v13 =	vadd.f32 $2.000000000e+00, v13;
	v8 =	vmul.f32 v8, v53  }
0x133: {  	v4 =	vnsel vm12, $0x0, v4;
	v1 =	vnsel vm13, $0x0, v1;
	v5 =	vadd.s32 $0xFFFFFF81, v5  }
0x134: {  	v54 =	vmul.f32 v17, v44;
	v10 =	vmul.f32 v13, v10;
	v8 =	vadd.f32 $6.666666270e-01, v8  }
0x135: {  	v7 =	vnsel vm14, $0x0, v7;
	v60 =	vnsel vm15, $0x0, v43;
	v5 =	vcvt.s32.f32 v5  }
0x136: {  	v2 =	vadd.f32 v10, v2;
	v10 =	vadd.f32 $2.000000000e+00, v54;
	v58 =	vmul.f32 v8, v53  }
0x137: {  	v3 =	vadd.f32 v50, v3;
	v1 =	vadd.f32 v1, v4;
	v59 =	vsel vm3, $0x3F800000, v36  }
0x138: {  	v4 =	vadd.f32 v5, v59;
	v10 =	vmul.f32 v10, v12;
	v61 =	vadd.f32 $2.000000000e+00, v58  }
0x139: {  	v7 =	vadd.f32 v7, v60;
	v1 =	vadd.f32 v1, v3  }
0x13a: {  	v3 =	vmul.f32 $6.931471820e-01, v4;
	v62 =	vadd.f32 v10, v9;
	v63 =	vmul.f32 v61, v16  }
0x13b: {  	v1 =	vadd.f32 v7, v1;
	v2 =	vsub.f32 v2, v11  }
0x13c: {  	v0 =	vsub.f32 v62, v0;
	v3 =	vadd.f32 v63, v3;
	_ =	sdelay $0x1  }
0x13d: {  	v0 =	vadd.f32 v0, v2;
	v1 =	vsub.f32 v3, v1;
	_ =	sdelay $0x1  }
0x13e: {  	v0 =	vadd.f32 v0, v1;
	v1 =	vld [tilespmem:$0x1FFF0];
	_ =	sdelay $0x4  }
0x13f: {  	v1 =	vadd.f32 v0, v1;
	_ =	sdelay $0x1  }
0x140: {  	[tilespmem:$0x1FFF0] =	vst v1  }
0x141: {  	p0 =	sne.s32 s17, $0xF80;
	v0 =	vld [tilespmem:$0x1FFF0]  }
.Ltmp0:
0x142: {  	_ = 	snop;
	(pc) =	sbr.rel @p0 .LBB2_3-.Ltmp0, $2  }
0x143: {  	_ =	sdelay $0x2  }
0x144: {  	s16 =	sadd.s32 $0x10, s16;
	s17 =	sadd.s32 $0x80, s17;
	[tilespmem:$0x12400] =	vst v0  }
0x145: {  	p0 =	seq.s32 s1, $0x7  }
0x146: {  	s16 =	sshll.u32 @!p0 s1, $0x1  }
0x147: {  	s16 =	sadd.s32 @!p0 $0x2, s16  }
0x148: {  	s17 =	sshrl.u32 @!p0 s16, $0x2  }
0x149: {  	s17 =	sadd.s32 @!p0 s5, s17  }
0x14a: {  	s16 =	sshll.u32 @!p0 s16, $0xC;
	s18 =	smul.u32 @!p0 $0x24000, s17  }
0x14b: {  	s16 =	sand.u32 @!p0 $0x2000, s16  }
0x14c: {  	s18 =	sor.u32 @!p0 s16, s18  }
0x14d: {  	s19 =	simm.s32 @!p0 $0x1000;
	s18 =	sshrl.u32 @!p0 s18, $0x3  }
0x14e: {  	s30 =	simm.s32 @!p0 $0x4000;
	s6 =	simm.s32 @!p0 $0x0;
	s18 =	sadd.s32 @!p0 s4, s18  }
0x14f: {  	[tilespmem:s6], [sflag:$0x1] =	stream.strided.gather @!p0 [hbm4b:s18+s19], $0x9000, s30, s19, $0x38;
	[tilespmem:$0x12480] =	vst v63  }
0x150: {  	s18 =	sshll.u32 @!p0 s17, $0xB;
	s17 =	sshll.u32 @!p0 s17, $0x7  }
0x151: {  	s18 =	sand.u32 @!p0 $0x7FFFC000, s18;
	s17 =	sand.u32 @!p0 $0x380, s17  }
0x152: {  	s17 =	sor.u32 @!p0 s18, s17  }
0x153: {  	s16 =	sor.u32 @!p0 s16, s17  }
0x154: {  	s16 =	sshrl.u32 @!p0 s16, $0x3  }
0x155: {  	s17 =	simm.s32 @!p0 $0x12000;
	s16 =	sadd.s32 @!p0 s2, s16  }
0x156: {  	[tilespmem:s17], [sflag:$0x3] =	stream.linear.gather @!p0 [hbm4b:s16+s6], $0x80, $0x38;
	[tilespmem:$0x12480] =	vst v63  }
0x157: {  	s18 =	simm.s32 @!p0 $0x12100;
	s17 =	sadd.s32 @!p0 $0x80, s16  }
0x158: {  	[tilespmem:s18], [sflag:$0x3] =	stream.linear.gather @!p0 [hbm4b:s17+s6], $0x80, $0x38;
	[tilespmem:$0x12480] =	vst v63  }
0x159: {  	s17 =	sadd.s32 @!p0 $0x100, s16;
	s18 =	simm.s32 @!p0 $0x12200  }
0x15a: {  	[tilespmem:s18], [sflag:$0x3] =	stream.linear.gather @!p0 [hbm4b:s17+s6], $0x80, $0x38;
	[tilespmem:$0x12480] =	vst v63  }
0x15b: {  	s16 =	sadd.s32 @!p0 $0x180, s16;
	s17 =	simm.s32 @!p0 $0x12300  }
0x15c: {  	[tilespmem:s17], [sflag:$0x3] =	stream.linear.gather @!p0 [hbm4b:s16+s6], $0x80, $0x38;
	[tilespmem:$0x12480] =	vst v63  }
0x15d: {  	_ =	swait.ge [sflag:s28], $0x9000  }
0x15e: {  	[sflag:s28] =	ssyncset.done $0x0  }
0x15f: {  	[sflag:s28] =	ssyncadd.s32 $0xFFFF7000  }
0x160: {  	_ =	swait.ge [sflag:s29], $0x200  }
0x161: {  	[sflag:s29] =	ssyncset.done $0x0  }
0x162: {  	[sflag:s29] =	ssyncadd.s32 $0xFFFFFE00  }
0x163: {  	s16 =	simm.s32 $0x0;
	s17 =	simm.s32 $0x0;
	v0 =	vld [tilespmem:$0x12400]  }
.LBB2_5:
0x164: {  	s18 =	sand.u32 $0x70, s16;
	s19 =	sand.u32 $0xC00, s17  }
0x165: {  	s30 =	sor.u32 s18, s19  }
0x166: {  	v20 =	vld [tilespmem:s30+$0x9300]  }
0x167: {  	v22 =	vld [tilespmem:s30+$0x9380]  }
0x168: {  	v17 =	vld [tilespmem:s30+$0xA000];
	_ =	sdelay $0x1  }
0x169: {  	v19 =	vld [tilespmem:s30+$0xA080]  }
0x16a: {  	[tilespmem:$0x1FDE0] =	vst v0;
	v0 =	vmul.f32 $1.442695020e+00, v20  }
0x16b: {  	v13 =	vld [tilespmem:s30+$0xA100];
	v1 =	vmul.f32 $1.442695020e+00, v22  }
0x16c: {  	(erf) = vpow2.f32 v0;
	v0 =	vmul.f32 $1.442695020e+00, v17  }
0x16d: {  	v6 =	vld [tilespmem:s30+$0xA180];
	(erf) = vpow2.f32 v1  }
0x16e: {  	(erf) = vpow2.f32 v0;
	v0 =	vmul.f32 $1.442695020e+00, v19  }
0x16f: {  	v18 =	vld [tilespmem:s30+$0xA200]  }
0x170: {  	(erf) = vpow2.f32 v0;
	v0 =	vmul.f32 $1.442695020e+00, v13  }
0x171: {  	v37 =	vld [tilespmem:s30+$0xA280]  }
0x172: {  	(erf) = vpow2.f32 v0;
	v0 =	vmul.f32 $1.442695020e+00, v6  }
0x173: {  	v15 =	vld [tilespmem:s30+$0xA300]  }
0x174: {  	(erf) = vpow2.f32 v0;
	v0 =	vmul.f32 $1.442695020e+00, v18  }
0x175: {  	v38 =	vld [tilespmem:s30+$0xA380];
	v1 =	vpop (erf)  }
0x176: {  	v2 =	vpop (erf);
	(erf) = vpow2.f32 v0;
	v0 =	vmul.f32 $1.442695020e+00, v37  }
0x177: {  	v16 =	vld [tilespmem:s30+$0xB000];
	v1 =	vadd.f32 v2, v1  }
0x178: {  	v2 =	vpop (erf);
	(erf) = vpow2.f32 v0;
	v0 =	vmul.f32 $1.442695020e+00, v15  }
0x179: {  	v21 =	vld [tilespmem:s30+$0xB080];
	v1 =	vadd.f32 v2, v1  }
0x17a: {  	v2 =	vpop (erf);
	(erf) = vpow2.f32 v0;
	v0 =	vmul.f32 $1.442695020e+00, v38  }
0x17b: {  	v39 =	vld [tilespmem:s30+$0xB100];
	v1 =	vadd.f32 v2, v1  }
0x17c: {  	v2 =	vpop (erf);
	(erf) = vpow2.f32 v0;
	v0 =	vmul.f32 $1.442695020e+00, v16  }
0x17d: {  	v59 =	vld [tilespmem:s30+$0xB180];
	v1 =	vadd.f32 v2, v1  }
0x17e: {  	v2 =	vpop (erf);
	(erf) = vpow2.f32 v0;
	v0 =	vmul.f32 $1.442695020e+00, v21  }
0x17f: {  	v3 =	vld [tilespmem:s30+$0xB200];
	v1 =	vadd.f32 v2, v1  }
0x180: {  	v2 =	vpop (erf);
	(erf) = vpow2.f32 v0;
	v0 =	vmul.f32 $1.442695020e+00, v39  }
0x181: {  	v47 =	vld [tilespmem:s30+$0xB280];
	v1 =	vadd.f32 v2, v1  }
0x182: {  	v2 =	vpop (erf);
	(erf) = vpow2.f32 v0;
	v0 =	vmul.f32 $1.442695020e+00, v59  }
0x183: {  	v60 =	vld [tilespmem:s30+$0xB300];
	v1 =	vadd.f32 v2, v1  }
0x184: {  	v2 =	vpop (erf);
	(erf) = vpow2.f32 v0;
	v0 =	vmul.f32 $1.442695020e+00, v3  }
0x185: {  	v12 =	vld [tilespmem:s30+$0xB380];
	v1 =	vadd.f32 v2, v1  }
0x186: {  	v2 =	vpop (erf);
	(erf) = vpow2.f32 v0;
	v0 =	vmul.f32 $1.442695020e+00, v47  }
0x187: {  	v30 =	vld [tilespmem:s30+$0xC000];
	v1 =	vadd.f32 v2, v1  }
0x188: {  	v2 =	vpop (erf);
	(erf) = vpow2.f32 v0;
	v0 =	vmul.f32 $1.442695020e+00, v60  }
0x189: {  	v31 =	vld [tilespmem:s30+$0xC080];
	v1 =	vadd.f32 v2, v1  }
0x18a: {  	v2 =	vpop (erf);
	(erf) = vpow2.f32 v0;
	v0 =	vmul.f32 $1.442695020e+00, v12  }
0x18b: {  	v50 =	vld [tilespmem:s30+$0xC100];
	v1 =	vadd.f32 v2, v1  }
0x18c: {  	v2 =	vpop (erf);
	(erf) = vpow2.f32 v0;
	v0 =	vmul.f32 $1.442695020e+00, v30  }
0x18d: {  	v34 =	vld [tilespmem:s30+$0xC180];
	v1 =	vadd.f32 v2, v1  }
0x18e: {  	v2 =	vpop (erf);
	(erf) = vpow2.f32 v0;
	v0 =	vmul.f32 $1.442695020e+00, v31  }
0x18f: {  	v35 =	vld [tilespmem:s30+$0xC200];
	v1 =	vadd.f32 v2, v1  }
0x190: {  	v2 =	vpop (erf);
	(erf) = vpow2.f32 v0;
	v0 =	vmul.f32 $1.442695020e+00, v50  }
0x191: {  	v36 =	vld [tilespmem:s30+$0xC280];
	v1 =	vadd.f32 v2, v1  }
0x192: {  	v2 =	vpop (erf);
	(erf) = vpow2.f32 v0;
	v0 =	vmul.f32 $1.442695020e+00, v34  }
0x193: {  	v49 =	vld [tilespmem:s30+$0xC300];
	v1 =	vadd.f32 v2, v1  }
0x194: {  	v2 =	vpop (erf);
	(erf) = vpow2.f32 v0;
	v0 =	vmul.f32 $1.442695020e+00, v35  }
0x195: {  	v8 =	vld [tilespmem:s30+$0xC380];
	v1 =	vadd.f32 v2, v1  }
0x196: {  	v2 =	vpop (erf);
	(erf) = vpow2.f32 v0;
	v0 =	vmul.f32 $1.442695020e+00, v36  }
0x197: {  	v62 =	vld [tilespmem:s30+$0xD000];
	v1 =	vadd.f32 v2, v1  }
0x198: {  	v2 =	vpop (erf);
	(erf) = vpow2.f32 v0;
	v0 =	vmul.f32 $1.442695020e+00, v49  }
0x199: {  	v52 =	vld [tilespmem:s30+$0xD080];
	v1 =	vadd.f32 v2, v1  }
0x19a: {  	v2 =	vpop (erf);
	(erf) = vpow2.f32 v0;
	v0 =	vmul.f32 $1.442695020e+00, v8  }
0x19b: {  	v63 =	vld [tilespmem:s30+$0xD100];
	v1 =	vadd.f32 v2, v1  }
0x19c: {  	v2 =	vpop (erf);
	(erf) = vpow2.f32 v0;
	v0 =	vmul.f32 $1.442695020e+00, v62  }
0x19d: {  	v25 =	vld [tilespmem:s30+$0xD180];
	v1 =	vadd.f32 v2, v1  }
0x19e: {  	v2 =	vpop (erf);
	(erf) = vpow2.f32 v0;
	v0 =	vmul.f32 $1.442695020e+00, v52  }
0x19f: {  	v29 =	vld [tilespmem:s30+$0xD200];
	v1 =	vadd.f32 v2, v1  }
0x1a0: {  	v2 =	vpop (erf);
	(erf) = vpow2.f32 v0;
	v0 =	vmul.f32 $1.442695020e+00, v63  }
0x1a1: {  	v32 =	vld [tilespmem:s30+$0xD280];
	v1 =	vadd.f32 v2, v1  }
0x1a2: {  	v2 =	vpop (erf);
	(erf) = vpow2.f32 v0;
	v0 =	vmul.f32 $1.442695020e+00, v25  }
0x1a3: {  	v33 =	vld [tilespmem:s30+$0xD300];
	v1 =	vadd.f32 v2, v1  }
0x1a4: {  	v2 =	vpop (erf);
	(erf) = vpow2.f32 v0;
	v0 =	vmul.f32 $1.442695020e+00, v29  }
0x1a5: {  	v43 =	vld [tilespmem:s30+$0xD380];
	v1 =	vadd.f32 v2, v1  }
0x1a6: {  	v2 =	vpop (erf);
	(erf) = vpow2.f32 v0;
	v0 =	vmul.f32 $1.442695020e+00, v32  }
0x1a7: {  	v48 =	vld [tilespmem:s30+$0xE000];
	v1 =	vadd.f32 v2, v1  }
0x1a8: {  	v2 =	vpop (erf);
	(erf) = vpow2.f32 v0;
	v0 =	vmul.f32 $1.442695020e+00, v33  }
0x1a9: {  	v61 =	vld [tilespmem:s30+$0xE080];
	v1 =	vadd.f32 v2, v1  }
0x1aa: {  	v2 =	vpop (erf);
	(erf) = vpow2.f32 v0;
	v0 =	vmul.f32 $1.442695020e+00, v43  }
0x1ab: {  	v26 =	vld [tilespmem:s30+$0xE100];
	v1 =	vadd.f32 v2, v1  }
0x1ac: {  	v2 =	vpop (erf);
	(erf) = vpow2.f32 v0;
	v0 =	vmul.f32 $1.442695020e+00, v48  }
0x1ad: {  	v11 =	vld [tilespmem:s30+$0xE180];
	v1 =	vadd.f32 v2, v1  }
0x1ae: {  	v2 =	vpop (erf);
	(erf) = vpow2.f32 v0;
	v0 =	vmul.f32 $1.442695020e+00, v61  }
0x1af: {  	v27 =	vld [tilespmem:s30+$0xE200];
	v1 =	vadd.f32 v2, v1  }
0x1b0: {  	v2 =	vpop (erf);
	(erf) = vpow2.f32 v0;
	v0 =	vmul.f32 $1.442695020e+00, v26  }
0x1b1: {  	v23 =	vld [tilespmem:s30+$0xE280];
	v1 =	vadd.f32 v2, v1  }
0x1b2: {  	v2 =	vpop (erf);
	(erf) = vpow2.f32 v0;
	v0 =	vmul.f32 $1.442695020e+00, v11  }
0x1b3: {  	v24 =	vld [tilespmem:s30+$0xE300];
	v1 =	vadd.f32 v2, v1  }
0x1b4: {  	v2 =	vpop (erf);
	(erf) = vpow2.f32 v0;
	v0 =	vmul.f32 $1.442695020e+00, v27  }
0x1b5: {  	v28 =	vld [tilespmem:s30+$0xE380];
	v1 =	vadd.f32 v2, v1  }
0x1b6: {  	v2 =	vpop (erf);
	(erf) = vpow2.f32 v0;
	v0 =	vmul.f32 $1.442695020e+00, v23  }
0x1b7: {  	v10 =	vld [tilespmem:s30+$0xF000];
	v1 =	vadd.f32 v2, v1  }
0x1b8: {  	v2 =	vpop (erf);
	(erf) = vpow2.f32 v0;
	v0 =	vmul.f32 $1.442695020e+00, v24  }
0x1b9: {  	v9 =	vld [tilespmem:s30+$0xF080];
	v1 =	vadd.f32 v2, v1  }
0x1ba: {  	v2 =	vpop (erf);
	(erf) = vpow2.f32 v0;
	v0 =	vmul.f32 $1.442695020e+00, v28  }
0x1bb: {  	[tilespmem:$0x1FBE0] =	vst v8;
	v8 =	vld [tilespmem:s30+$0xF100];
	v1 =	vadd.f32 v2, v1  }
0x1bc: {  	v2 =	vpop (erf);
	(erf) = vpow2.f32 v0;
	v0 =	vmul.f32 $1.442695020e+00, v10  }
0x1bd: {  	v53 =	vld [tilespmem:s30+$0xF180];
	v1 =	vadd.f32 v2, v1  }
0x1be: {  	v2 =	vpop (erf);
	(erf) = vpow2.f32 v0;
	v0 =	vmul.f32 $1.442695020e+00, v9  }
0x1bf: {  	v54 =	vld [tilespmem:s30+$0xF200];
	v1 =	vadd.f32 v2, v1  }
0x1c0: {  	v2 =	vpop (erf);
	(erf) = vpow2.f32 v0;
	v0 =	vmul.f32 $1.442695020e+00, v8  }
0x1c1: {  	v55 =	vld [tilespmem:s30+$0xF280];
	v1 =	vadd.f32 v2, v1  }
0x1c2: {  	v2 =	vpop (erf);
	(erf) = vpow2.f32 v0;
	v0 =	vmul.f32 $1.442695020e+00, v53  }
0x1c3: {  	v41 =	vld [tilespmem:s30+$0x9080];
	v1 =	vadd.f32 v2, v1  }
0x1c4: {  	v56 =	vld [tilespmem:s30+$0xF300];
	v2 =	vpop (erf);
	(erf) = vpow2.f32 v0;
	v0 =	vmul.f32 $1.442695020e+00, v54  }
0x1c5: {  	v44 =	vld [tilespmem:s30+$0x9100];
	[tilespmem:$0x1FBF0] =	vst v17;
	v1 =	vadd.f32 v2, v1  }
0x1c6: {  	v45 =	vld [tilespmem:s30+$0x9180];
	[tilespmem:$0x1FC00] =	vst v13;
	v2 =	vpop (erf);
	(erf) = vpow2.f32 v0;
	v0 =	vmul.f32 $1.442695020e+00, v55  }
0x1c7: {  	v46 =	vld [tilespmem:s30+$0x9200];
	[tilespmem:$0x1FC10] =	vst v6;
	v1 =	vadd.f32 v2, v1  }
0x1c8: {  	[tilespmem:$0x1FC20] =	vst v18;
	v4 =	vadd.f32 v17, v22;
	v2 =	vpop (erf)  }
0x1c9: {  	v14 =	vld [tilespmem:s30+$0x9280];
	[tilespmem:$0x1FC30] =	vst v37;
	v17 =	vadd.f32 v39, v21;
	v1 =	vadd.f32 v2, v1  }
0x1ca: {  	[tilespmem:$0x1FC60] =	vst v16;
	v16 =	vadd.f32 v16, v38;
	(erf) = vpow2.f32 v0;
	v2 =	vmul.f32 $1.442695020e+00, v56;
	v0 =	vpop (erf)  }
0x1cb: {  	v57 =	vld [tilespmem:s30+$0xF380];
	v7 =	vmov v3;
	[tilespmem:$0x1FD30] =	vst v48;
	v48 =	vadd.f32 v48, v43;
	v0 =	vadd.f32 v0, v1  }
0x1cc: {  	v58 =	vld [tilespmem:s30+$0x10000];
	[tilespmem:$0x1FCE0] =	vst v3;
	v1 =	vadd.f32 v44, v41;
	v3 =	vpop (erf);
	(erf) = vpow2.f32 v2;
	v2 =	vadd.f32 v46, v45  }
0x1cd: {  	[tilespmem:$0x1FD40] =	vst v61;
	v61 =	vadd.f32 v26, v61;
	v0 =	vadd.f32 v3, v0  }
0x1ce: {  	[tilespmem:$0x1FC40] =	vst v15;
	v3 =	vadd.f32 v20, v14;
	v5 =	vpop (erf);
	v40 =	vadd.f32 v2, v1  }
0x1cf: {  	[tilespmem:$0x1FC50] =	vst v38;
	v2 =	vadd.f32 v13, v19;
	v0 =	vadd.f32 v5, v0  }
0x1d0: {  	[tilespmem:$0x1FC80] =	vst v21;
	v51 =	vmul.f32 $1.442695020e+00, v57;
	v42 =	vadd.f32 v4, v3;
	v1 =	vpop (erf);
	v3 =	vadd.f32 v15, v37  }
0x1d1: {  	[tilespmem:$0x1FC90] =	vst v39;
	v21 =	vmul.f32 $1.442695020e+00, v58;
	v0 =	vadd.f32 v1, v0;
	v1 =	vadd.f32 v18, v6  }
0x1d2: {  	[tilespmem:$0x1FCA0] =	vst v59;
	(erf) = vpow2.f32 v51;
	v18 =	vadd.f32 v7, v59;
	v39 =	vadd.f32 v16, v3  }
0x1d3: {  	[tilespmem:$0x1FC70] =	vst v62;
	v13 =	vmov v31;
	v15 =	vpop (erf);
	v3 =	vadd.f32 v50, v31;
	v31 =	vadd.f32 v49, v36  }
0x1d4: {  	[tilespmem:$0x1FCC0] =	vst v63;
	v59 =	vld [tilespmem:s30+$0x10080];
	v6 =	vadd.f32 v24, v23;
	v0 =	vadd.f32 v15, v0  }
0x1d5: {  	[tilespmem:$0x1FCF0] =	vst v29;
	(erf) = vpow2.f32 v21;
	v38 =	vadd.f32 v1, v2;
	v37 =	vadd.f32 v18, v17;
	v17 =	vld [tilespmem:$0x1FBE0]  }
0x1d6: {  	[tilespmem:$0x1FD00] =	vst v32;
	v2 =	vadd.f32 v30, v12;
	v15 =	vmov v30;
	v30 =	vadd.f32 v35, v34;
	v1 =	vpop (erf)  }
0x1d7: {  	[tilespmem:$0x1FD10] =	vst v33;
	v1 =	vadd.f32 v1, v0;
	v0 =	vadd.f32 v60, v47  }
0x1d8: {  	v21 =	vmovc v60;
	v7 =	vmovc v47;
	v60 =	vld [tilespmem:s30+$0x10100];
	v47 =	vmov v35;
	v35 =	vadd.f32 v30, v3;
	v3 =	vadd.f32 v63, v52  }
0x1d9: {  	[tilespmem:$0x1FD80] =	vst v23;
	v63 =	vadd.f32 v29, v25;
	v29 =	vadd.f32 v33, v32;
	v33 =	vld [tilespmem:s30+$0x10180]  }
0x1da: {  	v51 =	vmovc v49;
	v49 =	vmovc v36;
	v23 =	vadd.f32 v8, v9;
	v32 =	vld [tilespmem:s30+$0x10200];
	v36 =	vadd.f32 v62, v17;
	v62 =	vmul.f32 $1.442695020e+00, v59  }
0x1db: {  	[tilespmem:$0x1FCD0] =	vst v25;
	v18 =	vmov v34;
	v30 =	vld [tilespmem:s30+$0x10300];
	v34 =	vadd.f32 v2, v0;
	v2 =	vpop (erf);
	v25 =	vadd.f32 v63, v3  }
0x1dc: {  	[tilespmem:$0x1FD60] =	vst v11;
	v4 =	vadd.f32 v2, v1;
	v36 =	vadd.f32 v36, v31;
	(erf) = vpow2.f32 v62;
	v31 =	vld [tilespmem:s30+$0x10280]  }
0x1dd: {  	[tilespmem:$0x1FD70] =	vst v27;
	v62 =	vadd.f32 v27, v11;
	v27 =	vadd.f32 v48, v29;
	v29 =	vld [tilespmem:s30+$0x10380];
	v2 =	vmul.f32 $1.442695020e+00, v60  }
0x1de: {  	[tilespmem:$0x1FDA0] =	vst v28;
	v0 =	vadd.f32 v58, v57;
	v63 =	vpop (erf);
	v11 =	vadd.f32 v10, v28;
	v28 =	vld [tilespmem:s30+$0x11000]  }
0x1df: {  	[tilespmem:$0x1FD50] =	vst v26;
	v48 =	vadd.f32 v54, v53;
	v16 =	vadd.f32 v63, v4;
	(erf) = vpow2.f32 v2  }
0x1e0: {  	[tilespmem:$0x1FDD0] =	vst v8;
	v4 =	vadd.f32 v56, v55;
	v8 =	vadd.f32 v32, v33  }
0x1e1: {  	[tilespmem:$0x1FD90] =	vst v24;
	v26 =	vadd.f32 v62, v61;
	v24 =	vadd.f32 v11, v6  }
0x1e2: {  	[tilespmem:$0x1FDB0] =	vst v10;
	v6 =	vadd.f32 v60, v59;
	v10 =	vadd.f32 v0, v4  }
0x1e3: {  	v11 =	vmul.f32 $1.442695020e+00, v33;
	v1 =	vadd.f32 v30, v31;
	v0 =	vadd.f32 v28, v29  }
0x1e4: {  	[tilespmem:$0x1FDC0] =	vst v9;
	v9 =	vadd.f32 v48, v23;
	v48 =	vmul.f32 $1.442695020e+00, v32;
	v4 =	vadd.f32 v34, v37  }
0x1e5: {  	v6 =	vadd.f32 v8, v6;
	(erf) = vpow2.f32 v11;
	v8 =	vadd.f32 v0, v1;
	v5 =	vpop (erf)  }
0x1e6: {  	v1 =	vmul.f32 $1.442695020e+00, v31;
	v16 =	vadd.f32 v5, v16;
	v5 =	vadd.f32 v36, v35  }
0x1e7: {  	v11 =	vmul.f32 $1.442695020e+00, v30;
	(erf) = vpow2.f32 v48;
	v48 =	vadd.f32 v39, v38  }
0x1e8: {  	v2 =	vld [tilespmem:s30+$0x11080];
	(erf) = vpow2.f32 v1;
	v0 =	vadd.f32 v8, v6;
	v23 =	vpop (erf);
	v62 =	vadd.f32 v5, v4  }
0x1e9: {  	(erf) = vpow2.f32 v11;
	v3 =	vadd.f32 v23, v16;
	v16 =	vld [tilespmem:s30+$0x9000];
	v23 =	vadd.f32 v42, v40  }
0x1ea: {  	v11 =	vmul.f32 $1.442695020e+00, v29;
	v4 =	vadd.f32 v24, v26;
	v5 =	vadd.f32 v10, v9  }
0x1eb: {  	[tilespmem:$0x1FD20] =	vst v43;
	v43 =	vadd.f32 v48, v23;
	v48 =	vadd.f32 v27, v25  }
0x1ec: {  	(erf) = vpow2.f32 v11  }
0x1ed: {  	v1 =	vadd.f32 v0, v5;
	v23 =	vmul.f32 $1.442695020e+00, v28;
	v63 =	vadd.f32 v4, v48  }
0x1ee: {  	[tilespmem:$0x1FCB0] =	vst v52;
	v11 =	vmul.f32 $1.442695020e+00, v2;
	v61 =	vadd.f32 v43, v41;
	v52 =	vadd.f32 v16, v16  }
0x1ef: {  	(erf) = vpow2.f32 v23;
	v48 =	vadd.f32 v62, v44;
	v62 =	vadd.f32 v63, v45  }
0x1f0: {  	(erf) = vpow2.f32 v11;
	v0 =	vmul.f32 $1.442695020e+00, v52  }
0x1f1: {  	v43 =	vadd.f32 v2, v14;
	v23 =	vmul.f32 $1.442695020e+00, v61;
	v2 =	vmul.f32 $1.442695020e+00, v62  }
0x1f2: {  	(erf) = vpow2.f32 v0;
	v0 =	vmul.f32 $1.442695020e+00, v48  }
0x1f3: {  	v63 =	vadd.f32 v1, v46;
	v1 =	vpop (erf);
	(erf) = vpow2.f32 v23  }
0x1f4: {  	v1 =	vadd.f32 v1, v3;
	(erf) = vpow2.f32 v0  }
0x1f5: {  	(erf) = vpow2.f32 v2;
	v2 =	vpop (erf)  }
0x1f6: {  	v1 =	vadd.f32 v2, v1;
	v2 =	vld [tilespmem:$0x1FBF0];
	_ =	sdelay $0x4  }
0x1f7: {  	v21 =	vadd.f32 v21, v20;
	v0 =	vmul.f32 $1.442695020e+00, v63;
	v20 =	vadd.f32 v15, v2;
	v2 =	vld [tilespmem:$0x1FC00];
	_ =	sdelay $0x1  }
0x1f8: {  	v3 =	vmul.f32 $1.442695020e+00, v43;
	_ =	sdelay $0x1  }
0x1f9: {  	(erf) = vpow2.f32 v0;
	v0 =	vpop (erf)  }
0x1fa: {  	v0 =	vadd.f32 v0, v1;
	v15 =	vadd.f32 v50, v2;
	v2 =	vld [tilespmem:$0x1FC10]  }
0x1fb: {  	(erf) = vpow2.f32 v3;
	v3 =	vpop (erf)  }
0x1fc: {  	v0 =	vadd.f32 v3, v0  }
0x1fd: {  	v1 =	vpop (erf)  }
0x1fe: {  	v1 =	vadd.f32 v1, v0;
	v0 =	vld [tilespmem:$0x1FC30]  }
0x1ff: {  	v18 =	vadd.f32 v18, v2;
	v2 =	vld [tilespmem:$0x1FC20];
	_ =	sdelay $0x3  }
0x200: {  	v22 =	vadd.f32 v12, v22;
	v12 =	vadd.f32 v49, v0;
	v0 =	vld [tilespmem:$0x1FC40]  }
0x201: {  	v16 =	vadd.f32 v47, v2;
	v47 =	vld [tilespmem:$0x1FC50];
	_ =	sdelay $0x3  }
0x202: {  	v19 =	vadd.f32 v13, v19;
	v13 =	vadd.f32 v51, v0;
	v51 =	vld [tilespmem:$0x1FC60]  }
0x203: {  	v11 =	vadd.f32 v17, v47;
	v17 =	vld [tilespmem:$0x1FC70];
	_ =	sdelay $0x1  }
0x204: {  	v4 =	vpop (erf)  }
0x205: {  	v1 =	vadd.f32 v4, v1  }
0x206: {  	v23 =	vadd.f32 v7, v14;
	v3 =	vpop (erf)  }
0x207: {  	v7 =	vadd.f32 v17, v51;
	v17 =	vadd.f32 v3, v1;
	v1 =	vld [tilespmem:$0x1FC80];
	_ =	sdelay $0x4  }
0x208: {  	v3 =	vadd.f32 v1, v41;
	v1 =	vld [tilespmem:$0x1FC90];
	_ =	sdelay $0x1  }
0x209: {  	v14 =	vpop (erf)  }
0x20a: {  	v2 =	vpop (erf)  }
0x20b: {  	v0 =	vpop (erf)  }
0x20c: {  	v49 =	vpop (erf);
	v47 =	vadd.f32 v1, v44;
	v1 =	vld [tilespmem:$0x1FCA0]  }
0x20d: {  	v2 =	vadd.f32 v14, v2;
	v0 =	vadd.f32 v49, v0;
	v50 =	vpop (erf)  }
0x20e: {  	v5 =	vpop (erf)  }
0x20f: {  	v0 =	vadd.f32 v2, v0;
	v2 =	vadd.f32 v50, v5;
	_ =	sdelay $0x1  }
0x210: {  	v0 =	vadd.f32 v2, v0;
	v2 =	vadd.f32 v1, v45;
	v1 =	vld [tilespmem:$0x1FCB0];
	_ =	sdelay $0x4  }
0x211: {  	v3 =	vadd.f32 v1, v3;
	v1 =	vld [tilespmem:$0x1FCC0];
	_ =	sdelay $0x4  }
0x212: {  	v4 =	vadd.f32 v1, v47;
	v1 =	vld [tilespmem:$0x1FCD0];
	_ =	sdelay $0x4  }
0x213: {  	v1 =	vadd.f32 v1, v2;
	v2 =	vadd.f32 v0, v17  }
0x214: {  	v6 =	vadd.f32 v6, v26;
	v9 =	vadd.f32 v9, v25  }
0x215: {  	v10 =	vadd.f32 v10, v27;
	v0 =	vadd.f32 v37, v40;
	v27 =	vand.u32 $0x7FFFFF, v2  }
0x216: {  	v25 =	vadd.f32 v34, v42;
	v49 =	vadd.f32 v35, v38;
	v26 =	vor.u32 $0x3F800000, v27  }
0x217: {  	v24 =	vadd.f32 v8, v24;
	v0 =	vadd.f32 v9, v0;
	v51 =	vmul.f32 $5.000000000e-01, v26  }
0x218: {  	v50 =	vadd.f32 v10, v25;
	v6 =	vadd.f32 v6, v49;
	vm0 =	vgt.f32 v26, $1.414213540e+00  }
0x219: {  	v25 =	vadd.f32 v36, v39;
	v8 =	vadd.f32 v0, v41;
	v10 =	vsel vm0, v51, v26  }
0x21a: {  	v0 =	vadd.f32 v50, v44;
	v26 =	vadd.f32 $1.000000000e+00, v10  }
0x21b: {  	v24 =	vadd.f32 v24, v25;
	v9 =	vadd.f32 v6, v45;
	v35 =	vmul.f32 $1.442695020e+00, v8  }
0x21c: {  	(erf) = vrcp.f32 v26;
	v26 =	vmul.f32 $1.442695020e+00, v0  }
0x21d: {  	v6 =	vadd.f32 v24, v46;
	v24 =	vmul.f32 $1.442695020e+00, v9;
	(erf) = vpow2.f32 v35  }
0x21e: {  	(erf) = vpow2.f32 v26  }
0x21f: {  	(erf) = vpow2.f32 v24;
	v24 =	vmul.f32 $1.442695020e+00, v6;
	_ =	sdelay $0x1  }
0x220: {  	(erf) = vpow2.f32 v24;
	v24 =	vld [tilespmem:$0x1FD60];
	_ =	sdelay $0x4  }
0x221: {  	v18 =	vadd.f32 v24, v18;
	v24 =	vld [tilespmem:$0x1FD70];
	_ =	sdelay $0x4  }
0x222: {  	v16 =	vadd.f32 v24, v16;
	v24 =	vld [tilespmem:$0x1FD80];
	_ =	sdelay $0x4  }
0x223: {  	v12 =	vadd.f32 v24, v12;
	v24 =	vld [tilespmem:$0x1FD90]  }
0x224: {  	v26 =	vld [tilespmem:$0x1FD10];
	_ =	sdelay $0x3  }
0x225: {  	v13 =	vadd.f32 v24, v13;
	v24 =	vld [tilespmem:$0x1FDA0]  }
0x226: {  	v21 =	vadd.f32 v26, v21;
	v26 =	vld [tilespmem:$0x1FD20];
	_ =	sdelay $0x3  }
0x227: {  	v11 =	vadd.f32 v24, v11;
	v24 =	vld [tilespmem:$0x1FDB0]  }
0x228: {  	v22 =	vadd.f32 v26, v22;
	v26 =	vld [tilespmem:$0x1FD30]  }
0x229: {  	v25 =	vld [tilespmem:$0x1FCE0];
	_ =	sdelay $0x1  }
0x22a: {  	v27 =	vld [tilespmem:$0x1FCF0]  }
0x22b: {  	v7 =	vadd.f32 v24, v7;
	v24 =	vld [tilespmem:$0x1FDC0]  }
0x22c: {  	v20 =	vadd.f32 v26, v20;
	v26 =	vld [tilespmem:$0x1FD40]  }
0x22d: {  	v25 =	vadd.f32 v25, v46;
	_ =	sdelay $0x1  }
0x22e: {  	v25 =	vadd.f32 v27, v25;
	v27 =	vld [tilespmem:$0x1FD00]  }
0x22f: {  	v3 =	vadd.f32 v24, v3;
	v24 =	vld [tilespmem:$0x1FDD0]  }
0x230: {  	v19 =	vadd.f32 v26, v19;
	v26 =	vld [tilespmem:$0x1FD50];
	_ =	sdelay $0x2  }
0x231: {  	v1 =	vadd.f32 v53, v1  }
0x232: {  	v23 =	vadd.f32 v27, v23;
	v4 =	vadd.f32 v24, v4;
	v24 =	vpop (erf)  }
0x233: {  	v25 =	vadd.f32 v54, v25;
	v15 =	vadd.f32 v26, v15;
	v26 =	vpop (erf)  }
0x234: {  	v23 =	vadd.f32 v55, v23;
	v21 =	vadd.f32 v56, v21;
	v27 =	vpop (erf)  }
0x235: {  	v18 =	vadd.f32 v33, v18;
	v22 =	vadd.f32 v57, v22;
	v36 =	vpop (erf)  }
0x236: {  	v26 =	vadd.f32 v14, v26;
	v27 =	vadd.f32 v36, v27  }
0x237: {  	v1 =	vadd.f32 v22, v1;
	v20 =	vadd.f32 v58, v20;
	v37 =	vpop (erf)  }
0x238: {  	v26 =	vadd.f32 v26, v27;
	v27 =	vadd.f32 v37, v5  }
0x239: {  	v16 =	vadd.f32 v32, v16;
	v40 =	vadd.f32 v20, v25  }
0x23a: {  	v12 =	vadd.f32 v31, v12;
	v26 =	vadd.f32 v27, v26  }
0x23b: {  	v19 =	vadd.f32 v59, v19;
	v13 =	vadd.f32 v30, v13  }
0x23c: {  	v15 =	vadd.f32 v60, v15;
	v26 =	vadd.f32 v26, v17  }
0x23d: {  	v12 =	vadd.f32 v12, v19;
	v11 =	vadd.f32 v29, v11  }
0x23e: {  	v13 =	vadd.f32 v13, v15;
	v3 =	vadd.f32 v23, v3;
	v38 =	vand.u32 $0x7FFFFF, v26  }
0x23f: {  	v11 =	vadd.f32 v11, v18;
	v4 =	vadd.f32 v21, v4;
	v15 =	vor.u32 $0x3F800000, v38  }
0x240: {  	v7 =	vadd.f32 v28, v7;
	v3 =	vadd.f32 v12, v3;
	v39 =	vmul.f32 $5.000000000e-01, v15  }
0x241: {  	v1 =	vadd.f32 v11, v1;
	v4 =	vadd.f32 v13, v4;
	vm1 =	vgt.f32 v15, $1.414213540e+00  }
0x242: {  	v7 =	vadd.f32 v7, v16;
	v3 =	vadd.f32 v3, v41;
	v12 =	vsel vm1, v39, v15  }
0x243: {  	v4 =	vadd.f32 v4, v44;
	v42 =	vadd.f32 $1.000000000e+00, v12  }
0x244: {  	v1 =	vadd.f32 v1, v45;
	v7 =	vadd.f32 v7, v40;
	v45 =	vmul.f32 $1.442695020e+00, v3  }
0x245: {  	v47 =	vmul.f32 $1.442695020e+00, v4;
	(erf) = vrcp.f32 v42  }
0x246: {  	v49 =	vmul.f32 $1.442695020e+00, v1;
	v7 =	vadd.f32 v7, v46;
	(erf) = vpow2.f32 v45  }
0x247: {  	(erf) = vpow2.f32 v47  }
0x248: {  	v50 =	vmul.f32 $1.442695020e+00, v7;
	(erf) = vpow2.f32 v49;
	_ =	sdelay $0x1  }
0x249: {  	(erf) = vpow2.f32 v50;
	_ =	sdelay $0x1  }
0x24a: {  	s6 =	sshrl.u32 s19, $0x2  }
0x24b: {  	s6 =	sor.u32 s18, s6  }
0x24c: {  	v51 =	vld [tilespmem:s6+$0x12080];
	v53 =	vpop (erf)  }
0x24d: {  	v54 =	vpop (erf)  }
0x24e: {  	v55 =	vpop (erf)  }
0x24f: {  	v2 =	vshra.s32 v2, $0x17;
	v56 =	vpop (erf)  }
0x250: {  	v2 =	vadd.s32 $0xFFFFFF81, v2;
	v14 =	vadd.f32 v14, v54;
	v58 =	vadd.f32 v56, v55  }
0x251: {  	v2 =	vcvt.s32.f32 v2;
	v57 =	vadd.s32 $0xFFFFFFFF, v51;
	v28 =	vpop (erf)  }
0x252: {  	v59 =	vshra.s32 v57, $0x4;
	v5 =	vadd.f32 v28, v5;
	v14 =	vadd.f32 v58, v14  }
0x253: {  	v10 =	vadd.f32 $-1.000000000e+00, v10;
	vm2 =	veq.s32 v51, $0x0;
	vm11 =	veq.s32 v59, $0x0  }
0x254: {  	vm4 =	veq.s32 v51, $0x41;
	v32 =	vnsel vm11, $0x0, v61;
	v5 =	vadd.f32 v5, v14  }
0x255: {  	v19 =	vand.u32 $0x3, v57;
	v60 =	vshrl.u32 v57, $0x2;
	v29 =	vadd.s32 $0x1, v59  }
0x256: {  	v30 =	vand.u32 $0x3, v60;
	vm3 =	veq.s32 v29, $0x0;
	v5 =	vadd.f32 v5, v17  }
0x257: {  	vm12 =	veq.s32 v29, $0x2;
	vm13 =	veq.s32 v29, $0x3;
	vm14 =	veq.s32 v29, $0x4  }
0x258: {  	vm15 =	veq.s32 v29, $0x5;
	v31 =	vnsel vm3, $0x0, v52;
	v36 =	vand.u32 $0x7FFFFF, v5  }
0x259: {  	v33 =	vnsel vm12, $0x0, v48;
	v34 =	vnsel vm13, $0x0, v62;
	v20 =	vor.u32 $0x3F800000, v36  }
0x25a: {  	v10 =	vmul.f32 v24, v10;
	v24 =	vimm.f32 $0.0e+00;
	v37 =	vmul.f32 $5.000000000e-01, v20  }
0x25b: {  	v35 =	vnsel vm14, $0x0, v63;
	v41 =	vsel vm0, $0x3F800000, v24;
	vm3 =	vgt.f32 v20, $1.414213540e+00  }
0x25c: {  	v11 =	vadd.f32 v31, v32;
	v2 =	vadd.f32 v2, v41;
	v16 =	vsel vm3, v37, v20  }
0x25d: {  	v21 =	vnsel vm15, $0x0, v43;
	v15 =	vadd.s32 $0x1, v30;
	v40 =	vadd.f32 $1.000000000e+00, v16  }
0x25e: {  	v2 =	vmul.f32 $6.931471820e-01, v2;
	v51 =	vshra.s32 v26, $0x17;
	v15 =	vsel vm4, $0x5, v15  }
0x25f: {  	v38 =	vmul.f32 v10, v10;
	v15 =	vsel vm2, $0x0, v15;
	(erf) = vrcp.f32 v40  }
0x260: {  	v46 =	vsel vm1, $0x3F800000, v24;
	v12 =	vadd.f32 $-1.000000000e+00, v12;
	vm6 =	veq.s32 v15, $0x1  }
0x261: {  	vm7 =	veq.s32 v15, $0x2;
	vm8 =	veq.s32 v15, $0x3;
	vm9 =	veq.s32 v15, $0x4  }
0x262: {  	vm10 =	veq.s32 v15, $0x5;
	v0 =	vnsel vm7, $0x0, v0;
	v9 =	vnsel vm8, $0x0, v9  }
0x263: {  	v8 =	vnsel vm6, $0x0, v8;
	v0 =	vadd.f32 v9, v0;
	v50 =	vnsel vm2, $0x0, v52  }
0x264: {  	v52 =	vadd.s32 $0xFFFFFF81, v51;
	v8 =	vadd.f32 v50, v8;
	v12 =	vmul.f32 v53, v12  }
0x265: {  	v6 =	vnsel vm9, $0x0, v6;
	v15 =	vnsel vm10, $0x0, v43;
	v9 =	vcvt.s32.f32 v52  }
0x266: {  	v6 =	vadd.f32 v6, v15;
	v0 =	vadd.f32 v8, v0;
	v44 =	vmul.f32 v12, v12  }
0x267: {  	v39 =	vmul.f32 $2.857142980e-01, v38;
	v9 =	vadd.f32 v9, v46;
	v16 =	vadd.f32 $-1.000000000e+00, v16  }
0x268: {  	v0 =	vadd.f32 v6, v0;
	v56 =	vadd.s32 $0x1, v19;
	v45 =	vmul.f32 $2.857142980e-01, v44;
	v49 =	vpop (erf)  }
0x269: {  	v57 =	vsel vm4, $0x5, v56;
	v20 =	vadd.f32 $4.000000060e-01, v39;
	v16 =	vmul.f32 v49, v16  }
0x26a: {  	v9 =	vmul.f32 $6.931471820e-01, v9;
	v6 =	vsel vm2, $0x0, v57;
	v47 =	vadd.f32 $4.000000060e-01, v45  }
0x26b: {  	vm11 =	veq.s32 v6, $0x1;
	v42 =	vmul.f32 v20, v38;
	v53 =	vmul.f32 v16, v16  }
0x26c: {  	vm12 =	veq.s32 v6, $0x2;
	vm13 =	veq.s32 v6, $0x3;
	v14 =	vadd.f32 v34, v33  }
0x26d: {  	vm14 =	veq.s32 v6, $0x4;
	v13 =	vadd.f32 $6.666666270e-01, v42;
	v55 =	vmul.f32 $2.857142980e-01, v53  }
0x26e: {  	v48 =	vmul.f32 v47, v44;
	v17 =	vadd.f32 v35, v21;
	v11 =	vadd.f32 v11, v14  }
0x26f: {  	vm15 =	veq.s32 v6, $0x5;
	v13 =	vmul.f32 v13, v38;
	v8 =	vadd.f32 $4.000000060e-01, v55  }
0x270: {  	v3 =	vnsel vm11, $0x0, v3;
	v11 =	vadd.f32 v17, v11;
	v17 =	vadd.f32 $6.666666270e-01, v48  }
0x271: {  	v5 =	vshra.s32 v5, $0x17;
	v13 =	vadd.f32 $2.000000000e+00, v13;
	v8 =	vmul.f32 v8, v53  }
0x272: {  	v4 =	vnsel vm12, $0x0, v4;
	v1 =	vnsel vm13, $0x0, v1;
	v5 =	vadd.s32 $0xFFFFFF81, v5  }
0x273: {  	v54 =	vmul.f32 v17, v44;
	v10 =	vmul.f32 v13, v10;
	v8 =	vadd.f32 $6.666666270e-01, v8  }
0x274: {  	v7 =	vnsel vm14, $0x0, v7;
	v60 =	vnsel vm15, $0x0, v43;
	v5 =	vcvt.s32.f32 v5  }
0x275: {  	v2 =	vadd.f32 v10, v2;
	v10 =	vadd.f32 $2.000000000e+00, v54;
	v58 =	vmul.f32 v8, v53  }
0x276: {  	v3 =	vadd.f32 v50, v3;
	v1 =	vadd.f32 v1, v4;
	v59 =	vsel vm3, $0x3F800000, v24  }
0x277: {  	v4 =	vadd.f32 v5, v59;
	v10 =	vmul.f32 v10, v12;
	v61 =	vadd.f32 $2.000000000e+00, v58  }
0x278: {  	v7 =	vadd.f32 v7, v60;
	v1 =	vadd.f32 v1, v3  }
0x279: {  	v3 =	vmul.f32 $6.931471820e-01, v4;
	v62 =	vadd.f32 v10, v9;
	v63 =	vmul.f32 v61, v16  }
0x27a: {  	v1 =	vadd.f32 v7, v1;
	v2 =	vsub.f32 v2, v11  }
0x27b: {  	v0 =	vsub.f32 v62, v0;
	v3 =	vadd.f32 v63, v3;
	_ =	sdelay $0x1  }
0x27c: {  	v0 =	vadd.f32 v0, v2;
	v1 =	vsub.f32 v3, v1;
	_ =	sdelay $0x1  }
0x27d: {  	v0 =	vadd.f32 v0, v1;
	v1 =	vld [tilespmem:$0x1FDE0];
	_ =	sdelay $0x4  }
0x27e: {  	v1 =	vadd.f32 v0, v1;
	_ =	sdelay $0x1  }
0x27f: {  	[tilespmem:$0x1FDE0] =	vst v1  }
0x280: {  	p0 =	sne.s32 s17, $0xF80;
	v0 =	vld [tilespmem:$0x1FDE0]  }
.Ltmp1:
0x281: {  	_ = 	snop;
	(pc) =	sbr.rel @p0 .LBB2_5-.Ltmp1, $2  }
0x282: {  	_ =	sdelay $0x2  }
0x283: {  	s16 =	sadd.s32 $0x10, s16;
	s17 =	sadd.s32 $0x80, s17;
	[tilespmem:$0x12400] =	vst v0  }
0x284: {  	s1 =	sadd.s32 $0x1, s1  }
0x285: {  	p0 =	sne.s32 s1, $0x8  }
.Ltmp2:
0x286: {  	_ = 	snop;
	(pc) =	sbr.rel @p0 .LBB2_2-.Ltmp2, $1  }
0x287: {  	_ =	sdelay $0x3  }
0x288: {  	s0 =	sadd.s32 $0x1, s0  }
0x289: {  	p0 =	sne.s32 s0, s10  }
.Ltmp3:
0x28a: {  	s1 =	simm.s32 $0x12400;
	(pc) =	sbr.rel @p0 .LBB2_1-.Ltmp3, $4  }
0x28b: {  	[hbm4b:s9+s3] =	stream.linear.scatter [tilespmem:s1], [sflag:$0x5], $0x80, $0x38;
	[tilespmem:$0x12480] =	vst v63  }
0x28c: {  	_ =	swait.ge [sflag:s31], $0x80  }
0x28d: {  	[sflag:s31] =	ssyncset.done $0x0  }
0x28e: {  	[sflag:s31] =	ssyncadd.s32 $0xFFFFFF80  }
0x28f: {  	_ =	sfence.sel $0x180000  }
0x290: {  	[bflag:$0x0] =	sbarrier.arrive $0xFFFF  }
0x291: {  	_ =	strace $0x90000047  }
0x292: {  	s0 =	stileid.u32;
	[bflag:$0x2] =	sbarrier.arrive $0xFFFF  }
0x293: {  	p0 =	sne.s32 s0, $0x0;
	s0 =	rddreg [dreg:$0x2]  }
0x294: {  	s0 =	sadd.s32 @!p0 $0x100000, s0  }
0x295: {  	[sflag:s0] =	ssyncadd.tile.s32 @!p0 $0x1;
	_ =	shalt  }
.Lfunc_end2:
_tile_overlayer_lowered:
.L_overlay_start_2:
0x296: {  	(tag) =	ssettag $0x2  }
0x297: {  	s0 =	rddreg [dreg:$0x0];
	s2 =	stileid.u32  }
0x298: {  	s1 =	rddreg [dreg:$0x1];
	p0 =	sne.s32 s2, $0x0  }
0x299: {  	s3 =	rddreg [dreg:$0x2];
	[bflag:$0x3] =	sbarrier.arrive $0xFFFF;
	s2 =	simm.s32 @!p0 $0x1C05  }
0x29a: {  	[timem:s3], [sflag:s2] =	dma.local @!p0 [hbm:s0], s1  }
0x29b: {  	s0 =	simm.s32 @!p0 $0x5  }
0x29c: {  	_ =	swait.ge @!p0 [sflag:s0], s1  }
0x29d: {  	s1 =	ssub.s32 @!p0 $0x0, s1;
	[sflag:s0] =	ssyncset.done @!p0 $0x0  }
0x29e: {  	[sflag:s0] =	ssyncadd.s32 @!p0 s1  }
0x29f: {  	[bflag:$0x3] =	sbarrier.arrive $0xFFFF  }
0x2a0: {  	_ =	shalt  }

</sc_bundles>
